<compile_context>
chip_gen: v7x
topology: tpu7x:2x2x1
jax: 0.10.2.dev20260603
libtpu: 0.0.44.dev20260713+nightly
codegen_flags: <defaults>
</compile_context>

<pallas_src>
import functools

import jax
import jax.numpy as jnp
from jax.experimental import pallas as pl
from jax.experimental.pallas import tpu as pltpu
from jax.experimental.pallas import tpu_sc as plsc

_N_KNOTS = 16
_N_SEG = _N_KNOTS + 1
_SC_ROWS = 16




def _tc_body(ys_ref, x_ref, o_ref):
    pid = pl.program_id(0)
    t = x_ref[0] * jnp.float32(_N_SEG)
    acc = None
    prev_d = jnp.float32(0.0)
    for i in range(_N_SEG):
        d = ys_ref[pid, i + 1] - ys_ref[pid, i]
        e = d - prev_d
        prev_d = d
        term = e * jnp.maximum(t - jnp.float32(i), jnp.float32(0.0))
        acc = term if acc is None else acc + term
    o_ref[0] = acc


def _tc_spline(ys, x):
    P, H, W = x.shape
    return pl.pallas_call(
        _tc_body,
        grid=(P,),
        in_specs=[
            pl.BlockSpec(memory_space=pltpu.SMEM),
            pl.BlockSpec((1, H, W), lambda i: (i, 0, 0)),
        ],
        out_specs=pl.BlockSpec((1, H, W), lambda i: (i, 0, 0)),
        out_shape=jax.ShapeDtypeStruct((P, H, W), x.dtype),
        compiler_params=pltpu.CompilerParams(
            dimension_semantics=("arbitrary",),
        ),
    )(ys, x)




_SC_ROWS = 32
_SC_TAB = _N_SEG * 16


def _sc_spline(c_t, d_t, x):
    P, H, W = x.shape
    n_chunks = H // _SC_ROWS
    mesh = plsc.VectorSubcoreMesh(core_axis_name="c", subcore_axis_name="s")

    @functools.partial(
        pl.kernel,
        out_type=jax.ShapeDtypeStruct((P, H, W), jnp.float32),
        mesh=mesh,
        compiler_params=pltpu.CompilerParams(
            needs_layout_passes=False,
            use_tc_tiling_on_sc=True,
        ),
    )
    def k(c_hbm, d_hbm, x_hbm, o_hbm):
        def body(c_v, d_v, x_v, o_v):
            lane = jax.lax.iota(jnp.int32, 16)

            @pl.loop(0, _SC_ROWS)
            def _row(r):
                @plsc.parallel_loop(0, W, step=16, unroll=32)
                def _col(col):
                    xv = x_v[0, r, pl.ds(col, 16)]
                    t = xv * jnp.float32(_N_SEG)
                    j16 = t.astype(jnp.int32) * 16 + lane
                    cv = plsc.load_gather(c_v.at[0], [j16])
                    dv = plsc.load_gather(d_v.at[0], [j16])
                    o_v[0, r, pl.ds(col, 16)] = cv + dv * t

        pltpu.emit_pipeline(
            body,
            grid=(P * n_chunks,),
            in_specs=[
                pl.BlockSpec((1, _SC_TAB), lambda g: (g // n_chunks, 0)),
                pl.BlockSpec((1, _SC_TAB), lambda g: (g // n_chunks, 0)),
                pl.BlockSpec(
                    (1, _SC_ROWS, W),
                    lambda g: (g // n_chunks, g % n_chunks, 0),
                ),
            ],
            out_specs=[
                pl.BlockSpec(
                    (1, _SC_ROWS, W),
                    lambda g: (g // n_chunks, g % n_chunks, 0),
                ),
            ],
            core_axis_name=("c", "s"),
            dimension_semantics=(pltpu.PARALLEL,),
        )(c_hbm, d_hbm, x_hbm, o_hbm)

    return k(c_t, d_t, x)



_TC_PLANES = 0


def kernel(raw, params):
    B, C, H, W = raw.shape
    P = B * C
    x = raw.reshape(P, H, W)
    ys_mid = params.reshape(P, _N_KNOTS)
    ys = jnp.concatenate(
        [
            jnp.zeros((P, 1), jnp.float32),
            ys_mid,
            jnp.ones((P, 1), jnp.float32),
        ],
        axis=1,
    )

    sc_out = None
    if _TC_PLANES < P:
        ys_sc = ys[_TC_PLANES:]
        d = ys_sc[:, 1:] - ys_sc[:, :-1]
        cc = ys_sc[:, :-1] - d * jnp.arange(_N_SEG, dtype=jnp.float32)
        c_rep = jnp.repeat(cc, 16, axis=1)
        d_rep = jnp.repeat(d, 16, axis=1)
        sc_out = _sc_spline(c_rep, d_rep, x[_TC_PLANES:])
    parts = []
    if _TC_PLANES:
        parts.append(_tc_spline(ys[:_TC_PLANES], x[:_TC_PLANES]))
    if sc_out is not None:
        parts.append(sc_out)
    out = parts[0] if len(parts) == 1 else jnp.concatenate(parts, axis=0)
    return out.reshape(B, C, H, W)

# --- scband reference (transcript-rebuilt; emitter-appended) ---
"""Pipeline reference for scband-simplest-spline-69724499083956 (READ-ONLY COPY).

The authoritative reference and input builder live on the scoring server;
editing this copy changes nothing except your own understanding.
"""

import jax, jax.numpy as jnp
import numpy as np

N_KNOTS = 16
N_AXIS = 3

def setup_inputs(seed: int = 0) -> dict:
    key = jax.random.key(seed)
    k1, k2 = jax.random.split(key)
    raw = jax.random.uniform(k1, (16, 3, 512, 512), dtype=jnp.float32)
    params = jax.random.uniform(k2, (16, N_AXIS * N_KNOTS), dtype=jnp.float32)
    return {"raw": raw, "params": params}

def _apply_to_one_channel(raw_c, ys_c, xsmin=0.0, xsmax=1.0):
    # raw_c: [B, H, W]; ys_c: [B, n_knots]
    B = ys_c.shape[0]
    ys = jnp.concatenate([
        jnp.full((B, 1), xsmin, dtype=ys_c.dtype),
        ys_c,
        jnp.full((B, 1), xsmax, dtype=ys_c.dtype),
    ], axis=1)  # [B, n_knots+2]
    xs = jnp.linspace(xsmin, xsmax, N_KNOTS + 2, dtype=raw_c.dtype)  # [n_knots+2]
    slopes = jnp.diff(ys, axis=1) / (xs[1] - xs[0])  # [B, n_knots+1]
    out = jnp.full_like(raw_c, 99.0)
    for i in range(1, N_KNOTS + 2):
        locations = (xs[i - 1] <= raw_c) & (raw_c <= xs[i])
        height_to_go = (xs[i] - raw_c) * slopes[:, i - 1, None, None]
        res = ys[:, i, None, None] - height_to_go
        out = jnp.where(locations, res, out)
    return out

def reference(raw, params):
    # params tensor -> get_params: reshape to [B, n_axis, n_knots]
    B = params.shape[0]
    ys = params.reshape(B, N_AXIS, N_KNOTS)
    # enhance_RGB (A is None): apply per-channel spline
    chans = [_apply_to_one_channel(raw[:, c], ys[:, c]) for c in range(N_AXIS)]
    return jnp.stack(chans, axis=1)

if __name__ == "__main__":
    import jax
    _d = setup_inputs()
    print(jax.jit(kernel)(*tuple(_d.values())))

</pallas_src>

<mosaic_0001>
#map = affine_map<(d0, d1) -> (0, 0)>
#map1 = affine_map<(d0, d1) -> (0, 0, 0)>
module attributes {stable_mosaic.version = 14 : i64} {
  func.func @k(%arg0: i32, %arg1: i32, %arg2: memref<48x272xf32, #tpu.memory_space<hbm>>, %arg3: memref<48x272xf32, #tpu.memory_space<hbm>>, %arg4: memref<48x512x512xf32, #tpu.memory_space<hbm>>, %arg5: memref<48x512x512xf32, #tpu.memory_space<hbm>>) attributes {dimension_semantics = [#tpu.dimension_semantics<core_parallel>, #tpu.dimension_semantics<subcore_parallel>], iteration_bounds = array<i64: 2, 16>, scalar_prefetch = 0 : i64, scratch_operands = 0 : i64, tpu.core_type = #tpu.core_type<sc_vector_subcore>, window_params = [{transform_indices = #map}, {transform_indices = #map}, {transform_indices = #map1}, {transform_indices = #map1}]} {
    %mul3A = arith.constant 1 : i32
    %mul3A_0 = arith.muli %arg1, %mul3A : i32
    %add3A = arith.constant 0 : i32
    %add3A_1 = arith.addi %add3A, %mul3A_0 : i32
    %mul3A_2 = arith.constant 16 : i32
    %mul3A_3 = arith.muli %arg0, %mul3A_2 : i32
    %add3A_4 = arith.addi %add3A_1, %mul3A_3 : i32
    %mul3A_5 = arith.constant 24 : i32
    %mul3A_6 = arith.muli %add3A_4, %mul3A_5 : i32
    "tpu.region"() ({
      %run_scoped3A = memref.alloca() : memref<2x1x272xf32, #tpu.memory_space<vmem>>
      %run_scoped3A_7 = tpu.sem_alloc : memref<2x!tpu.dma_semaphore, #tpu.memory_space<semaphore_mem>>
      %run_scoped3A_8 = memref.alloca() : memref<2x1x272xf32, #tpu.memory_space<vmem>>
      %run_scoped3A_9 = tpu.sem_alloc : memref<2x!tpu.dma_semaphore, #tpu.memory_space<semaphore_mem>>
      %run_scoped3A_10 = memref.alloca() : memref<2x1x32x512xf32, #tpu.memory_space<vmem>>
      %run_scoped3A_11 = tpu.sem_alloc : memref<2x!tpu.dma_semaphore, #tpu.memory_space<semaphore_mem>>
      %run_scoped3A_12 = memref.alloca() : memref<2x1x32x512xf32, #tpu.memory_space<vmem>>
      %run_scoped3A_13 = tpu.sem_alloc : memref<2x!tpu.dma_semaphore, #tpu.memory_space<semaphore_mem>>
      %add3A_14 = arith.constant 0 : i32
      %add3A_15 = arith.addi %add3A_14, %mul3A_6 : i32
      %select_n3A = arith.constant true
      %select_n3A_16 = arith.constant 0 : i32
      %select_n3A_17 = arith.constant -1 : i32
      %select_n3A_18 = arith.select %select_n3A, %select_n3A_17, %select_n3A_16 : i32
      %eq3A = arith.constant -1 : i32
      %eq3A_19 = arith.cmpi eq, %select_n3A_18, %eq3A : i32
      %select_n3A_20 = arith.constant 23 : i32
      %select_n3A_21 = arith.select %eq3A_19, %select_n3A_20, %select_n3A_18 : i32
      %add3A_22 = arith.addi %select_n3A_21, %mul3A_6 : i32
      %select_n3A_23 = arith.constant true
      %select_n3A_24 = arith.constant 0 : i32
      %select_n3A_25 = arith.constant 1 : i32
      %select_n3A_26 = arith.select %select_n3A_23, %select_n3A_25, %select_n3A_24 : i32
      %eq3A_27 = arith.constant 24 : i32
      %eq3A_28 = arith.cmpi eq, %select_n3A_26, %eq3A_27 : i32
      %select_n3A_29 = arith.constant 0 : i32
      %select_n3A_30 = arith.select %eq3A_28, %select_n3A_29, %select_n3A_26 : i32
      %add3A_31 = arith.addi %select_n3A_30, %mul3A_6 : i32
      %add3A_32 = arith.constant 1 : i32
      %add3A_33 = arith.addi %select_n3A_30, %add3A_32 : i32
      %select_n3A_34 = arith.constant true
      %select_n3A_35 = arith.select %select_n3A_34, %add3A_33, %select_n3A_30 : i32
      %eq3A_36 = arith.constant 24 : i32
      %eq3A_37 = arith.cmpi eq, %select_n3A_35, %eq3A_36 : i32
      %select_n3A_38 = arith.constant 0 : i32
      %select_n3A_39 = arith.select %eq3A_37, %select_n3A_38, %select_n3A_35 : i32
      %add3A_40 = arith.addi %select_n3A_39, %mul3A_6 : i32
      "tpu.trace_start"() <{level = 10 : i32, message = "ep_initialize_0"}> : () -> ()
      %rem3A = arith.constant 0 : i32
      %rem3A_41 = arith.constant 2 : i32
      %rem3A_42 = arith.remui %rem3A, %rem3A_41 : i32
      %jit3A = arith.constant 16 : i32
      %div3A = arith.divsi %add3A_15, %jit3A : i32
      %sign3A = arith.constant 0 : i32
      %sign3A_43 = arith.cmpi sgt, %add3A_15, %sign3A : i32
      %sign3A_44 = arith.extui %sign3A_43 : i1 to i32
      %sign3A_45 = arith.constant 0 : i32
      %sign3A_46 = arith.cmpi slt, %add3A_15, %sign3A_45 : i32
      %sign3A_47 = arith.extui %sign3A_46 : i1 to i32
      %sign3A_48 = arith.subi %sign3A_44, %sign3A_47 : i32
      %sign3A_49 = arith.constant 0 : i32
      %sign3A_50 = arith.cmpi sgt, %jit3A, %sign3A_49 : i32
      %sign3A_51 = arith.extui %sign3A_50 : i1 to i32
      %sign3A_52 = arith.constant 0 : i32
      %sign3A_53 = arith.cmpi slt, %jit3A, %sign3A_52 : i32
      %sign3A_54 = arith.extui %sign3A_53 : i1 to i32
      %sign3A_55 = arith.subi %sign3A_51, %sign3A_54 : i32
      %ne3A = arith.cmpi ne, %sign3A_48, %sign3A_55 : i32
      %rem3A_56 = arith.remsi %add3A_15, %jit3A : i32
      %ne3A_57 = arith.constant 0 : i32
      %ne3A_58 = arith.cmpi ne, %rem3A_56, %ne3A_57 : i32
      %and3A = arith.andi %ne3A, %ne3A_58 : i1
      %sub3A = arith.constant 1 : i32
      %sub3A_59 = arith.subi %div3A, %sub3A : i32
      %select_n3A_60 = arith.select %and3A, %sub3A_59, %div3A : i32
      %mul3A_61 = arith.constant 1 : i32
      %mul3A_62 = arith.muli %mul3A_61, %select_n3A_60 : i32
      %dma_start3A = arith.constant 0 : i32
      %dma_start3A_63 = arith.constant 0 : i32
      %dma_start3A_64 = tpu.memref_slice %run_scoped3A[%rem3A_42, %dma_start3A, %dma_start3A_63] : memref<2x1x272xf32, #tpu.memory_space<vmem>> -> memref<1x1x272xf32, #tpu.memory_space<vmem>>
      %dma_start3A_65 = tpu.memref_squeeze %dma_start3A_64 : memref<1x1x272xf32, #tpu.memory_space<vmem>> -> memref<1x272xf32, #tpu.memory_space<vmem>>
      %dma_start3A_66 = arith.constant 0 : i32
      %dma_start3A_67 = tpu.memref_slice %arg2[%mul3A_62, %dma_start3A_66] : memref<48x272xf32, #tpu.memory_space<hbm>> -> memref<1x272xf32, #tpu.memory_space<hbm>>
      %dma_start3A_68 = tpu.memref_slice %run_scoped3A_7[%rem3A_42] : memref<2x!tpu.dma_semaphore, #tpu.memory_space<semaphore_mem>> -> memref<1x!tpu.dma_semaphore, #tpu.memory_space<semaphore_mem>>
      %dma_start3A_69 = tpu.memref_squeeze %dma_start3A_68 : memref<1x!tpu.dma_semaphore, #tpu.memory_space<semaphore_mem>> -> memref<!tpu.dma_semaphore, #tpu.memory_space<semaphore_mem>>
      %dma_start3A_70 = arith.constant 0 : i32
      %dma_start3A_71 = arith.constant 0 : i32
      %dma_start3A_72 = tpu.memref_slice %run_scoped3A[%rem3A_42, %dma_start3A_70, %dma_start3A_71] : memref<2x1x272xf32, #tpu.memory_space<vmem>> -> memref<1x1x272xf32, #tpu.memory_space<vmem>>
      %dma_start3A_73 = tpu.memref_squeeze %dma_start3A_72 : memref<1x1x272xf32, #tpu.memory_space<vmem>> -> memref<1x272xf32, #tpu.memory_space<vmem>>
      %dma_start3A_74 = arith.constant 0 : i32
      %dma_start3A_75 = tpu.memref_slice %arg2[%mul3A_62, %dma_start3A_74] : memref<48x272xf32, #tpu.memory_space<hbm>> -> memref<1x272xf32, #tpu.memory_space<hbm>>
      tpu.enqueue_dma source(%dma_start3A_75 : memref<1x272xf32, #tpu.memory_space<hbm>>) target(%dma_start3A_73 : memref<1x272xf32, #tpu.memory_space<vmem>>) target_semaphore(%dma_start3A_69 : memref<!tpu.dma_semaphore, #tpu.memory_space<semaphore_mem>>)
      %add3A_76 = arith.constant 0 : i32
      %add3A_77 = arith.constant 1 : i32
      %add3A_78 = arith.addi %add3A_76, %add3A_77 : i32
      %select_n3A_79 = arith.constant true
      %select_n3A_80 = arith.constant 0 : i32
      %select_n3A_81 = arith.select %select_n3A_79, %add3A_78, %select_n3A_80 : i32
      %rem3A_82 = arith.constant 0 : i32
      %rem3A_83 = arith.constant 2 : i32
      %rem3A_84 = arith.remui %rem3A_82, %rem3A_83 : i32
      %jit3A_85 = arith.constant 16 : i32
      %div3A_86 = arith.divsi %add3A_15, %jit3A_85 : i32
      %sign3A_87 = arith.constant 0 : i32
      %sign3A_88 = arith.cmpi sgt, %add3A_15, %sign3A_87 : i32
      %sign3A_89 = arith.extui %sign3A_88 : i1 to i32
      %sign3A_90 = arith.constant 0 : i32
      %sign3A_91 = arith.cmpi slt, %add3A_15, %sign3A_90 : i32
      %sign3A_92 = arith.extui %sign3A_91 : i1 to i32
      %sign3A_93 = arith.subi %sign3A_89, %sign3A_92 : i32
      %sign3A_94 = arith.constant 0 : i32
      %sign3A_95 = arith.cmpi sgt, %jit3A_85, %sign3A_94 : i32
      %sign3A_96 = arith.extui %sign3A_95 : i1 to i32
      %sign3A_97 = arith.constant 0 : i32
      %sign3A_98 = arith.cmpi slt, %jit3A_85, %sign3A_97 : i32
      %sign3A_99 = arith.extui %sign3A_98 : i1 to i32
      %sign3A_100 = arith.subi %sign3A_96, %sign3A_99 : i32
      %ne3A_101 = arith.cmpi ne, %sign3A_93, %sign3A_100 : i32
      %rem3A_102 = arith.remsi %add3A_15, %jit3A_85 : i32
      %ne3A_103 = arith.constant 0 : i32
      %ne3A_104 = arith.cmpi ne, %rem3A_102, %ne3A_103 : i32
      %and3A_105 = arith.andi %ne3A_101, %ne3A_104 : i1
      %sub3A_106 = arith.constant 1 : i32
      %sub3A_107 = arith.subi %div3A_86, %sub3A_106 : i32
      %select_n3A_108 = arith.select %and3A_105, %sub3A_107, %div3A_86 : i32
      %mul3A_109 = arith.constant 1 : i32
      %mul3A_110 = arith.muli %mul3A_109, %select_n3A_108 : i32
      %dma_start3A_111 = arith.constant 0 : i32
      %dma_start3A_112 = arith.constant 0 : i32
      %dma_start3A_113 = tpu.memref_slice %run_scoped3A_8[%rem3A_84, %dma_start3A_111, %dma_start3A_112] : memref<2x1x272xf32, #tpu.memory_space<vmem>> -> memref<1x1x272xf32, #tpu.memory_space<vmem>>
      %dma_start3A_114 = tpu.memref_squeeze %dma_start3A_113 : memref<1x1x272xf32, #tpu.memory_space<vmem>> -> memref<1x272xf32, #tpu.memory_space<vmem>>
      %dma_start3A_115 = arith.constant 0 : i32
      %dma_start3A_116 = tpu.memref_slice %arg3[%mul3A_110, %dma_start3A_115] : memref<48x272xf32, #tpu.memory_space<hbm>> -> memref<1x272xf32, #tpu.memory_space<hbm>>
      %dma_start3A_117 = tpu.memref_slice %run_scoped3A_9[%rem3A_84] : memref<2x!tpu.dma_semaphore, #tpu.memory_space<semaphore_mem>> -> memref<1x!tpu.dma_semaphore, #tpu.memory_space<semaphore_mem>>
      %dma_start3A_118 = tpu.memref_squeeze %dma_start3A_117 : memref<1x!tpu.dma_semaphore, #tpu.memory_space<semaphore_mem>> -> memref<!tpu.dma_semaphore, #tpu.memory_space<semaphore_mem>>
      %dma_start3A_119 = arith.constant 0 : i32
      %dma_start3A_120 = arith.constant 0 : i32
      %dma_start3A_121 = tpu.memref_slice %run_scoped3A_8[%rem3A_84, %dma_start3A_119, %dma_start3A_120] : memref<2x1x272xf32, #tpu.memory_space<vmem>> -> memref<1x1x272xf32, #tpu.memory_space<vmem>>
      %dma_start3A_122 = tpu.memref_squeeze %dma_start3A_121 : memref<1x1x272xf32, #tpu.memory_space<vmem>> -> memref<1x272xf32, #tpu.memory_space<vmem>>
      %dma_start3A_123 = arith.constant 0 : i32
      %dma_start3A_124 = tpu.memref_slice %arg3[%mul3A_110, %dma_start3A_123] : memref<48x272xf32, #tpu.memory_space<hbm>> -> memref<1x272xf32, #tpu.memory_space<hbm>>
      tpu.enqueue_dma source(%dma_start3A_124 : memref<1x272xf32, #tpu.memory_space<hbm>>) target(%dma_start3A_122 : memref<1x272xf32, #tpu.memory_space<vmem>>) target_semaphore(%dma_start3A_118 : memref<!tpu.dma_semaphore, #tpu.memory_space<semaphore_mem>>)
      %add3A_125 = arith.constant 0 : i32
      %add3A_126 = arith.constant 1 : i32
      %add3A_127 = arith.addi %add3A_125, %add3A_126 : i32
      %select_n3A_128 = arith.constant true
      %select_n3A_129 = arith.constant 0 : i32
      %select_n3A_130 = arith.select %select_n3A_128, %add3A_127, %select_n3A_129 : i32
      %rem3A_131 = arith.constant 0 : i32
      %rem3A_132 = arith.constant 2 : i32
      %rem3A_133 = arith.remui %rem3A_131, %rem3A_132 : i32
      %jit3A_134 = arith.constant 16 : i32
      %div3A_135 = arith.divsi %add3A_15, %jit3A_134 : i32
      %sign3A_136 = arith.constant 0 : i32
      %sign3A_137 = arith.cmpi sgt, %add3A_15, %sign3A_136 : i32
      %sign3A_138 = arith.extui %sign3A_137 : i1 to i32
      %sign3A_139 = arith.constant 0 : i32
      %sign3A_140 = arith.cmpi slt, %add3A_15, %sign3A_139 : i32
      %sign3A_141 = arith.extui %sign3A_140 : i1 to i32
      %sign3A_142 = arith.subi %sign3A_138, %sign3A_141 : i32
      %sign3A_143 = arith.constant 0 : i32
      %sign3A_144 = arith.cmpi sgt, %jit3A_134, %sign3A_143 : i32
      %sign3A_145 = arith.extui %sign3A_144 : i1 to i32
      %sign3A_146 = arith.constant 0 : i32
      %sign3A_147 = arith.cmpi slt, %jit3A_134, %sign3A_146 : i32
      %sign3A_148 = arith.extui %sign3A_147 : i1 to i32
      %sign3A_149 = arith.subi %sign3A_145, %sign3A_148 : i32
      %ne3A_150 = arith.cmpi ne, %sign3A_142, %sign3A_149 : i32
      %rem3A_151 = arith.remsi %add3A_15, %jit3A_134 : i32
      %ne3A_152 = arith.constant 0 : i32
      %ne3A_153 = arith.cmpi ne, %rem3A_151, %ne3A_152 : i32
      %and3A_154 = arith.andi %ne3A_150, %ne3A_153 : i1
      %sub3A_155 = arith.constant 1 : i32
      %sub3A_156 = arith.subi %div3A_135, %sub3A_155 : i32
      %select_n3A_157 = arith.select %and3A_154, %sub3A_156, %div3A_135 : i32
      %jit3A_158 = arith.constant 16 : i32
      %eq3A_159 = arith.constant 0 : i32
      %eq3A_160 = arith.cmpi eq, %jit3A_158, %eq3A_159 : i32
      %jit3A_161 = arith.constant 1 : i32
      %select_n3A_162 = arith.select %eq3A_160, %jit3A_161, %jit3A_158 : i32
      %rem3A_163 = arith.remsi %add3A_15, %select_n3A_162 : i32
      %ne3A_164 = arith.constant 0 : i32
      %ne3A_165 = arith.cmpi ne, %rem3A_163, %ne3A_164 : i32
      %lt3A = arith.constant 0 : i32
      %lt3A_166 = arith.cmpi slt, %rem3A_163, %lt3A : i32
      %lt3A_167 = arith.constant 0 : i32
      %lt3A_168 = arith.cmpi slt, %select_n3A_162, %lt3A_167 : i32
      %ne3A_169 = arith.xori %lt3A_166, %lt3A_168 : i1
      %and3A_170 = arith.andi %ne3A_169, %ne3A_165 : i1
      %add3A_171 = arith.addi %rem3A_163, %select_n3A_162 : i32
      %select_n3A_172 = arith.select %and3A_170, %add3A_171, %rem3A_163 : i32
      %mul3A_173 = arith.constant 1 : i32
      %mul3A_174 = arith.muli %mul3A_173, %select_n3A_157 : i32
      %mul3A_175 = arith.constant 32 : i32
      %mul3A_176 = arith.muli %mul3A_175, %select_n3A_172 : i32
      %dma_start3A_177 = arith.constant 0 : i32
      %dma_start3A_178 = arith.constant 0 : i32
      %dma_start3A_179 = arith.constant 0 : i32
      %dma_start3A_180 = tpu.memref_slice %run_scoped3A_10[%rem3A_133, %dma_start3A_177, %dma_start3A_178, %dma_start3A_179] : memref<2x1x32x512xf32, #tpu.memory_space<vmem>> -> memref<1x1x32x512xf32, #tpu.memory_space<vmem>>
      %dma_start3A_181 = tpu.memref_squeeze %dma_start3A_180 : memref<1x1x32x512xf32, #tpu.memory_space<vmem>> -> memref<1x32x512xf32, #tpu.memory_space<vmem>>
      %dma_start3A_182 = arith.constant 0 : i32
      %dma_start3A_183 = tpu.memref_slice %arg4[%mul3A_174, %mul3A_176, %dma_start3A_182] : memref<48x512x512xf32, #tpu.memory_space<hbm>> -> memref<1x32x512xf32, #tpu.memory_space<hbm>>
      %dma_start3A_184 = tpu.memref_slice %run_scoped3A_11[%rem3A_133] : memref<2x!tpu.dma_semaphore, #tpu.memory_space<semaphore_mem>> -> memref<1x!tpu.dma_semaphore, #tpu.memory_space<semaphore_mem>>
      %dma_start3A_185 = tpu.memref_squeeze %dma_start3A_184 : memref<1x!tpu.dma_semaphore, #tpu.memory_space<semaphore_mem>> -> memref<!tpu.dma_semaphore, #tpu.memory_space<semaphore_mem>>
      %dma_start3A_186 = arith.constant 0 : i32
      %dma_start3A_187 = arith.constant 0 : i32
      %dma_start3A_188 = arith.constant 0 : i32
      %dma_start3A_189 = tpu.memref_slice %run_scoped3A_10[%rem3A_133, %dma_start3A_186, %dma_start3A_187, %dma_start3A_188] : memref<2x1x32x512xf32, #tpu.memory_space<vmem>> -> memref<1x1x32x512xf32, #tpu.memory_space<vmem>>
      %dma_start3A_190 = tpu.memref_squeeze %dma_start3A_189 : memref<1x1x32x512xf32, #tpu.memory_space<vmem>> -> memref<1x32x512xf32, #tpu.memory_space<vmem>>
      %dma_start3A_191 = arith.constant 0 : i32
      %dma_start3A_192 = tpu.memref_slice %arg4[%mul3A_174, %mul3A_176, %dma_start3A_191] : memref<48x512x512xf32, #tpu.memory_space<hbm>> -> memref<1x32x512xf32, #tpu.memory_space<hbm>>
      tpu.enqueue_dma source(%dma_start3A_192 : memref<1x32x512xf32, #tpu.memory_space<hbm>>) target(%dma_start3A_190 : memref<1x32x512xf32, #tpu.memory_space<vmem>>) target_semaphore(%dma_start3A_185 : memref<!tpu.dma_semaphore, #tpu.memory_space<semaphore_mem>>)
      %add3A_193 = arith.constant 0 : i32
      %add3A_194 = arith.constant 1 : i32
      %add3A_195 = arith.addi %add3A_193, %add3A_194 : i32
      %select_n3A_196 = arith.constant true
      %select_n3A_197 = arith.constant 0 : i32
      %select_n3A_198 = arith.select %select_n3A_196, %add3A_195, %select_n3A_197 : i32
      "tpu.trace_stop"() : () -> ()
      %scan3A = arith.constant 0 : i32
      %scan3A_199 = arith.constant 0 : i32
      %scan3A_200 = arith.constant 0 : i32
      %scan3A_201 = arith.constant 0 : i32
      %scan3A_202 = arith.constant 0 : i32
      %scan3A_203 = arith.constant 0 : i32
      %scan3A_204 = arith.constant 0 : i32
      %scan3A_205 = arith.constant 24 : i32
      %scan3A_206 = arith.addi %scan3A_204, %scan3A_205 : i32
      %scan3A_207 = arith.constant 1 : i32
      %scan3A_208:9 = scf.for %scan3A_307 = %scan3A_204 to %scan3A_206 step %scan3A_207 iter_args(%scan3A_308 = %select_n3A_81, %scan3A_309 = %scan3A, %scan3A_310 = %select_n3A_130, %scan3A_311 = %scan3A_199, %scan3A_312 = %select_n3A_198, %scan3A_313 = %scan3A_200, %scan3A_314 = %scan3A_201, %scan3A_315 = %scan3A_202, %scan3A_316 = %scan3A_203) -> (i32, i32, i32, i32, i32, i32, i32, i32, i32)  : i32 {
        %eq3A_317 = arith.constant 0 : i32
        %eq3A_318 = arith.cmpi eq, %scan3A_307, %eq3A_317 : i32
        %eq3A_319 = arith.constant 23 : i32
        %eq3A_320 = arith.cmpi eq, %scan3A_307, %eq3A_319 : i32
        %add3A_321 = arith.addi %scan3A_316, %mul3A_6 : i32
        %sub3A_322 = arith.constant 1 : i32
        %sub3A_323 = arith.subi %scan3A_316, %sub3A_322 : i32
        %select_n3A_324 = arith.constant true
        %select_n3A_325 = arith.select %select_n3A_324, %sub3A_323, %scan3A_316 : i32
        %eq3A_326 = arith.constant -1 : i32
        %eq3A_327 = arith.cmpi eq, %select_n3A_325, %eq3A_326 : i32
        %select_n3A_328 = arith.constant 23 : i32
        %select_n3A_329 = arith.select %eq3A_327, %select_n3A_328, %select_n3A_325 : i32
        %add3A_330 = arith.addi %select_n3A_329, %mul3A_6 : i32
        %add3A_331 = arith.constant 1 : i32
        %add3A_332 = arith.addi %scan3A_316, %add3A_331 : i32
        %select_n3A_333 = arith.constant true
        %select_n3A_334 = arith.select %select_n3A_333, %add3A_332, %scan3A_316 : i32
        %eq3A_335 = arith.constant 24 : i32
        %eq3A_336 = arith.cmpi eq, %select_n3A_334, %eq3A_335 : i32
        %select_n3A_337 = arith.constant 0 : i32
        %select_n3A_338 = arith.select %eq3A_336, %select_n3A_337, %select_n3A_334 : i32
        %add3A_339 = arith.addi %select_n3A_338, %mul3A_6 : i32
        %add3A_340 = arith.constant 1 : i32
        %add3A_341 = arith.addi %select_n3A_338, %add3A_340 : i32
        %select_n3A_342 = arith.constant true
        %select_n3A_343 = arith.select %select_n3A_342, %add3A_341, %select_n3A_338 : i32
        %eq3A_344 = arith.constant 24 : i32
        %eq3A_345 = arith.cmpi eq, %select_n3A_343, %eq3A_344 : i32
        %select_n3A_346 = arith.constant 0 : i32
        %select_n3A_347 = arith.select %eq3A_345, %select_n3A_346, %select_n3A_343 : i32
        %add3A_348 = arith.addi %select_n3A_347, %mul3A_6 : i32
        %jit3A_349 = arith.constant 16 : i32
        %div3A_350 = arith.divsi %add3A_321, %jit3A_349 : i32
        %sign3A_351 = arith.constant 0 : i32
        %sign3A_352 = arith.cmpi sgt, %add3A_321, %sign3A_351 : i32
        %sign3A_353 = arith.extui %sign3A_352 : i1 to i32
        %sign3A_354 = arith.constant 0 : i32
        %sign3A_355 = arith.cmpi slt, %add3A_321, %sign3A_354 : i32
        %sign3A_356 = arith.extui %sign3A_355 : i1 to i32
        %sign3A_357 = arith.subi %sign3A_353, %sign3A_356 : i32
        %sign3A_358 = arith.constant 0 : i32
        %sign3A_359 = arith.cmpi sgt, %jit3A_349, %sign3A_358 : i32
        %sign3A_360 = arith.extui %sign3A_359 : i1 to i32
        %sign3A_361 = arith.constant 0 : i32
        %sign3A_362 = arith.cmpi slt, %jit3A_349, %sign3A_361 : i32
        %sign3A_363 = arith.extui %sign3A_362 : i1 to i32
        %sign3A_364 = arith.subi %sign3A_360, %sign3A_363 : i32
        %ne3A_365 = arith.cmpi ne, %sign3A_357, %sign3A_364 : i32
        %rem3A_366 = arith.remsi %add3A_321, %jit3A_349 : i32
        %ne3A_367 = arith.constant 0 : i32
        %ne3A_368 = arith.cmpi ne, %rem3A_366, %ne3A_367 : i32
        %and3A_369 = arith.andi %ne3A_365, %ne3A_368 : i1
        %sub3A_370 = arith.constant 1 : i32
        %sub3A_371 = arith.subi %div3A_350, %sub3A_370 : i32
        %select_n3A_372 = arith.select %and3A_369, %sub3A_371, %div3A_350 : i32
        %jit3A_373 = arith.constant 16 : i32
        %div3A_374 = arith.divsi %add3A_339, %jit3A_373 : i32
        %sign3A_375 = arith.constant 0 : i32
        %sign3A_376 = arith.cmpi sgt, %add3A_339, %sign3A_375 : i32
        %sign3A_377 = arith.extui %sign3A_376 : i1 to i32
        %sign3A_378 = arith.constant 0 : i32
        %sign3A_379 = arith.cmpi slt, %add3A_339, %sign3A_378 : i32
        %sign3A_380 = arith.extui %sign3A_379 : i1 to i32
        %sign3A_381 = arith.subi %sign3A_377, %sign3A_380 : i32
        %sign3A_382 = arith.constant 0 : i32
        %sign3A_383 = arith.cmpi sgt, %jit3A_373, %sign3A_382 : i32
        %sign3A_384 = arith.extui %sign3A_383 : i1 to i32
        %sign3A_385 = arith.constant 0 : i32
        %sign3A_386 = arith.cmpi slt, %jit3A_373, %sign3A_385 : i32
        %sign3A_387 = arith.extui %sign3A_386 : i1 to i32
        %sign3A_388 = arith.subi %sign3A_384, %sign3A_387 : i32
        %ne3A_389 = arith.cmpi ne, %sign3A_381, %sign3A_388 : i32
        %rem3A_390 = arith.remsi %add3A_339, %jit3A_373 : i32
        %ne3A_391 = arith.constant 0 : i32
        %ne3A_392 = arith.cmpi ne, %rem3A_390, %ne3A_391 : i32
        %and3A_393 = arith.andi %ne3A_389, %ne3A_392 : i1
        %sub3A_394 = arith.constant 1 : i32
        %sub3A_395 = arith.subi %div3A_374, %sub3A_394 : i32
        %select_n3A_396 = arith.select %and3A_393, %sub3A_395, %div3A_374 : i32
        %ne3A_397 = arith.cmpi ne, %select_n3A_372, %select_n3A_396 : i32
        %or3A = arith.constant false
        %or3A_398 = arith.ori %or3A, %ne3A_397 : i1
        %or3A_399 = arith.constant false
        %or3A_400 = arith.ori %or3A_398, %or3A_399 : i1
        %ge3A = arith.constant 23 : i32
        %ge3A_401 = arith.cmpi sge, %scan3A_307, %ge3A : i32
        %not3A = arith.constant true
        %not3A_402 = arith.xori %ge3A_401, %not3A : i1
        %and3A_403 = arith.andi %or3A_400, %not3A_402 : i1
        %convert_element_type3A = arith.extui %and3A_403 : i1 to i32
        %cond3A = arith.constant 0 : i32
        %cond3A_404 = arith.cmpi ne, %convert_element_type3A, %cond3A : i32
        scf.if %cond3A_404 {
          "tpu.trace_start"() <{level = 10 : i32, message = "ep_copy_in"}> : () -> ()
          %rem3A_1812 = arith.constant 2 : i32
          %rem3A_1813 = arith.remui %scan3A_308, %rem3A_1812 : i32
          %jit3A_1814 = arith.constant 16 : i32
          %div3A_1815 = arith.divsi %add3A_339, %jit3A_1814 : i32
          %sign3A_1816 = arith.constant 0 : i32
          %sign3A_1817 = arith.cmpi sgt, %add3A_339, %sign3A_1816 : i32
          %sign3A_1818 = arith.extui %sign3A_1817 : i1 to i32
          %sign3A_1819 = arith.constant 0 : i32
          %sign3A_1820 = arith.cmpi slt, %add3A_339, %sign3A_1819 : i32
          %sign3A_1821 = arith.extui %sign3A_1820 : i1 to i32
          %sign3A_1822 = arith.subi %sign3A_1818, %sign3A_1821 : i32
          %sign3A_1823 = arith.constant 0 : i32
          %sign3A_1824 = arith.cmpi sgt, %jit3A_1814, %sign3A_1823 : i32
          %sign3A_1825 = arith.extui %sign3A_1824 : i1 to i32
          %sign3A_1826 = arith.constant 0 : i32
          %sign3A_1827 = arith.cmpi slt, %jit3A_1814, %sign3A_1826 : i32
          %sign3A_1828 = arith.extui %sign3A_1827 : i1 to i32
          %sign3A_1829 = arith.subi %sign3A_1825, %sign3A_1828 : i32
          %ne3A_1830 = arith.cmpi ne, %sign3A_1822, %sign3A_1829 : i32
          %rem3A_1831 = arith.remsi %add3A_339, %jit3A_1814 : i32
          %ne3A_1832 = arith.constant 0 : i32
          %ne3A_1833 = arith.cmpi ne, %rem3A_1831, %ne3A_1832 : i32
          %and3A_1834 = arith.andi %ne3A_1830, %ne3A_1833 : i1
          %sub3A_1835 = arith.constant 1 : i32
          %sub3A_1836 = arith.subi %div3A_1815, %sub3A_1835 : i32
          %select_n3A_1837 = arith.select %and3A_1834, %sub3A_1836, %div3A_1815 : i32
          %mul3A_1838 = arith.constant 1 : i32
          %mul3A_1839 = arith.muli %mul3A_1838, %select_n3A_1837 : i32
          %dma_start3A_1840 = arith.constant 0 : i32
          %dma_start3A_1841 = arith.constant 0 : i32
          %dma_start3A_1842 = tpu.memref_slice %run_scoped3A[%rem3A_1813, %dma_start3A_1840, %dma_start3A_1841] : memref<2x1x272xf32, #tpu.memory_space<vmem>> -> memref<1x1x272xf32, #tpu.memory_space<vmem>>
          %dma_start3A_1843 = tpu.memref_squeeze %dma_start3A_1842 : memref<1x1x272xf32, #tpu.memory_space<vmem>> -> memref<1x272xf32, #tpu.memory_space<vmem>>
          %dma_start3A_1844 = arith.constant 0 : i32
          %dma_start3A_1845 = tpu.memref_slice %arg2[%mul3A_1839, %dma_start3A_1844] : memref<48x272xf32, #tpu.memory_space<hbm>> -> memref<1x272xf32, #tpu.memory_space<hbm>>
          %dma_start3A_1846 = tpu.memref_slice %run_scoped3A_7[%rem3A_1813] : memref<2x!tpu.dma_semaphore, #tpu.memory_space<semaphore_mem>> -> memref<1x!tpu.dma_semaphore, #tpu.memory_space<semaphore_mem>>
          %dma_start3A_1847 = tpu.memref_squeeze %dma_start3A_1846 : memref<1x!tpu.dma_semaphore, #tpu.memory_space<semaphore_mem>> -> memref<!tpu.dma_semaphore, #tpu.memory_space<semaphore_mem>>
          %dma_start3A_1848 = arith.constant 0 : i32
          %dma_start3A_1849 = arith.constant 0 : i32
          %dma_start3A_1850 = tpu.memref_slice %run_scoped3A[%rem3A_1813, %dma_start3A_1848, %dma_start3A_1849] : memref<2x1x272xf32, #tpu.memory_space<vmem>> -> memref<1x1x272xf32, #tpu.memory_space<vmem>>
          %dma_start3A_1851 = tpu.memref_squeeze %dma_start3A_1850 : memref<1x1x272xf32, #tpu.memory_space<vmem>> -> memref<1x272xf32, #tpu.memory_space<vmem>>
          %dma_start3A_1852 = arith.constant 0 : i32
          %dma_start3A_1853 = tpu.memref_slice %arg2[%mul3A_1839, %dma_start3A_1852] : memref<48x272xf32, #tpu.memory_space<hbm>> -> memref<1x272xf32, #tpu.memory_space<hbm>>
          tpu.enqueue_dma source(%dma_start3A_1853 : memref<1x272xf32, #tpu.memory_space<hbm>>) target(%dma_start3A_1851 : memref<1x272xf32, #tpu.memory_space<vmem>>) target_semaphore(%dma_start3A_1847 : memref<!tpu.dma_semaphore, #tpu.memory_space<semaphore_mem>>)
          "tpu.trace_stop"() : () -> ()
        } else {
        }
        %and3A_405 = arith.constant true
        %and3A_406 = arith.andi %and3A_403, %and3A_405 : i1
        %add3A_407 = arith.constant 1 : i32
        %add3A_408 = arith.addi %scan3A_308, %add3A_407 : i32
        %select_n3A_409 = arith.select %and3A_406, %add3A_408, %scan3A_308 : i32
        %jit3A_410 = arith.constant 16 : i32
        %div3A_411 = arith.divsi %add3A_321, %jit3A_410 : i32
        %sign3A_412 = arith.constant 0 : i32
        %sign3A_413 = arith.cmpi sgt, %add3A_321, %sign3A_412 : i32
        %sign3A_414 = arith.extui %sign3A_413 : i1 to i32
        %sign3A_415 = arith.constant 0 : i32
        %sign3A_416 = arith.cmpi slt, %add3A_321, %sign3A_415 : i32
        %sign3A_417 = arith.extui %sign3A_416 : i1 to i32
        %sign3A_418 = arith.subi %sign3A_414, %sign3A_417 : i32
        %sign3A_419 = arith.constant 0 : i32
        %sign3A_420 = arith.cmpi sgt, %jit3A_410, %sign3A_419 : i32
        %sign3A_421 = arith.extui %sign3A_420 : i1 to i32
        %sign3A_422 = arith.constant 0 : i32
        %sign3A_423 = arith.cmpi slt, %jit3A_410, %sign3A_422 : i32
        %sign3A_424 = arith.extui %sign3A_423 : i1 to i32
        %sign3A_425 = arith.subi %sign3A_421, %sign3A_424 : i32
        %ne3A_426 = arith.cmpi ne, %sign3A_418, %sign3A_425 : i32
        %rem3A_427 = arith.remsi %add3A_321, %jit3A_410 : i32
        %ne3A_428 = arith.constant 0 : i32
        %ne3A_429 = arith.cmpi ne, %rem3A_427, %ne3A_428 : i32
        %and3A_430 = arith.andi %ne3A_426, %ne3A_429 : i1
        %sub3A_431 = arith.constant 1 : i32
        %sub3A_432 = arith.subi %div3A_411, %sub3A_431 : i32
        %select_n3A_433 = arith.select %and3A_430, %sub3A_432, %div3A_411 : i32
        %jit3A_434 = arith.constant 16 : i32
        %div3A_435 = arith.divsi %add3A_339, %jit3A_434 : i32
        %sign3A_436 = arith.constant 0 : i32
        %sign3A_437 = arith.cmpi sgt, %add3A_339, %sign3A_436 : i32
        %sign3A_438 = arith.extui %sign3A_437 : i1 to i32
        %sign3A_439 = arith.constant 0 : i32
        %sign3A_440 = arith.cmpi slt, %add3A_339, %sign3A_439 : i32
        %sign3A_441 = arith.extui %sign3A_440 : i1 to i32
        %sign3A_442 = arith.subi %sign3A_438, %sign3A_441 : i32
        %sign3A_443 = arith.constant 0 : i32
        %sign3A_444 = arith.cmpi sgt, %jit3A_434, %sign3A_443 : i32
        %sign3A_445 = arith.extui %sign3A_444 : i1 to i32
        %sign3A_446 = arith.constant 0 : i32
        %sign3A_447 = arith.cmpi slt, %jit3A_434, %sign3A_446 : i32
        %sign3A_448 = arith.extui %sign3A_447 : i1 to i32
        %sign3A_449 = arith.subi %sign3A_445, %sign3A_448 : i32
        %ne3A_450 = arith.cmpi ne, %sign3A_442, %sign3A_449 : i32
        %rem3A_451 = arith.remsi %add3A_339, %jit3A_434 : i32
        %ne3A_452 = arith.constant 0 : i32
        %ne3A_453 = arith.cmpi ne, %rem3A_451, %ne3A_452 : i32
        %and3A_454 = arith.andi %ne3A_450, %ne3A_453 : i1
        %sub3A_455 = arith.constant 1 : i32
        %sub3A_456 = arith.subi %div3A_435, %sub3A_455 : i32
        %select_n3A_457 = arith.select %and3A_454, %sub3A_456, %div3A_435 : i32
        %ne3A_458 = arith.cmpi ne, %select_n3A_433, %select_n3A_457 : i32
        %or3A_459 = arith.constant false
        %or3A_460 = arith.ori %or3A_459, %ne3A_458 : i1
        %or3A_461 = arith.constant false
        %or3A_462 = arith.ori %or3A_460, %or3A_461 : i1
        %ge3A_463 = arith.constant 23 : i32
        %ge3A_464 = arith.cmpi sge, %scan3A_307, %ge3A_463 : i32
        %not3A_465 = arith.constant true
        %not3A_466 = arith.xori %ge3A_464, %not3A_465 : i1
        %and3A_467 = arith.andi %or3A_462, %not3A_466 : i1
        %convert_element_type3A_468 = arith.extui %and3A_467 : i1 to i32
        %cond3A_469 = arith.constant 0 : i32
        %cond3A_470 = arith.cmpi ne, %convert_element_type3A_468, %cond3A_469 : i32
        scf.if %cond3A_470 {
          "tpu.trace_start"() <{level = 10 : i32, message = "ep_copy_in"}> : () -> ()
          %rem3A_1812 = arith.constant 2 : i32
          %rem3A_1813 = arith.remui %scan3A_310, %rem3A_1812 : i32
          %jit3A_1814 = arith.constant 16 : i32
          %div3A_1815 = arith.divsi %add3A_339, %jit3A_1814 : i32
          %sign3A_1816 = arith.constant 0 : i32
          %sign3A_1817 = arith.cmpi sgt, %add3A_339, %sign3A_1816 : i32
          %sign3A_1818 = arith.extui %sign3A_1817 : i1 to i32
          %sign3A_1819 = arith.constant 0 : i32
          %sign3A_1820 = arith.cmpi slt, %add3A_339, %sign3A_1819 : i32
          %sign3A_1821 = arith.extui %sign3A_1820 : i1 to i32
          %sign3A_1822 = arith.subi %sign3A_1818, %sign3A_1821 : i32
          %sign3A_1823 = arith.constant 0 : i32
          %sign3A_1824 = arith.cmpi sgt, %jit3A_1814, %sign3A_1823 : i32
          %sign3A_1825 = arith.extui %sign3A_1824 : i1 to i32
          %sign3A_1826 = arith.constant 0 : i32
          %sign3A_1827 = arith.cmpi slt, %jit3A_1814, %sign3A_1826 : i32
          %sign3A_1828 = arith.extui %sign3A_1827 : i1 to i32
          %sign3A_1829 = arith.subi %sign3A_1825, %sign3A_1828 : i32
          %ne3A_1830 = arith.cmpi ne, %sign3A_1822, %sign3A_1829 : i32
          %rem3A_1831 = arith.remsi %add3A_339, %jit3A_1814 : i32
          %ne3A_1832 = arith.constant 0 : i32
          %ne3A_1833 = arith.cmpi ne, %rem3A_1831, %ne3A_1832 : i32
          %and3A_1834 = arith.andi %ne3A_1830, %ne3A_1833 : i1
          %sub3A_1835 = arith.constant 1 : i32
          %sub3A_1836 = arith.subi %div3A_1815, %sub3A_1835 : i32
          %select_n3A_1837 = arith.select %and3A_1834, %sub3A_1836, %div3A_1815 : i32
          %mul3A_1838 = arith.constant 1 : i32
          %mul3A_1839 = arith.muli %mul3A_1838, %select_n3A_1837 : i32
          %dma_start3A_1840 = arith.constant 0 : i32
          %dma_start3A_1841 = arith.constant 0 : i32
          %dma_start3A_1842 = tpu.memref_slice %run_scoped3A_8[%rem3A_1813, %dma_start3A_1840, %dma_start3A_1841] : memref<2x1x272xf32, #tpu.memory_space<vmem>> -> memref<1x1x272xf32, #tpu.memory_space<vmem>>
          %dma_start3A_1843 = tpu.memref_squeeze %dma_start3A_1842 : memref<1x1x272xf32, #tpu.memory_space<vmem>> -> memref<1x272xf32, #tpu.memory_space<vmem>>
          %dma_start3A_1844 = arith.constant 0 : i32
          %dma_start3A_1845 = tpu.memref_slice %arg3[%mul3A_1839, %dma_start3A_1844] : memref<48x272xf32, #tpu.memory_space<hbm>> -> memref<1x272xf32, #tpu.memory_space<hbm>>
          %dma_start3A_1846 = tpu.memref_slice %run_scoped3A_9[%rem3A_1813] : memref<2x!tpu.dma_semaphore, #tpu.memory_space<semaphore_mem>> -> memref<1x!tpu.dma_semaphore, #tpu.memory_space<semaphore_mem>>
          %dma_start3A_1847 = tpu.memref_squeeze %dma_start3A_1846 : memref<1x!tpu.dma_semaphore, #tpu.memory_space<semaphore_mem>> -> memref<!tpu.dma_semaphore, #tpu.memory_space<semaphore_mem>>
          %dma_start3A_1848 = arith.constant 0 : i32
          %dma_start3A_1849 = arith.constant 0 : i32
          %dma_start3A_1850 = tpu.memref_slice %run_scoped3A_8[%rem3A_1813, %dma_start3A_1848, %dma_start3A_1849] : memref<2x1x272xf32, #tpu.memory_space<vmem>> -> memref<1x1x272xf32, #tpu.memory_space<vmem>>
          %dma_start3A_1851 = tpu.memref_squeeze %dma_start3A_1850 : memref<1x1x272xf32, #tpu.memory_space<vmem>> -> memref<1x272xf32, #tpu.memory_space<vmem>>
          %dma_start3A_1852 = arith.constant 0 : i32
          %dma_start3A_1853 = tpu.memref_slice %arg3[%mul3A_1839, %dma_start3A_1852] : memref<48x272xf32, #tpu.memory_space<hbm>> -> memref<1x272xf32, #tpu.memory_space<hbm>>
          tpu.enqueue_dma source(%dma_start3A_1853 : memref<1x272xf32, #tpu.memory_space<hbm>>) target(%dma_start3A_1851 : memref<1x272xf32, #tpu.memory_space<vmem>>) target_semaphore(%dma_start3A_1847 : memref<!tpu.dma_semaphore, #tpu.memory_space<semaphore_mem>>)
          "tpu.trace_stop"() : () -> ()
        } else {
        }
        %and3A_471 = arith.constant true
        %and3A_472 = arith.andi %and3A_467, %and3A_471 : i1
        %add3A_473 = arith.constant 1 : i32
        %add3A_474 = arith.addi %scan3A_310, %add3A_473 : i32
        %select_n3A_475 = arith.select %and3A_472, %add3A_474, %scan3A_310 : i32
        %jit3A_476 = arith.constant 16 : i32
        %div3A_477 = arith.divsi %add3A_321, %jit3A_476 : i32
        %sign3A_478 = arith.constant 0 : i32
        %sign3A_479 = arith.cmpi sgt, %add3A_321, %sign3A_478 : i32
        %sign3A_480 = arith.extui %sign3A_479 : i1 to i32
        %sign3A_481 = arith.constant 0 : i32
        %sign3A_482 = arith.cmpi slt, %add3A_321, %sign3A_481 : i32
        %sign3A_483 = arith.extui %sign3A_482 : i1 to i32
        %sign3A_484 = arith.subi %sign3A_480, %sign3A_483 : i32
        %sign3A_485 = arith.constant 0 : i32
        %sign3A_486 = arith.cmpi sgt, %jit3A_476, %sign3A_485 : i32
        %sign3A_487 = arith.extui %sign3A_486 : i1 to i32
        %sign3A_488 = arith.constant 0 : i32
        %sign3A_489 = arith.cmpi slt, %jit3A_476, %sign3A_488 : i32
        %sign3A_490 = arith.extui %sign3A_489 : i1 to i32
        %sign3A_491 = arith.subi %sign3A_487, %sign3A_490 : i32
        %ne3A_492 = arith.cmpi ne, %sign3A_484, %sign3A_491 : i32
        %rem3A_493 = arith.remsi %add3A_321, %jit3A_476 : i32
        %ne3A_494 = arith.constant 0 : i32
        %ne3A_495 = arith.cmpi ne, %rem3A_493, %ne3A_494 : i32
        %and3A_496 = arith.andi %ne3A_492, %ne3A_495 : i1
        %sub3A_497 = arith.constant 1 : i32
        %sub3A_498 = arith.subi %div3A_477, %sub3A_497 : i32
        %select_n3A_499 = arith.select %and3A_496, %sub3A_498, %div3A_477 : i32
        %jit3A_500 = arith.constant 16 : i32
        %eq3A_501 = arith.constant 0 : i32
        %eq3A_502 = arith.cmpi eq, %jit3A_500, %eq3A_501 : i32
        %jit3A_503 = arith.constant 1 : i32
        %select_n3A_504 = arith.select %eq3A_502, %jit3A_503, %jit3A_500 : i32
        %rem3A_505 = arith.remsi %add3A_321, %select_n3A_504 : i32
        %ne3A_506 = arith.constant 0 : i32
        %ne3A_507 = arith.cmpi ne, %rem3A_505, %ne3A_506 : i32
        %lt3A_508 = arith.constant 0 : i32
        %lt3A_509 = arith.cmpi slt, %rem3A_505, %lt3A_508 : i32
        %lt3A_510 = arith.constant 0 : i32
        %lt3A_511 = arith.cmpi slt, %select_n3A_504, %lt3A_510 : i32
        %ne3A_512 = arith.xori %lt3A_509, %lt3A_511 : i1
        %and3A_513 = arith.andi %ne3A_512, %ne3A_507 : i1
        %add3A_514 = arith.addi %rem3A_505, %select_n3A_504 : i32
        %select_n3A_515 = arith.select %and3A_513, %add3A_514, %rem3A_505 : i32
        %jit3A_516 = arith.constant 16 : i32
        %div3A_517 = arith.divsi %add3A_339, %jit3A_516 : i32
        %sign3A_518 = arith.constant 0 : i32
        %sign3A_519 = arith.cmpi sgt, %add3A_339, %sign3A_518 : i32
        %sign3A_520 = arith.extui %sign3A_519 : i1 to i32
        %sign3A_521 = arith.constant 0 : i32
        %sign3A_522 = arith.cmpi slt, %add3A_339, %sign3A_521 : i32
        %sign3A_523 = arith.extui %sign3A_522 : i1 to i32
        %sign3A_524 = arith.subi %sign3A_520, %sign3A_523 : i32
        %sign3A_525 = arith.constant 0 : i32
        %sign3A_526 = arith.cmpi sgt, %jit3A_516, %sign3A_525 : i32
        %sign3A_527 = arith.extui %sign3A_526 : i1 to i32
        %sign3A_528 = arith.constant 0 : i32
        %sign3A_529 = arith.cmpi slt, %jit3A_516, %sign3A_528 : i32
        %sign3A_530 = arith.extui %sign3A_529 : i1 to i32
        %sign3A_531 = arith.subi %sign3A_527, %sign3A_530 : i32
        %ne3A_532 = arith.cmpi ne, %sign3A_524, %sign3A_531 : i32
        %rem3A_533 = arith.remsi %add3A_339, %jit3A_516 : i32
        %ne3A_534 = arith.constant 0 : i32
        %ne3A_535 = arith.cmpi ne, %rem3A_533, %ne3A_534 : i32
        %and3A_536 = arith.andi %ne3A_532, %ne3A_535 : i1
        %sub3A_537 = arith.constant 1 : i32
        %sub3A_538 = arith.subi %div3A_517, %sub3A_537 : i32
        %select_n3A_539 = arith.select %and3A_536, %sub3A_538, %div3A_517 : i32
        %jit3A_540 = arith.constant 16 : i32
        %eq3A_541 = arith.constant 0 : i32
        %eq3A_542 = arith.cmpi eq, %jit3A_540, %eq3A_541 : i32
        %jit3A_543 = arith.constant 1 : i32
        %select_n3A_544 = arith.select %eq3A_542, %jit3A_543, %jit3A_540 : i32
        %rem3A_545 = arith.remsi %add3A_339, %select_n3A_544 : i32
        %ne3A_546 = arith.constant 0 : i32
        %ne3A_547 = arith.cmpi ne, %rem3A_545, %ne3A_546 : i32
        %lt3A_548 = arith.constant 0 : i32
        %lt3A_549 = arith.cmpi slt, %rem3A_545, %lt3A_548 : i32
        %lt3A_550 = arith.constant 0 : i32
        %lt3A_551 = arith.cmpi slt, %select_n3A_544, %lt3A_550 : i32
        %ne3A_552 = arith.xori %lt3A_549, %lt3A_551 : i1
        %and3A_553 = arith.andi %ne3A_552, %ne3A_547 : i1
        %add3A_554 = arith.addi %rem3A_545, %select_n3A_544 : i32
        %select_n3A_555 = arith.select %and3A_553, %add3A_554, %rem3A_545 : i32
        %ne3A_556 = arith.cmpi ne, %select_n3A_499, %select_n3A_539 : i32
        %ne3A_557 = arith.cmpi ne, %select_n3A_515, %select_n3A_555 : i32
        %or3A_558 = arith.constant false
        %or3A_559 = arith.ori %or3A_558, %ne3A_556 : i1
        %or3A_560 = arith.ori %or3A_559, %ne3A_557 : i1
        %or3A_561 = arith.constant false
        %or3A_562 = arith.ori %or3A_560, %or3A_561 : i1
        %ge3A_563 = arith.constant 23 : i32
        %ge3A_564 = arith.cmpi sge, %scan3A_307, %ge3A_563 : i32
        %not3A_565 = arith.constant true
        %not3A_566 = arith.xori %ge3A_564, %not3A_565 : i1
        %and3A_567 = arith.andi %or3A_562, %not3A_566 : i1
        %convert_element_type3A_568 = arith.extui %and3A_567 : i1 to i32
        %cond3A_569 = arith.constant 0 : i32
        %cond3A_570 = arith.cmpi ne, %convert_element_type3A_568, %cond3A_569 : i32
        scf.if %cond3A_570 {
          "tpu.trace_start"() <{level = 10 : i32, message = "ep_copy_in"}> : () -> ()
          %rem3A_1812 = arith.constant 2 : i32
          %rem3A_1813 = arith.remui %scan3A_312, %rem3A_1812 : i32
          %jit3A_1814 = arith.constant 16 : i32
          %div3A_1815 = arith.divsi %add3A_339, %jit3A_1814 : i32
          %sign3A_1816 = arith.constant 0 : i32
          %sign3A_1817 = arith.cmpi sgt, %add3A_339, %sign3A_1816 : i32
          %sign3A_1818 = arith.extui %sign3A_1817 : i1 to i32
          %sign3A_1819 = arith.constant 0 : i32
          %sign3A_1820 = arith.cmpi slt, %add3A_339, %sign3A_1819 : i32
          %sign3A_1821 = arith.extui %sign3A_1820 : i1 to i32
          %sign3A_1822 = arith.subi %sign3A_1818, %sign3A_1821 : i32
          %sign3A_1823 = arith.constant 0 : i32
          %sign3A_1824 = arith.cmpi sgt, %jit3A_1814, %sign3A_1823 : i32
          %sign3A_1825 = arith.extui %sign3A_1824 : i1 to i32
          %sign3A_1826 = arith.constant 0 : i32
          %sign3A_1827 = arith.cmpi slt, %jit3A_1814, %sign3A_1826 : i32
          %sign3A_1828 = arith.extui %sign3A_1827 : i1 to i32
          %sign3A_1829 = arith.subi %sign3A_1825, %sign3A_1828 : i32
          %ne3A_1830 = arith.cmpi ne, %sign3A_1822, %sign3A_1829 : i32
          %rem3A_1831 = arith.remsi %add3A_339, %jit3A_1814 : i32
          %ne3A_1832 = arith.constant 0 : i32
          %ne3A_1833 = arith.cmpi ne, %rem3A_1831, %ne3A_1832 : i32
          %and3A_1834 = arith.andi %ne3A_1830, %ne3A_1833 : i1
          %sub3A_1835 = arith.constant 1 : i32
          %sub3A_1836 = arith.subi %div3A_1815, %sub3A_1835 : i32
          %select_n3A_1837 = arith.select %and3A_1834, %sub3A_1836, %div3A_1815 : i32
          %jit3A_1838 = arith.constant 16 : i32
          %eq3A_1839 = arith.constant 0 : i32
          %eq3A_1840 = arith.cmpi eq, %jit3A_1838, %eq3A_1839 : i32
          %jit3A_1841 = arith.constant 1 : i32
          %select_n3A_1842 = arith.select %eq3A_1840, %jit3A_1841, %jit3A_1838 : i32
          %rem3A_1843 = arith.remsi %add3A_339, %select_n3A_1842 : i32
          %ne3A_1844 = arith.constant 0 : i32
          %ne3A_1845 = arith.cmpi ne, %rem3A_1843, %ne3A_1844 : i32
          %lt3A_1846 = arith.constant 0 : i32
          %lt3A_1847 = arith.cmpi slt, %rem3A_1843, %lt3A_1846 : i32
          %lt3A_1848 = arith.constant 0 : i32
          %lt3A_1849 = arith.cmpi slt, %select_n3A_1842, %lt3A_1848 : i32
          %ne3A_1850 = arith.xori %lt3A_1847, %lt3A_1849 : i1
          %and3A_1851 = arith.andi %ne3A_1850, %ne3A_1845 : i1
          %add3A_1852 = arith.addi %rem3A_1843, %select_n3A_1842 : i32
          %select_n3A_1853 = arith.select %and3A_1851, %add3A_1852, %rem3A_1843 : i32
          %mul3A_1854 = arith.constant 1 : i32
          %mul3A_1855 = arith.muli %mul3A_1854, %select_n3A_1837 : i32
          %mul3A_1856 = arith.constant 32 : i32
          %mul3A_1857 = arith.muli %mul3A_1856, %select_n3A_1853 : i32
          %dma_start3A_1858 = arith.constant 0 : i32
          %dma_start3A_1859 = arith.constant 0 : i32
          %dma_start3A_1860 = arith.constant 0 : i32
          %dma_start3A_1861 = tpu.memref_slice %run_scoped3A_10[%rem3A_1813, %dma_start3A_1858, %dma_start3A_1859, %dma_start3A_1860] : memref<2x1x32x512xf32, #tpu.memory_space<vmem>> -> memref<1x1x32x512xf32, #tpu.memory_space<vmem>>
          %dma_start3A_1862 = tpu.memref_squeeze %dma_start3A_1861 : memref<1x1x32x512xf32, #tpu.memory_space<vmem>> -> memref<1x32x512xf32, #tpu.memory_space<vmem>>
          %dma_start3A_1863 = arith.constant 0 : i32
          %dma_start3A_1864 = tpu.memref_slice %arg4[%mul3A_1855, %mul3A_1857, %dma_start3A_1863] : memref<48x512x512xf32, #tpu.memory_space<hbm>> -> memref<1x32x512xf32, #tpu.memory_space<hbm>>
          %dma_start3A_1865 = tpu.memref_slice %run_scoped3A_11[%rem3A_1813] : memref<2x!tpu.dma_semaphore, #tpu.memory_space<semaphore_mem>> -> memref<1x!tpu.dma_semaphore, #tpu.memory_space<semaphore_mem>>
          %dma_start3A_1866 = tpu.memref_squeeze %dma_start3A_1865 : memref<1x!tpu.dma_semaphore, #tpu.memory_space<semaphore_mem>> -> memref<!tpu.dma_semaphore, #tpu.memory_space<semaphore_mem>>
          %dma_start3A_1867 = arith.constant 0 : i32
          %dma_start3A_1868 = arith.constant 0 : i32
          %dma_start3A_1869 = arith.constant 0 : i32
          %dma_start3A_1870 = tpu.memref_slice %run_scoped3A_10[%rem3A_1813, %dma_start3A_1867, %dma_start3A_1868, %dma_start3A_1869] : memref<2x1x32x512xf32, #tpu.memory_space<vmem>> -> memref<1x1x32x512xf32, #tpu.memory_space<vmem>>
          %dma_start3A_1871 = tpu.memref_squeeze %dma_start3A_1870 : memref<1x1x32x512xf32, #tpu.memory_space<vmem>> -> memref<1x32x512xf32, #tpu.memory_space<vmem>>
          %dma_start3A_1872 = arith.constant 0 : i32
          %dma_start3A_1873 = tpu.memref_slice %arg4[%mul3A_1855, %mul3A_1857, %dma_start3A_1872] : memref<48x512x512xf32, #tpu.memory_space<hbm>> -> memref<1x32x512xf32, #tpu.memory_space<hbm>>
          tpu.enqueue_dma source(%dma_start3A_1873 : memref<1x32x512xf32, #tpu.memory_space<hbm>>) target(%dma_start3A_1871 : memref<1x32x512xf32, #tpu.memory_space<vmem>>) target_semaphore(%dma_start3A_1866 : memref<!tpu.dma_semaphore, #tpu.memory_space<semaphore_mem>>)
          "tpu.trace_stop"() : () -> ()
        } else {
        }
        %and3A_571 = arith.constant true
        %and3A_572 = arith.andi %and3A_567, %and3A_571 : i1
        %add3A_573 = arith.constant 1 : i32
        %add3A_574 = arith.addi %scan3A_312, %add3A_573 : i32
        %select_n3A_575 = arith.select %and3A_572, %add3A_574, %scan3A_312 : i32
        %jit3A_576 = arith.constant 16 : i32
        %div3A_577 = arith.divsi %add3A_321, %jit3A_576 : i32
        %sign3A_578 = arith.constant 0 : i32
        %sign3A_579 = arith.cmpi sgt, %add3A_321, %sign3A_578 : i32
        %sign3A_580 = arith.extui %sign3A_579 : i1 to i32
        %sign3A_581 = arith.constant 0 : i32
        %sign3A_582 = arith.cmpi slt, %add3A_321, %sign3A_581 : i32
        %sign3A_583 = arith.extui %sign3A_582 : i1 to i32
        %sign3A_584 = arith.subi %sign3A_580, %sign3A_583 : i32
        %sign3A_585 = arith.constant 0 : i32
        %sign3A_586 = arith.cmpi sgt, %jit3A_576, %sign3A_585 : i32
        %sign3A_587 = arith.extui %sign3A_586 : i1 to i32
        %sign3A_588 = arith.constant 0 : i32
        %sign3A_589 = arith.cmpi slt, %jit3A_576, %sign3A_588 : i32
        %sign3A_590 = arith.extui %sign3A_589 : i1 to i32
        %sign3A_591 = arith.subi %sign3A_587, %sign3A_590 : i32
        %ne3A_592 = arith.cmpi ne, %sign3A_584, %sign3A_591 : i32
        %rem3A_593 = arith.remsi %add3A_321, %jit3A_576 : i32
        %ne3A_594 = arith.constant 0 : i32
        %ne3A_595 = arith.cmpi ne, %rem3A_593, %ne3A_594 : i32
        %and3A_596 = arith.andi %ne3A_592, %ne3A_595 : i1
        %sub3A_597 = arith.constant 1 : i32
        %sub3A_598 = arith.subi %div3A_577, %sub3A_597 : i32
        %select_n3A_599 = arith.select %and3A_596, %sub3A_598, %div3A_577 : i32
        %jit3A_600 = arith.constant 16 : i32
        %eq3A_601 = arith.constant 0 : i32
        %eq3A_602 = arith.cmpi eq, %jit3A_600, %eq3A_601 : i32
        %jit3A_603 = arith.constant 1 : i32
        %select_n3A_604 = arith.select %eq3A_602, %jit3A_603, %jit3A_600 : i32
        %rem3A_605 = arith.remsi %add3A_321, %select_n3A_604 : i32
        %ne3A_606 = arith.constant 0 : i32
        %ne3A_607 = arith.cmpi ne, %rem3A_605, %ne3A_606 : i32
        %lt3A_608 = arith.constant 0 : i32
        %lt3A_609 = arith.cmpi slt, %rem3A_605, %lt3A_608 : i32
        %lt3A_610 = arith.constant 0 : i32
        %lt3A_611 = arith.cmpi slt, %select_n3A_604, %lt3A_610 : i32
        %ne3A_612 = arith.xori %lt3A_609, %lt3A_611 : i1
        %and3A_613 = arith.andi %ne3A_612, %ne3A_607 : i1
        %add3A_614 = arith.addi %rem3A_605, %select_n3A_604 : i32
        %select_n3A_615 = arith.select %and3A_613, %add3A_614, %rem3A_605 : i32
        %jit3A_616 = arith.constant 16 : i32
        %div3A_617 = arith.divsi %add3A_339, %jit3A_616 : i32
        %sign3A_618 = arith.constant 0 : i32
        %sign3A_619 = arith.cmpi sgt, %add3A_339, %sign3A_618 : i32
        %sign3A_620 = arith.extui %sign3A_619 : i1 to i32
        %sign3A_621 = arith.constant 0 : i32
        %sign3A_622 = arith.cmpi slt, %add3A_339, %sign3A_621 : i32
        %sign3A_623 = arith.extui %sign3A_622 : i1 to i32
        %sign3A_624 = arith.subi %sign3A_620, %sign3A_623 : i32
        %sign3A_625 = arith.constant 0 : i32
        %sign3A_626 = arith.cmpi sgt, %jit3A_616, %sign3A_625 : i32
        %sign3A_627 = arith.extui %sign3A_626 : i1 to i32
        %sign3A_628 = arith.constant 0 : i32
        %sign3A_629 = arith.cmpi slt, %jit3A_616, %sign3A_628 : i32
        %sign3A_630 = arith.extui %sign3A_629 : i1 to i32
        %sign3A_631 = arith.subi %sign3A_627, %sign3A_630 : i32
        %ne3A_632 = arith.cmpi ne, %sign3A_624, %sign3A_631 : i32
        %rem3A_633 = arith.remsi %add3A_339, %jit3A_616 : i32
        %ne3A_634 = arith.constant 0 : i32
        %ne3A_635 = arith.cmpi ne, %rem3A_633, %ne3A_634 : i32
        %and3A_636 = arith.andi %ne3A_632, %ne3A_635 : i1
        %sub3A_637 = arith.constant 1 : i32
        %sub3A_638 = arith.subi %div3A_617, %sub3A_637 : i32
        %select_n3A_639 = arith.select %and3A_636, %sub3A_638, %div3A_617 : i32
        %jit3A_640 = arith.constant 16 : i32
        %eq3A_641 = arith.constant 0 : i32
        %eq3A_642 = arith.cmpi eq, %jit3A_640, %eq3A_641 : i32
        %jit3A_643 = arith.constant 1 : i32
        %select_n3A_644 = arith.select %eq3A_642, %jit3A_643, %jit3A_640 : i32
        %rem3A_645 = arith.remsi %add3A_339, %select_n3A_644 : i32
        %ne3A_646 = arith.constant 0 : i32
        %ne3A_647 = arith.cmpi ne, %rem3A_645, %ne3A_646 : i32
        %lt3A_648 = arith.constant 0 : i32
        %lt3A_649 = arith.cmpi slt, %rem3A_645, %lt3A_648 : i32
        %lt3A_650 = arith.constant 0 : i32
        %lt3A_651 = arith.cmpi slt, %select_n3A_644, %lt3A_650 : i32
        %ne3A_652 = arith.xori %lt3A_649, %lt3A_651 : i1
        %and3A_653 = arith.andi %ne3A_652, %ne3A_647 : i1
        %add3A_654 = arith.addi %rem3A_645, %select_n3A_644 : i32
        %select_n3A_655 = arith.select %and3A_653, %add3A_654, %rem3A_645 : i32
        %ne3A_656 = arith.cmpi ne, %select_n3A_599, %select_n3A_639 : i32
        %ne3A_657 = arith.cmpi ne, %select_n3A_615, %select_n3A_655 : i32
        %or3A_658 = arith.constant false
        %or3A_659 = arith.ori %or3A_658, %ne3A_656 : i1
        %or3A_660 = arith.ori %or3A_659, %ne3A_657 : i1
        %or3A_661 = arith.constant false
        %or3A_662 = arith.ori %or3A_660, %or3A_661 : i1
        %ge3A_663 = arith.constant 23 : i32
        %ge3A_664 = arith.cmpi sge, %scan3A_307, %ge3A_663 : i32
        %not3A_665 = arith.constant true
        %not3A_666 = arith.xori %ge3A_664, %not3A_665 : i1
        %and3A_667 = arith.andi %or3A_662, %not3A_666 : i1
        %jit3A_668 = arith.constant 16 : i32
        %div3A_669 = arith.divsi %add3A_321, %jit3A_668 : i32
        %sign3A_670 = arith.constant 0 : i32
        %sign3A_671 = arith.cmpi sgt, %add3A_321, %sign3A_670 : i32
        %sign3A_672 = arith.extui %sign3A_671 : i1 to i32
        %sign3A_673 = arith.constant 0 : i32
        %sign3A_674 = arith.cmpi slt, %add3A_321, %sign3A_673 : i32
        %sign3A_675 = arith.extui %sign3A_674 : i1 to i32
        %sign3A_676 = arith.subi %sign3A_672, %sign3A_675 : i32
        %sign3A_677 = arith.constant 0 : i32
        %sign3A_678 = arith.cmpi sgt, %jit3A_668, %sign3A_677 : i32
        %sign3A_679 = arith.extui %sign3A_678 : i1 to i32
        %sign3A_680 = arith.constant 0 : i32
        %sign3A_681 = arith.cmpi slt, %jit3A_668, %sign3A_680 : i32
        %sign3A_682 = arith.extui %sign3A_681 : i1 to i32
        %sign3A_683 = arith.subi %sign3A_679, %sign3A_682 : i32
        %ne3A_684 = arith.cmpi ne, %sign3A_676, %sign3A_683 : i32
        %rem3A_685 = arith.remsi %add3A_321, %jit3A_668 : i32
        %ne3A_686 = arith.constant 0 : i32
        %ne3A_687 = arith.cmpi ne, %rem3A_685, %ne3A_686 : i32
        %and3A_688 = arith.andi %ne3A_684, %ne3A_687 : i1
        %sub3A_689 = arith.constant 1 : i32
        %sub3A_690 = arith.subi %div3A_669, %sub3A_689 : i32
        %select_n3A_691 = arith.select %and3A_688, %sub3A_690, %div3A_669 : i32
        %jit3A_692 = arith.constant 16 : i32
        %div3A_693 = arith.divsi %add3A_330, %jit3A_692 : i32
        %sign3A_694 = arith.constant 0 : i32
        %sign3A_695 = arith.cmpi sgt, %add3A_330, %sign3A_694 : i32
        %sign3A_696 = arith.extui %sign3A_695 : i1 to i32
        %sign3A_697 = arith.constant 0 : i32
        %sign3A_698 = arith.cmpi slt, %add3A_330, %sign3A_697 : i32
        %sign3A_699 = arith.extui %sign3A_698 : i1 to i32
        %sign3A_700 = arith.subi %sign3A_696, %sign3A_699 : i32
        %sign3A_701 = arith.constant 0 : i32
        %sign3A_702 = arith.cmpi sgt, %jit3A_692, %sign3A_701 : i32
        %sign3A_703 = arith.extui %sign3A_702 : i1 to i32
        %sign3A_704 = arith.constant 0 : i32
        %sign3A_705 = arith.cmpi slt, %jit3A_692, %sign3A_704 : i32
        %sign3A_706 = arith.extui %sign3A_705 : i1 to i32
        %sign3A_707 = arith.subi %sign3A_703, %sign3A_706 : i32
        %ne3A_708 = arith.cmpi ne, %sign3A_700, %sign3A_707 : i32
        %rem3A_709 = arith.remsi %add3A_330, %jit3A_692 : i32
        %ne3A_710 = arith.constant 0 : i32
        %ne3A_711 = arith.cmpi ne, %rem3A_709, %ne3A_710 : i32
        %and3A_712 = arith.andi %ne3A_708, %ne3A_711 : i1
        %sub3A_713 = arith.constant 1 : i32
        %sub3A_714 = arith.subi %div3A_693, %sub3A_713 : i32
        %select_n3A_715 = arith.select %and3A_712, %sub3A_714, %div3A_693 : i32
        %ne3A_716 = arith.cmpi ne, %select_n3A_691, %select_n3A_715 : i32
        %or3A_717 = arith.constant false
        %or3A_718 = arith.ori %or3A_717, %ne3A_716 : i1
        %or3A_719 = arith.constant false
        %or3A_720 = arith.ori %or3A_718, %or3A_719 : i1
        %or3A_721 = arith.ori %or3A_720, %eq3A_318 : i1
        %convert_element_type3A_722 = arith.extui %or3A_721 : i1 to i32
        %cond3A_723 = arith.constant 0 : i32
        %cond3A_724 = arith.cmpi ne, %convert_element_type3A_722, %cond3A_723 : i32
        scf.if %cond3A_724 {
          %jit3A_1812 = arith.constant 16 : i32
          "tpu.trace_start"() <{level = 10 : i32, message = "ep_wait_in"}> : () -> ()
          %div3A_1813 = arith.divsi %add3A_321, %jit3A_1812 : i32
          %sign3A_1814 = arith.constant 0 : i32
          %sign3A_1815 = arith.cmpi sgt, %add3A_321, %sign3A_1814 : i32
          %sign3A_1816 = arith.extui %sign3A_1815 : i1 to i32
          %sign3A_1817 = arith.constant 0 : i32
          %sign3A_1818 = arith.cmpi slt, %add3A_321, %sign3A_1817 : i32
          %sign3A_1819 = arith.extui %sign3A_1818 : i1 to i32
          %sign3A_1820 = arith.subi %sign3A_1816, %sign3A_1819 : i32
          %sign3A_1821 = arith.constant 0 : i32
          %sign3A_1822 = arith.cmpi sgt, %jit3A_1812, %sign3A_1821 : i32
          %sign3A_1823 = arith.extui %sign3A_1822 : i1 to i32
          %sign3A_1824 = arith.constant 0 : i32
          %sign3A_1825 = arith.cmpi slt, %jit3A_1812, %sign3A_1824 : i32
          %sign3A_1826 = arith.extui %sign3A_1825 : i1 to i32
          %sign3A_1827 = arith.subi %sign3A_1823, %sign3A_1826 : i32
          %ne3A_1828 = arith.cmpi ne, %sign3A_1820, %sign3A_1827 : i32
          %rem3A_1829 = arith.remsi %add3A_321, %jit3A_1812 : i32
          %ne3A_1830 = arith.constant 0 : i32
          %ne3A_1831 = arith.cmpi ne, %rem3A_1829, %ne3A_1830 : i32
          %and3A_1832 = arith.andi %ne3A_1828, %ne3A_1831 : i1
          %sub3A_1833 = arith.constant 1 : i32
          %sub3A_1834 = arith.subi %div3A_1813, %sub3A_1833 : i32
          %select_n3A_1835 = arith.select %and3A_1832, %sub3A_1834, %div3A_1813 : i32
          %mul3A_1836 = arith.constant 1 : i32
          %mul3A_1837 = arith.muli %mul3A_1836, %select_n3A_1835 : i32
          %rem3A_1838 = arith.constant 2 : i32
          %rem3A_1839 = arith.remui %scan3A_309, %rem3A_1838 : i32
          %dma_wait3A_1840 = arith.constant 0 : i32
          %dma_wait3A_1841 = arith.constant 0 : i32
          %dma_wait3A_1842 = tpu.memref_slice %run_scoped3A[%rem3A_1839, %dma_wait3A_1840, %dma_wait3A_1841] : memref<2x1x272xf32, #tpu.memory_space<vmem>> -> memref<1x1x272xf32, #tpu.memory_space<vmem>>
          %dma_wait3A_1843 = tpu.memref_squeeze %dma_wait3A_1842 : memref<1x1x272xf32, #tpu.memory_space<vmem>> -> memref<1x272xf32, #tpu.memory_space<vmem>>
          %dma_wait3A_1844 = arith.constant 0 : i32
          %dma_wait3A_1845 = tpu.memref_slice %arg2[%mul3A_1837, %dma_wait3A_1844] : memref<48x272xf32, #tpu.memory_space<hbm>> -> memref<1x272xf32, #tpu.memory_space<hbm>>
          %dma_wait3A_1846 = tpu.memref_slice %run_scoped3A_7[%rem3A_1839] : memref<2x!tpu.dma_semaphore, #tpu.memory_space<semaphore_mem>> -> memref<1x!tpu.dma_semaphore, #tpu.memory_space<semaphore_mem>>
          %dma_wait3A_1847 = tpu.memref_squeeze %dma_wait3A_1846 : memref<1x!tpu.dma_semaphore, #tpu.memory_space<semaphore_mem>> -> memref<!tpu.dma_semaphore, #tpu.memory_space<semaphore_mem>>
          %dma_wait3A_1848 = arith.constant 0 : i32
          %dma_wait3A_1849 = arith.constant 0 : i32
          %dma_wait3A_1850 = tpu.memref_slice %run_scoped3A[%rem3A_1839, %dma_wait3A_1848, %dma_wait3A_1849] : memref<2x1x272xf32, #tpu.memory_space<vmem>> -> memref<1x1x272xf32, #tpu.memory_space<vmem>>
          %dma_wait3A_1851 = tpu.memref_squeeze %dma_wait3A_1850 : memref<1x1x272xf32, #tpu.memory_space<vmem>> -> memref<1x272xf32, #tpu.memory_space<vmem>>
          %dma_wait3A_1852 = arith.constant 0 : i32
          %dma_wait3A_1853 = tpu.memref_slice %arg2[%mul3A_1837, %dma_wait3A_1852] : memref<48x272xf32, #tpu.memory_space<hbm>> -> memref<1x272xf32, #tpu.memory_space<hbm>>
          tpu.wait_dma2 semaphore(%dma_wait3A_1847 : memref<!tpu.dma_semaphore, #tpu.memory_space<semaphore_mem>>) src(%dma_wait3A_1853 : memref<1x272xf32, #tpu.memory_space<hbm>>) dst(%dma_wait3A_1851 : memref<1x272xf32, #tpu.memory_space<vmem>>)
          "tpu.trace_stop"() : () -> ()
        } else {
        }
        %jit3A_725 = arith.constant 16 : i32
        %div3A_726 = arith.divsi %add3A_321, %jit3A_725 : i32
        %sign3A_727 = arith.constant 0 : i32
        %sign3A_728 = arith.cmpi sgt, %add3A_321, %sign3A_727 : i32
        %sign3A_729 = arith.extui %sign3A_728 : i1 to i32
        %sign3A_730 = arith.constant 0 : i32
        %sign3A_731 = arith.cmpi slt, %add3A_321, %sign3A_730 : i32
        %sign3A_732 = arith.extui %sign3A_731 : i1 to i32
        %sign3A_733 = arith.subi %sign3A_729, %sign3A_732 : i32
        %sign3A_734 = arith.constant 0 : i32
        %sign3A_735 = arith.cmpi sgt, %jit3A_725, %sign3A_734 : i32
        %sign3A_736 = arith.extui %sign3A_735 : i1 to i32
        %sign3A_737 = arith.constant 0 : i32
        %sign3A_738 = arith.cmpi slt, %jit3A_725, %sign3A_737 : i32
        %sign3A_739 = arith.extui %sign3A_738 : i1 to i32
        %sign3A_740 = arith.subi %sign3A_736, %sign3A_739 : i32
        %ne3A_741 = arith.cmpi ne, %sign3A_733, %sign3A_740 : i32
        %rem3A_742 = arith.remsi %add3A_321, %jit3A_725 : i32
        %ne3A_743 = arith.constant 0 : i32
        %ne3A_744 = arith.cmpi ne, %rem3A_742, %ne3A_743 : i32
        %and3A_745 = arith.andi %ne3A_741, %ne3A_744 : i1
        %sub3A_746 = arith.constant 1 : i32
        %sub3A_747 = arith.subi %div3A_726, %sub3A_746 : i32
        %select_n3A_748 = arith.select %and3A_745, %sub3A_747, %div3A_726 : i32
        %jit3A_749 = arith.constant 16 : i32
        %div3A_750 = arith.divsi %add3A_330, %jit3A_749 : i32
        %sign3A_751 = arith.constant 0 : i32
        %sign3A_752 = arith.cmpi sgt, %add3A_330, %sign3A_751 : i32
        %sign3A_753 = arith.extui %sign3A_752 : i1 to i32
        %sign3A_754 = arith.constant 0 : i32
        %sign3A_755 = arith.cmpi slt, %add3A_330, %sign3A_754 : i32
        %sign3A_756 = arith.extui %sign3A_755 : i1 to i32
        %sign3A_757 = arith.subi %sign3A_753, %sign3A_756 : i32
        %sign3A_758 = arith.constant 0 : i32
        %sign3A_759 = arith.cmpi sgt, %jit3A_749, %sign3A_758 : i32
        %sign3A_760 = arith.extui %sign3A_759 : i1 to i32
        %sign3A_761 = arith.constant 0 : i32
        %sign3A_762 = arith.cmpi slt, %jit3A_749, %sign3A_761 : i32
        %sign3A_763 = arith.extui %sign3A_762 : i1 to i32
        %sign3A_764 = arith.subi %sign3A_760, %sign3A_763 : i32
        %ne3A_765 = arith.cmpi ne, %sign3A_757, %sign3A_764 : i32
        %rem3A_766 = arith.remsi %add3A_330, %jit3A_749 : i32
        %ne3A_767 = arith.constant 0 : i32
        %ne3A_768 = arith.cmpi ne, %rem3A_766, %ne3A_767 : i32
        %and3A_769 = arith.andi %ne3A_765, %ne3A_768 : i1
        %sub3A_770 = arith.constant 1 : i32
        %sub3A_771 = arith.subi %div3A_750, %sub3A_770 : i32
        %select_n3A_772 = arith.select %and3A_769, %sub3A_771, %div3A_750 : i32
        %ne3A_773 = arith.cmpi ne, %select_n3A_748, %select_n3A_772 : i32
        %or3A_774 = arith.constant false
        %or3A_775 = arith.ori %or3A_774, %ne3A_773 : i1
        %or3A_776 = arith.constant false
        %or3A_777 = arith.ori %or3A_775, %or3A_776 : i1
        %or3A_778 = arith.ori %or3A_777, %eq3A_318 : i1
        %convert_element_type3A_779 = arith.extui %or3A_778 : i1 to i32
        %cond3A_780 = arith.constant 0 : i32
        %cond3A_781 = arith.cmpi ne, %convert_element_type3A_779, %cond3A_780 : i32
        scf.if %cond3A_781 {
          %jit3A_1812 = arith.constant 16 : i32
          "tpu.trace_start"() <{level = 10 : i32, message = "ep_wait_in"}> : () -> ()
          %div3A_1813 = arith.divsi %add3A_321, %jit3A_1812 : i32
          %sign3A_1814 = arith.constant 0 : i32
          %sign3A_1815 = arith.cmpi sgt, %add3A_321, %sign3A_1814 : i32
          %sign3A_1816 = arith.extui %sign3A_1815 : i1 to i32
          %sign3A_1817 = arith.constant 0 : i32
          %sign3A_1818 = arith.cmpi slt, %add3A_321, %sign3A_1817 : i32
          %sign3A_1819 = arith.extui %sign3A_1818 : i1 to i32
          %sign3A_1820 = arith.subi %sign3A_1816, %sign3A_1819 : i32
          %sign3A_1821 = arith.constant 0 : i32
          %sign3A_1822 = arith.cmpi sgt, %jit3A_1812, %sign3A_1821 : i32
          %sign3A_1823 = arith.extui %sign3A_1822 : i1 to i32
          %sign3A_1824 = arith.constant 0 : i32
          %sign3A_1825 = arith.cmpi slt, %jit3A_1812, %sign3A_1824 : i32
          %sign3A_1826 = arith.extui %sign3A_1825 : i1 to i32
          %sign3A_1827 = arith.subi %sign3A_1823, %sign3A_1826 : i32
          %ne3A_1828 = arith.cmpi ne, %sign3A_1820, %sign3A_1827 : i32
          %rem3A_1829 = arith.remsi %add3A_321, %jit3A_1812 : i32
          %ne3A_1830 = arith.constant 0 : i32
          %ne3A_1831 = arith.cmpi ne, %rem3A_1829, %ne3A_1830 : i32
          %and3A_1832 = arith.andi %ne3A_1828, %ne3A_1831 : i1
          %sub3A_1833 = arith.constant 1 : i32
          %sub3A_1834 = arith.subi %div3A_1813, %sub3A_1833 : i32
          %select_n3A_1835 = arith.select %and3A_1832, %sub3A_1834, %div3A_1813 : i32
          %mul3A_1836 = arith.constant 1 : i32
          %mul3A_1837 = arith.muli %mul3A_1836, %select_n3A_1835 : i32
          %rem3A_1838 = arith.constant 2 : i32
          %rem3A_1839 = arith.remui %scan3A_311, %rem3A_1838 : i32
          %dma_wait3A_1840 = arith.constant 0 : i32
          %dma_wait3A_1841 = arith.constant 0 : i32
          %dma_wait3A_1842 = tpu.memref_slice %run_scoped3A_8[%rem3A_1839, %dma_wait3A_1840, %dma_wait3A_1841] : memref<2x1x272xf32, #tpu.memory_space<vmem>> -> memref<1x1x272xf32, #tpu.memory_space<vmem>>
          %dma_wait3A_1843 = tpu.memref_squeeze %dma_wait3A_1842 : memref<1x1x272xf32, #tpu.memory_space<vmem>> -> memref<1x272xf32, #tpu.memory_space<vmem>>
          %dma_wait3A_1844 = arith.constant 0 : i32
          %dma_wait3A_1845 = tpu.memref_slice %arg3[%mul3A_1837, %dma_wait3A_1844] : memref<48x272xf32, #tpu.memory_space<hbm>> -> memref<1x272xf32, #tpu.memory_space<hbm>>
          %dma_wait3A_1846 = tpu.memref_slice %run_scoped3A_9[%rem3A_1839] : memref<2x!tpu.dma_semaphore, #tpu.memory_space<semaphore_mem>> -> memref<1x!tpu.dma_semaphore, #tpu.memory_space<semaphore_mem>>
          %dma_wait3A_1847 = tpu.memref_squeeze %dma_wait3A_1846 : memref<1x!tpu.dma_semaphore, #tpu.memory_space<semaphore_mem>> -> memref<!tpu.dma_semaphore, #tpu.memory_space<semaphore_mem>>
          %dma_wait3A_1848 = arith.constant 0 : i32
          %dma_wait3A_1849 = arith.constant 0 : i32
          %dma_wait3A_1850 = tpu.memref_slice %run_scoped3A_8[%rem3A_1839, %dma_wait3A_1848, %dma_wait3A_1849] : memref<2x1x272xf32, #tpu.memory_space<vmem>> -> memref<1x1x272xf32, #tpu.memory_space<vmem>>
          %dma_wait3A_1851 = tpu.memref_squeeze %dma_wait3A_1850 : memref<1x1x272xf32, #tpu.memory_space<vmem>> -> memref<1x272xf32, #tpu.memory_space<vmem>>
          %dma_wait3A_1852 = arith.constant 0 : i32
          %dma_wait3A_1853 = tpu.memref_slice %arg3[%mul3A_1837, %dma_wait3A_1852] : memref<48x272xf32, #tpu.memory_space<hbm>> -> memref<1x272xf32, #tpu.memory_space<hbm>>
          tpu.wait_dma2 semaphore(%dma_wait3A_1847 : memref<!tpu.dma_semaphore, #tpu.memory_space<semaphore_mem>>) src(%dma_wait3A_1853 : memref<1x272xf32, #tpu.memory_space<hbm>>) dst(%dma_wait3A_1851 : memref<1x272xf32, #tpu.memory_space<vmem>>)
          "tpu.trace_stop"() : () -> ()
        } else {
        }
        %jit3A_782 = arith.constant 16 : i32
        %div3A_783 = arith.divsi %add3A_321, %jit3A_782 : i32
        %sign3A_784 = arith.constant 0 : i32
        %sign3A_785 = arith.cmpi sgt, %add3A_321, %sign3A_784 : i32
        %sign3A_786 = arith.extui %sign3A_785 : i1 to i32
        %sign3A_787 = arith.constant 0 : i32
        %sign3A_788 = arith.cmpi slt, %add3A_321, %sign3A_787 : i32
        %sign3A_789 = arith.extui %sign3A_788 : i1 to i32
        %sign3A_790 = arith.subi %sign3A_786, %sign3A_789 : i32
        %sign3A_791 = arith.constant 0 : i32
        %sign3A_792 = arith.cmpi sgt, %jit3A_782, %sign3A_791 : i32
        %sign3A_793 = arith.extui %sign3A_792 : i1 to i32
        %sign3A_794 = arith.constant 0 : i32
        %sign3A_795 = arith.cmpi slt, %jit3A_782, %sign3A_794 : i32
        %sign3A_796 = arith.extui %sign3A_795 : i1 to i32
        %sign3A_797 = arith.subi %sign3A_793, %sign3A_796 : i32
        %ne3A_798 = arith.cmpi ne, %sign3A_790, %sign3A_797 : i32
        %rem3A_799 = arith.remsi %add3A_321, %jit3A_782 : i32
        %ne3A_800 = arith.constant 0 : i32
        %ne3A_801 = arith.cmpi ne, %rem3A_799, %ne3A_800 : i32
        %and3A_802 = arith.andi %ne3A_798, %ne3A_801 : i1
        %sub3A_803 = arith.constant 1 : i32
        %sub3A_804 = arith.subi %div3A_783, %sub3A_803 : i32
        %select_n3A_805 = arith.select %and3A_802, %sub3A_804, %div3A_783 : i32
        %jit3A_806 = arith.constant 16 : i32
        %eq3A_807 = arith.constant 0 : i32
        %eq3A_808 = arith.cmpi eq, %jit3A_806, %eq3A_807 : i32
        %jit3A_809 = arith.constant 1 : i32
        %select_n3A_810 = arith.select %eq3A_808, %jit3A_809, %jit3A_806 : i32
        %rem3A_811 = arith.remsi %add3A_321, %select_n3A_810 : i32
        %ne3A_812 = arith.constant 0 : i32
        %ne3A_813 = arith.cmpi ne, %rem3A_811, %ne3A_812 : i32
        %lt3A_814 = arith.constant 0 : i32
        %lt3A_815 = arith.cmpi slt, %rem3A_811, %lt3A_814 : i32
        %lt3A_816 = arith.constant 0 : i32
        %lt3A_817 = arith.cmpi slt, %select_n3A_810, %lt3A_816 : i32
        %ne3A_818 = arith.xori %lt3A_815, %lt3A_817 : i1
        %and3A_819 = arith.andi %ne3A_818, %ne3A_813 : i1
        %add3A_820 = arith.addi %rem3A_811, %select_n3A_810 : i32
        %select_n3A_821 = arith.select %and3A_819, %add3A_820, %rem3A_811 : i32
        %jit3A_822 = arith.constant 16 : i32
        %div3A_823 = arith.divsi %add3A_330, %jit3A_822 : i32
        %sign3A_824 = arith.constant 0 : i32
        %sign3A_825 = arith.cmpi sgt, %add3A_330, %sign3A_824 : i32
        %sign3A_826 = arith.extui %sign3A_825 : i1 to i32
        %sign3A_827 = arith.constant 0 : i32
        %sign3A_828 = arith.cmpi slt, %add3A_330, %sign3A_827 : i32
        %sign3A_829 = arith.extui %sign3A_828 : i1 to i32
        %sign3A_830 = arith.subi %sign3A_826, %sign3A_829 : i32
        %sign3A_831 = arith.constant 0 : i32
        %sign3A_832 = arith.cmpi sgt, %jit3A_822, %sign3A_831 : i32
        %sign3A_833 = arith.extui %sign3A_832 : i1 to i32
        %sign3A_834 = arith.constant 0 : i32
        %sign3A_835 = arith.cmpi slt, %jit3A_822, %sign3A_834 : i32
        %sign3A_836 = arith.extui %sign3A_835 : i1 to i32
        %sign3A_837 = arith.subi %sign3A_833, %sign3A_836 : i32
        %ne3A_838 = arith.cmpi ne, %sign3A_830, %sign3A_837 : i32
        %rem3A_839 = arith.remsi %add3A_330, %jit3A_822 : i32
        %ne3A_840 = arith.constant 0 : i32
        %ne3A_841 = arith.cmpi ne, %rem3A_839, %ne3A_840 : i32
        %and3A_842 = arith.andi %ne3A_838, %ne3A_841 : i1
        %sub3A_843 = arith.constant 1 : i32
        %sub3A_844 = arith.subi %div3A_823, %sub3A_843 : i32
        %select_n3A_845 = arith.select %and3A_842, %sub3A_844, %div3A_823 : i32
        %jit3A_846 = arith.constant 16 : i32
        %eq3A_847 = arith.constant 0 : i32
        %eq3A_848 = arith.cmpi eq, %jit3A_846, %eq3A_847 : i32
        %jit3A_849 = arith.constant 1 : i32
        %select_n3A_850 = arith.select %eq3A_848, %jit3A_849, %jit3A_846 : i32
        %rem3A_851 = arith.remsi %add3A_330, %select_n3A_850 : i32
        %ne3A_852 = arith.constant 0 : i32
        %ne3A_853 = arith.cmpi ne, %rem3A_851, %ne3A_852 : i32
        %lt3A_854 = arith.constant 0 : i32
        %lt3A_855 = arith.cmpi slt, %rem3A_851, %lt3A_854 : i32
        %lt3A_856 = arith.constant 0 : i32
        %lt3A_857 = arith.cmpi slt, %select_n3A_850, %lt3A_856 : i32
        %ne3A_858 = arith.xori %lt3A_855, %lt3A_857 : i1
        %and3A_859 = arith.andi %ne3A_858, %ne3A_853 : i1
        %add3A_860 = arith.addi %rem3A_851, %select_n3A_850 : i32
        %select_n3A_861 = arith.select %and3A_859, %add3A_860, %rem3A_851 : i32
        %ne3A_862 = arith.cmpi ne, %select_n3A_805, %select_n3A_845 : i32
        %ne3A_863 = arith.cmpi ne, %select_n3A_821, %select_n3A_861 : i32
        %or3A_864 = arith.constant false
        %or3A_865 = arith.ori %or3A_864, %ne3A_862 : i1
        %or3A_866 = arith.ori %or3A_865, %ne3A_863 : i1
        %or3A_867 = arith.constant false
        %or3A_868 = arith.ori %or3A_866, %or3A_867 : i1
        %or3A_869 = arith.ori %or3A_868, %eq3A_318 : i1
        %convert_element_type3A_870 = arith.extui %or3A_869 : i1 to i32
        %cond3A_871 = arith.constant 0 : i32
        %cond3A_872 = arith.cmpi ne, %convert_element_type3A_870, %cond3A_871 : i32
        scf.if %cond3A_872 {
          %jit3A_1812 = arith.constant 16 : i32
          "tpu.trace_start"() <{level = 10 : i32, message = "ep_wait_in"}> : () -> ()
          %div3A_1813 = arith.divsi %add3A_321, %jit3A_1812 : i32
          %sign3A_1814 = arith.constant 0 : i32
          %sign3A_1815 = arith.cmpi sgt, %add3A_321, %sign3A_1814 : i32
          %sign3A_1816 = arith.extui %sign3A_1815 : i1 to i32
          %sign3A_1817 = arith.constant 0 : i32
          %sign3A_1818 = arith.cmpi slt, %add3A_321, %sign3A_1817 : i32
          %sign3A_1819 = arith.extui %sign3A_1818 : i1 to i32
          %sign3A_1820 = arith.subi %sign3A_1816, %sign3A_1819 : i32
          %sign3A_1821 = arith.constant 0 : i32
          %sign3A_1822 = arith.cmpi sgt, %jit3A_1812, %sign3A_1821 : i32
          %sign3A_1823 = arith.extui %sign3A_1822 : i1 to i32
          %sign3A_1824 = arith.constant 0 : i32
          %sign3A_1825 = arith.cmpi slt, %jit3A_1812, %sign3A_1824 : i32
          %sign3A_1826 = arith.extui %sign3A_1825 : i1 to i32
          %sign3A_1827 = arith.subi %sign3A_1823, %sign3A_1826 : i32
          %ne3A_1828 = arith.cmpi ne, %sign3A_1820, %sign3A_1827 : i32
          %rem3A_1829 = arith.remsi %add3A_321, %jit3A_1812 : i32
          %ne3A_1830 = arith.constant 0 : i32
          %ne3A_1831 = arith.cmpi ne, %rem3A_1829, %ne3A_1830 : i32
          %and3A_1832 = arith.andi %ne3A_1828, %ne3A_1831 : i1
          %sub3A_1833 = arith.constant 1 : i32
          %sub3A_1834 = arith.subi %div3A_1813, %sub3A_1833 : i32
          %select_n3A_1835 = arith.select %and3A_1832, %sub3A_1834, %div3A_1813 : i32
          %jit3A_1836 = arith.constant 16 : i32
          %eq3A_1837 = arith.constant 0 : i32
          %eq3A_1838 = arith.cmpi eq, %jit3A_1836, %eq3A_1837 : i32
          %jit3A_1839 = arith.constant 1 : i32
          %select_n3A_1840 = arith.select %eq3A_1838, %jit3A_1839, %jit3A_1836 : i32
          %rem3A_1841 = arith.remsi %add3A_321, %select_n3A_1840 : i32
          %ne3A_1842 = arith.constant 0 : i32
          %ne3A_1843 = arith.cmpi ne, %rem3A_1841, %ne3A_1842 : i32
          %lt3A_1844 = arith.constant 0 : i32
          %lt3A_1845 = arith.cmpi slt, %rem3A_1841, %lt3A_1844 : i32
          %lt3A_1846 = arith.constant 0 : i32
          %lt3A_1847 = arith.cmpi slt, %select_n3A_1840, %lt3A_1846 : i32
          %ne3A_1848 = arith.xori %lt3A_1845, %lt3A_1847 : i1
          %and3A_1849 = arith.andi %ne3A_1848, %ne3A_1843 : i1
          %add3A_1850 = arith.addi %rem3A_1841, %select_n3A_1840 : i32
          %select_n3A_1851 = arith.select %and3A_1849, %add3A_1850, %rem3A_1841 : i32
          %mul3A_1852 = arith.constant 1 : i32
          %mul3A_1853 = arith.muli %mul3A_1852, %select_n3A_1835 : i32
          %mul3A_1854 = arith.constant 32 : i32
          %mul3A_1855 = arith.muli %mul3A_1854, %select_n3A_1851 : i32
          %rem3A_1856 = arith.constant 2 : i32
          %rem3A_1857 = arith.remui %scan3A_313, %rem3A_1856 : i32
          %dma_wait3A_1858 = arith.constant 0 : i32
          %dma_wait3A_1859 = arith.constant 0 : i32
          %dma_wait3A_1860 = arith.constant 0 : i32
          %dma_wait3A_1861 = tpu.memref_slice %run_scoped3A_10[%rem3A_1857, %dma_wait3A_1858, %dma_wait3A_1859, %dma_wait3A_1860] : memref<2x1x32x512xf32, #tpu.memory_space<vmem>> -> memref<1x1x32x512xf32, #tpu.memory_space<vmem>>
          %dma_wait3A_1862 = tpu.memref_squeeze %dma_wait3A_1861 : memref<1x1x32x512xf32, #tpu.memory_space<vmem>> -> memref<1x32x512xf32, #tpu.memory_space<vmem>>
          %dma_wait3A_1863 = arith.constant 0 : i32
          %dma_wait3A_1864 = tpu.memref_slice %arg4[%mul3A_1853, %mul3A_1855, %dma_wait3A_1863] : memref<48x512x512xf32, #tpu.memory_space<hbm>> -> memref<1x32x512xf32, #tpu.memory_space<hbm>>
          %dma_wait3A_1865 = tpu.memref_slice %run_scoped3A_11[%rem3A_1857] : memref<2x!tpu.dma_semaphore, #tpu.memory_space<semaphore_mem>> -> memref<1x!tpu.dma_semaphore, #tpu.memory_space<semaphore_mem>>
          %dma_wait3A_1866 = tpu.memref_squeeze %dma_wait3A_1865 : memref<1x!tpu.dma_semaphore, #tpu.memory_space<semaphore_mem>> -> memref<!tpu.dma_semaphore, #tpu.memory_space<semaphore_mem>>
          %dma_wait3A_1867 = arith.constant 0 : i32
          %dma_wait3A_1868 = arith.constant 0 : i32
          %dma_wait3A_1869 = arith.constant 0 : i32
          %dma_wait3A_1870 = tpu.memref_slice %run_scoped3A_10[%rem3A_1857, %dma_wait3A_1867, %dma_wait3A_1868, %dma_wait3A_1869] : memref<2x1x32x512xf32, #tpu.memory_space<vmem>> -> memref<1x1x32x512xf32, #tpu.memory_space<vmem>>
          %dma_wait3A_1871 = tpu.memref_squeeze %dma_wait3A_1870 : memref<1x1x32x512xf32, #tpu.memory_space<vmem>> -> memref<1x32x512xf32, #tpu.memory_space<vmem>>
          %dma_wait3A_1872 = arith.constant 0 : i32
          %dma_wait3A_1873 = tpu.memref_slice %arg4[%mul3A_1853, %mul3A_1855, %dma_wait3A_1872] : memref<48x512x512xf32, #tpu.memory_space<hbm>> -> memref<1x32x512xf32, #tpu.memory_space<hbm>>
          tpu.wait_dma2 semaphore(%dma_wait3A_1866 : memref<!tpu.dma_semaphore, #tpu.memory_space<semaphore_mem>>) src(%dma_wait3A_1873 : memref<1x32x512xf32, #tpu.memory_space<hbm>>) dst(%dma_wait3A_1871 : memref<1x32x512xf32, #tpu.memory_space<vmem>>)
          "tpu.trace_stop"() : () -> ()
        } else {
        }
        %jit3A_873 = arith.constant 16 : i32
        %div3A_874 = arith.divsi %add3A_321, %jit3A_873 : i32
        %sign3A_875 = arith.constant 0 : i32
        %sign3A_876 = arith.cmpi sgt, %add3A_321, %sign3A_875 : i32
        %sign3A_877 = arith.extui %sign3A_876 : i1 to i32
        %sign3A_878 = arith.constant 0 : i32
        %sign3A_879 = arith.cmpi slt, %add3A_321, %sign3A_878 : i32
        %sign3A_880 = arith.extui %sign3A_879 : i1 to i32
        %sign3A_881 = arith.subi %sign3A_877, %sign3A_880 : i32
        %sign3A_882 = arith.constant 0 : i32
        %sign3A_883 = arith.cmpi sgt, %jit3A_873, %sign3A_882 : i32
        %sign3A_884 = arith.extui %sign3A_883 : i1 to i32
        %sign3A_885 = arith.constant 0 : i32
        %sign3A_886 = arith.cmpi slt, %jit3A_873, %sign3A_885 : i32
        %sign3A_887 = arith.extui %sign3A_886 : i1 to i32
        %sign3A_888 = arith.subi %sign3A_884, %sign3A_887 : i32
        %ne3A_889 = arith.cmpi ne, %sign3A_881, %sign3A_888 : i32
        %rem3A_890 = arith.remsi %add3A_321, %jit3A_873 : i32
        %ne3A_891 = arith.constant 0 : i32
        %ne3A_892 = arith.cmpi ne, %rem3A_890, %ne3A_891 : i32
        %and3A_893 = arith.andi %ne3A_889, %ne3A_892 : i1
        %sub3A_894 = arith.constant 1 : i32
        %sub3A_895 = arith.subi %div3A_874, %sub3A_894 : i32
        %select_n3A_896 = arith.select %and3A_893, %sub3A_895, %div3A_874 : i32
        %jit3A_897 = arith.constant 16 : i32
        %eq3A_898 = arith.constant 0 : i32
        %eq3A_899 = arith.cmpi eq, %jit3A_897, %eq3A_898 : i32
        %jit3A_900 = arith.constant 1 : i32
        %select_n3A_901 = arith.select %eq3A_899, %jit3A_900, %jit3A_897 : i32
        %rem3A_902 = arith.remsi %add3A_321, %select_n3A_901 : i32
        %ne3A_903 = arith.constant 0 : i32
        %ne3A_904 = arith.cmpi ne, %rem3A_902, %ne3A_903 : i32
        %lt3A_905 = arith.constant 0 : i32
        %lt3A_906 = arith.cmpi slt, %rem3A_902, %lt3A_905 : i32
        %lt3A_907 = arith.constant 0 : i32
        %lt3A_908 = arith.cmpi slt, %select_n3A_901, %lt3A_907 : i32
        %ne3A_909 = arith.xori %lt3A_906, %lt3A_908 : i1
        %and3A_910 = arith.andi %ne3A_909, %ne3A_904 : i1
        %add3A_911 = arith.addi %rem3A_902, %select_n3A_901 : i32
        %select_n3A_912 = arith.select %and3A_910, %add3A_911, %rem3A_902 : i32
        %jit3A_913 = arith.constant 16 : i32
        %div3A_914 = arith.divsi %add3A_330, %jit3A_913 : i32
        %sign3A_915 = arith.constant 0 : i32
        %sign3A_916 = arith.cmpi sgt, %add3A_330, %sign3A_915 : i32
        %sign3A_917 = arith.extui %sign3A_916 : i1 to i32
        %sign3A_918 = arith.constant 0 : i32
        %sign3A_919 = arith.cmpi slt, %add3A_330, %sign3A_918 : i32
        %sign3A_920 = arith.extui %sign3A_919 : i1 to i32
        %sign3A_921 = arith.subi %sign3A_917, %sign3A_920 : i32
        %sign3A_922 = arith.constant 0 : i32
        %sign3A_923 = arith.cmpi sgt, %jit3A_913, %sign3A_922 : i32
        %sign3A_924 = arith.extui %sign3A_923 : i1 to i32
        %sign3A_925 = arith.constant 0 : i32
        %sign3A_926 = arith.cmpi slt, %jit3A_913, %sign3A_925 : i32
        %sign3A_927 = arith.extui %sign3A_926 : i1 to i32
        %sign3A_928 = arith.subi %sign3A_924, %sign3A_927 : i32
        %ne3A_929 = arith.cmpi ne, %sign3A_921, %sign3A_928 : i32
        %rem3A_930 = arith.remsi %add3A_330, %jit3A_913 : i32
        %ne3A_931 = arith.constant 0 : i32
        %ne3A_932 = arith.cmpi ne, %rem3A_930, %ne3A_931 : i32
        %and3A_933 = arith.andi %ne3A_929, %ne3A_932 : i1
        %sub3A_934 = arith.constant 1 : i32
        %sub3A_935 = arith.subi %div3A_914, %sub3A_934 : i32
        %select_n3A_936 = arith.select %and3A_933, %sub3A_935, %div3A_914 : i32
        %jit3A_937 = arith.constant 16 : i32
        %eq3A_938 = arith.constant 0 : i32
        %eq3A_939 = arith.cmpi eq, %jit3A_937, %eq3A_938 : i32
        %jit3A_940 = arith.constant 1 : i32
        %select_n3A_941 = arith.select %eq3A_939, %jit3A_940, %jit3A_937 : i32
        %rem3A_942 = arith.remsi %add3A_330, %select_n3A_941 : i32
        %ne3A_943 = arith.constant 0 : i32
        %ne3A_944 = arith.cmpi ne, %rem3A_942, %ne3A_943 : i32
        %lt3A_945 = arith.constant 0 : i32
        %lt3A_946 = arith.cmpi slt, %rem3A_942, %lt3A_945 : i32
        %lt3A_947 = arith.constant 0 : i32
        %lt3A_948 = arith.cmpi slt, %select_n3A_941, %lt3A_947 : i32
        %ne3A_949 = arith.xori %lt3A_946, %lt3A_948 : i1
        %and3A_950 = arith.andi %ne3A_949, %ne3A_944 : i1
        %add3A_951 = arith.addi %rem3A_942, %select_n3A_941 : i32
        %select_n3A_952 = arith.select %and3A_950, %add3A_951, %rem3A_942 : i32
        %ne3A_953 = arith.cmpi ne, %select_n3A_896, %select_n3A_936 : i32
        %ne3A_954 = arith.cmpi ne, %select_n3A_912, %select_n3A_952 : i32
        %or3A_955 = arith.constant false
        %or3A_956 = arith.ori %or3A_955, %ne3A_953 : i1
        %or3A_957 = arith.ori %or3A_956, %ne3A_954 : i1
        %or3A_958 = arith.constant false
        %or3A_959 = arith.ori %or3A_957, %or3A_958 : i1
        %or3A_960 = arith.ori %or3A_959, %eq3A_318 : i1
        %convert_element_type3A_961 = arith.extui %or3A_960 : i1 to i32
        %cond3A_962 = arith.constant 0 : i32
        %cond3A_963 = arith.cmpi ne, %convert_element_type3A_961, %cond3A_962 : i32
        scf.if %cond3A_963 {
        } else {
        }
        %rem3A_964 = arith.constant 2 : i32
        %rem3A_965 = arith.remui %scan3A_309, %rem3A_964 : i32
        %rem3A_966 = arith.constant 2 : i32
        %rem3A_967 = arith.remui %scan3A_311, %rem3A_966 : i32
        %rem3A_968 = arith.constant 2 : i32
        %rem3A_969 = arith.remui %scan3A_313, %rem3A_968 : i32
        %rem3A_970 = arith.constant 2 : i32
        %rem3A_971 = arith.remui %scan3A_314, %rem3A_970 : i32
        "tpu.trace_start"() <{level = 10 : i32, message = "ep_run_kernel"}> : () -> ()
        %iota3A = tpu.iota {dimensions = array<i32: 0>} : vector<16xi32>
        %scan3A_972 = arith.constant 0 : i32
        %scan3A_973 = arith.constant 32 : i32
        %scan3A_974 = arith.addi %scan3A_972, %scan3A_973 : i32
        %scan3A_975 = arith.constant 1 : i32
        scf.for %scan3A_1812 = %scan3A_972 to %scan3A_974 step %scan3A_975  : i32 {
          %mul3A_1813 = arith.constant 1 : i32
          %mul3A_1814 = arith.muli %scan3A_1812, %mul3A_1813 : i32
          %add3A_1815 = arith.constant 0 : i32
          %add3A_1816 = arith.addi %add3A_1815, %mul3A_1814 : i32
          %parallel_loop3A = arith.constant 0 : i32
          %parallel_loop3A_1817 = arith.constant 512 : i32
          %parallel_loop3A_1818 = arith.constant 16 : i32
          scf.for %parallel_loop3A_1819 = %parallel_loop3A to %parallel_loop3A_1817 step %parallel_loop3A_1818  : i32 {
            %parallel_loop3A_1820 = arith.constant 0 : i32
            %parallel_loop3A_1821 = arith.constant 0 : i32
            %parallel_loop3A_1822 = arith.constant 0 : i32
            %parallel_loop3A_1823 = arith.constant 0 : i32
            %parallel_loop3A_1824 = tpu.memref_slice %run_scoped3A_10[%rem3A_969, %parallel_loop3A_1821, %parallel_loop3A_1822, %parallel_loop3A_1823] : memref<2x1x32x512xf32, #tpu.memory_space<vmem>> -> memref<1x1x32x512xf32, #tpu.memory_space<vmem>>
            %parallel_loop3A_1825 = tpu.memref_squeeze %parallel_loop3A_1824 : memref<1x1x32x512xf32, #tpu.memory_space<vmem>> -> memref<1x32x512xf32, #tpu.memory_space<vmem>>
            %parallel_loop3A_1826 = arith.index_cast %parallel_loop3A_1820 : i32 to index
            %parallel_loop3A_1827 = arith.index_cast %add3A_1816 : i32 to index
            %parallel_loop3A_1828 = arith.index_cast %parallel_loop3A_1819 : i32 to index
            %parallel_loop3A_1829 = tpu.vector_load %parallel_loop3A_1825[%parallel_loop3A_1826, %parallel_loop3A_1827, %parallel_loop3A_1828] {strides = array<i32>} : memref<1x32x512xf32, #tpu.memory_space<vmem>>, vector<16xf32>,
            %parallel_loop3A_1830 = arith.constant 1.700000e+01 : f32
            %parallel_loop3A_1831 = vector.broadcast %parallel_loop3A_1830 : f32 to vector<16xf32>
            %parallel_loop3A_1832 = arith.mulf %parallel_loop3A_1829, %parallel_loop3A_1831 : vector<16xf32>
            %parallel_loop3A_1833 = arith.fptosi %parallel_loop3A_1832 : vector<16xf32> to vector<16xi32>
            %parallel_loop3A_1834 = arith.constant 16 : i32
            %parallel_loop3A_1835 = vector.broadcast %parallel_loop3A_1834 : i32 to vector<16xi32>
            %parallel_loop3A_1836 = arith.muli %parallel_loop3A_1833, %parallel_loop3A_1835 : vector<16xi32>
            %parallel_loop3A_1837 = arith.addi %parallel_loop3A_1836, %iota3A : vector<16xi32>
            %parallel_loop3A_1838 = arith.constant 0 : i32
            %parallel_loop3A_1839 = arith.constant 0 : i32
            %parallel_loop3A_1840 = arith.constant 0 : i32
            %parallel_loop3A_1841 = tpu.memref_slice %run_scoped3A[%rem3A_965, %parallel_loop3A_1839, %parallel_loop3A_1840] : memref<2x1x272xf32, #tpu.memory_space<vmem>> -> memref<1x1x272xf32, #tpu.memory_space<vmem>>
            %parallel_loop3A_1842 = tpu.memref_squeeze %parallel_loop3A_1841 : memref<1x1x272xf32, #tpu.memory_space<vmem>> -> memref<1x272xf32, #tpu.memory_space<vmem>>
            %parallel_loop3A_1843 = arith.constant 0 : i32
            %parallel_loop3A_1844 = tpu.memref_slice %parallel_loop3A_1842[%parallel_loop3A_1838, %parallel_loop3A_1843] : memref<1x272xf32, #tpu.memory_space<vmem>> -> memref<1x272xf32, #tpu.memory_space<vmem>>
            %parallel_loop3A_1845 = tpu.memref_squeeze %parallel_loop3A_1844 : memref<1x272xf32, #tpu.memory_space<vmem>> -> memref<272xf32, #tpu.memory_space<vmem>>
            %parallel_loop3A_1846 = tpu.vector_load_idx %parallel_loop3A_1845[%parallel_loop3A_1837] : memref<272xf32, #tpu.memory_space<vmem>>[vector<16xi32>], vector<16xf32>,
            %parallel_loop3A_1847 = arith.constant 0 : i32
            %parallel_loop3A_1848 = arith.constant 0 : i32
            %parallel_loop3A_1849 = arith.constant 0 : i32
            %parallel_loop3A_1850 = tpu.memref_slice %run_scoped3A_8[%rem3A_967, %parallel_loop3A_1848, %parallel_loop3A_1849] : memref<2x1x272xf32, #tpu.memory_space<vmem>> -> memref<1x1x272xf32, #tpu.memory_space<vmem>>
            %parallel_loop3A_1851 = tpu.memref_squeeze %parallel_loop3A_1850 : memref<1x1x272xf32, #tpu.memory_space<vmem>> -> memref<1x272xf32, #tpu.memory_space<vmem>>
            %parallel_loop3A_1852 = arith.constant 0 : i32
            %parallel_loop3A_1853 = tpu.memref_slice %parallel_loop3A_1851[%parallel_loop3A_1847, %parallel_loop3A_1852] : memref<1x272xf32, #tpu.memory_space<vmem>> -> memref<1x272xf32, #tpu.memory_space<vmem>>
            %parallel_loop3A_1854 = tpu.memref_squeeze %parallel_loop3A_1853 : memref<1x272xf32, #tpu.memory_space<vmem>> -> memref<272xf32, #tpu.memory_space<vmem>>
            %parallel_loop3A_1855 = tpu.vector_load_idx %parallel_loop3A_1854[%parallel_loop3A_1837] : memref<272xf32, #tpu.memory_space<vmem>>[vector<16xi32>], vector<16xf32>,
            %parallel_loop3A_1856 = arith.mulf %parallel_loop3A_1855, %parallel_loop3A_1832 : vector<16xf32>
            %parallel_loop3A_1857 = arith.addf %parallel_loop3A_1846, %parallel_loop3A_1856 : vector<16xf32>
            %parallel_loop3A_1858 = arith.constant 0 : i32
            %parallel_loop3A_1859 = arith.constant 0 : i32
            %parallel_loop3A_1860 = arith.constant 0 : i32
            %parallel_loop3A_1861 = arith.constant 0 : i32
            %parallel_loop3A_1862 = tpu.memref_slice %run_scoped3A_12[%rem3A_971, %parallel_loop3A_1859, %parallel_loop3A_1860, %parallel_loop3A_1861] : memref<2x1x32x512xf32, #tpu.memory_space<vmem>> -> memref<1x1x32x512xf32, #tpu.memory_space<vmem>>
            %parallel_loop3A_1863 = tpu.memref_squeeze %parallel_loop3A_1862 : memref<1x1x32x512xf32, #tpu.memory_space<vmem>> -> memref<1x32x512xf32, #tpu.memory_space<vmem>>
            %parallel_loop3A_1864 = arith.index_cast %parallel_loop3A_1858 : i32 to index
            %parallel_loop3A_1865 = arith.index_cast %add3A_1816 : i32 to index
            %parallel_loop3A_1866 = arith.index_cast %parallel_loop3A_1819 : i32 to index
            %parallel_loop3A_1867 = tpu.vector_load %parallel_loop3A_1863[%parallel_loop3A_1864, %parallel_loop3A_1865, %parallel_loop3A_1866] {strides = array<i32>} : memref<1x32x512xf32, #tpu.memory_space<vmem>>, vector<16xf32>,
            tpu.vector_store %parallel_loop3A_1863[%parallel_loop3A_1864, %parallel_loop3A_1865, %parallel_loop3A_1866], %parallel_loop3A_1857 {strides = array<i32>} : memref<1x32x512xf32, #tpu.memory_space<vmem>>, vector<16xf32>,
          } {sc.loop_unroll_factor = 32 : i64, sc.parallel_access}
        }
        %scan3A_976 = arith.constant 32 : i32
        %jit3A_977 = arith.constant 16 : i32
        "tpu.trace_stop"() : () -> ()
        %div3A_978 = arith.divsi %add3A_321, %jit3A_977 : i32
        %sign3A_979 = arith.constant 0 : i32
        %sign3A_980 = arith.cmpi sgt, %add3A_321, %sign3A_979 : i32
        %sign3A_981 = arith.extui %sign3A_980 : i1 to i32
        %sign3A_982 = arith.constant 0 : i32
        %sign3A_983 = arith.cmpi slt, %add3A_321, %sign3A_982 : i32
        %sign3A_984 = arith.extui %sign3A_983 : i1 to i32
        %sign3A_985 = arith.subi %sign3A_981, %sign3A_984 : i32
        %sign3A_986 = arith.constant 0 : i32
        %sign3A_987 = arith.cmpi sgt, %jit3A_977, %sign3A_986 : i32
        %sign3A_988 = arith.extui %sign3A_987 : i1 to i32
        %sign3A_989 = arith.constant 0 : i32
        %sign3A_990 = arith.cmpi slt, %jit3A_977, %sign3A_989 : i32
        %sign3A_991 = arith.extui %sign3A_990 : i1 to i32
        %sign3A_992 = arith.subi %sign3A_988, %sign3A_991 : i32
        %ne3A_993 = arith.cmpi ne, %sign3A_985, %sign3A_992 : i32
        %rem3A_994 = arith.remsi %add3A_321, %jit3A_977 : i32
        %ne3A_995 = arith.constant 0 : i32
        %ne3A_996 = arith.cmpi ne, %rem3A_994, %ne3A_995 : i32
        %and3A_997 = arith.andi %ne3A_993, %ne3A_996 : i1
        %sub3A_998 = arith.constant 1 : i32
        %sub3A_999 = arith.subi %div3A_978, %sub3A_998 : i32
        %select_n3A_1000 = arith.select %and3A_997, %sub3A_999, %div3A_978 : i32
        %jit3A_1001 = arith.constant 16 : i32
        %div3A_1002 = arith.divsi %add3A_339, %jit3A_1001 : i32
        %sign3A_1003 = arith.constant 0 : i32
        %sign3A_1004 = arith.cmpi sgt, %add3A_339, %sign3A_1003 : i32
        %sign3A_1005 = arith.extui %sign3A_1004 : i1 to i32
        %sign3A_1006 = arith.constant 0 : i32
        %sign3A_1007 = arith.cmpi slt, %add3A_339, %sign3A_1006 : i32
        %sign3A_1008 = arith.extui %sign3A_1007 : i1 to i32
        %sign3A_1009 = arith.subi %sign3A_1005, %sign3A_1008 : i32
        %sign3A_1010 = arith.constant 0 : i32
        %sign3A_1011 = arith.cmpi sgt, %jit3A_1001, %sign3A_1010 : i32
        %sign3A_1012 = arith.extui %sign3A_1011 : i1 to i32
        %sign3A_1013 = arith.constant 0 : i32
        %sign3A_1014 = arith.cmpi slt, %jit3A_1001, %sign3A_1013 : i32
        %sign3A_1015 = arith.extui %sign3A_1014 : i1 to i32
        %sign3A_1016 = arith.subi %sign3A_1012, %sign3A_1015 : i32
        %ne3A_1017 = arith.cmpi ne, %sign3A_1009, %sign3A_1016 : i32
        %rem3A_1018 = arith.remsi %add3A_339, %jit3A_1001 : i32
        %ne3A_1019 = arith.constant 0 : i32
        %ne3A_1020 = arith.cmpi ne, %rem3A_1018, %ne3A_1019 : i32
        %and3A_1021 = arith.andi %ne3A_1017, %ne3A_1020 : i1
        %sub3A_1022 = arith.constant 1 : i32
        %sub3A_1023 = arith.subi %div3A_1002, %sub3A_1022 : i32
        %select_n3A_1024 = arith.select %and3A_1021, %sub3A_1023, %div3A_1002 : i32
        %ne3A_1025 = arith.cmpi ne, %select_n3A_1000, %select_n3A_1024 : i32
        %or3A_1026 = arith.constant false
        %or3A_1027 = arith.ori %or3A_1026, %ne3A_1025 : i1
        %or3A_1028 = arith.constant false
        %or3A_1029 = arith.ori %or3A_1027, %or3A_1028 : i1
        %or3A_1030 = arith.ori %or3A_1029, %eq3A_320 : i1
        %convert_element_type3A_1031 = arith.extui %or3A_1030 : i1 to i32
        %cond3A_1032 = arith.constant 0 : i32
        %cond3A_1033 = arith.cmpi ne, %convert_element_type3A_1031, %cond3A_1032 : i32
        scf.if %cond3A_1033 {
        } else {
        }
        %and3A_1034 = arith.constant false
        %and3A_1035 = arith.andi %or3A_1030, %and3A_1034 : i1
        %jit3A_1036 = arith.constant 16 : i32
        %div3A_1037 = arith.divsi %add3A_321, %jit3A_1036 : i32
        %sign3A_1038 = arith.constant 0 : i32
        %sign3A_1039 = arith.cmpi sgt, %add3A_321, %sign3A_1038 : i32
        %sign3A_1040 = arith.extui %sign3A_1039 : i1 to i32
        %sign3A_1041 = arith.constant 0 : i32
        %sign3A_1042 = arith.cmpi slt, %add3A_321, %sign3A_1041 : i32
        %sign3A_1043 = arith.extui %sign3A_1042 : i1 to i32
        %sign3A_1044 = arith.subi %sign3A_1040, %sign3A_1043 : i32
        %sign3A_1045 = arith.constant 0 : i32
        %sign3A_1046 = arith.cmpi sgt, %jit3A_1036, %sign3A_1045 : i32
        %sign3A_1047 = arith.extui %sign3A_1046 : i1 to i32
        %sign3A_1048 = arith.constant 0 : i32
        %sign3A_1049 = arith.cmpi slt, %jit3A_1036, %sign3A_1048 : i32
        %sign3A_1050 = arith.extui %sign3A_1049 : i1 to i32
        %sign3A_1051 = arith.subi %sign3A_1047, %sign3A_1050 : i32
        %ne3A_1052 = arith.cmpi ne, %sign3A_1044, %sign3A_1051 : i32
        %rem3A_1053 = arith.remsi %add3A_321, %jit3A_1036 : i32
        %ne3A_1054 = arith.constant 0 : i32
        %ne3A_1055 = arith.cmpi ne, %rem3A_1053, %ne3A_1054 : i32
        %and3A_1056 = arith.andi %ne3A_1052, %ne3A_1055 : i1
        %sub3A_1057 = arith.constant 1 : i32
        %sub3A_1058 = arith.subi %div3A_1037, %sub3A_1057 : i32
        %select_n3A_1059 = arith.select %and3A_1056, %sub3A_1058, %div3A_1037 : i32
        %jit3A_1060 = arith.constant 16 : i32
        %div3A_1061 = arith.divsi %add3A_339, %jit3A_1060 : i32
        %sign3A_1062 = arith.constant 0 : i32
        %sign3A_1063 = arith.cmpi sgt, %add3A_339, %sign3A_1062 : i32
        %sign3A_1064 = arith.extui %sign3A_1063 : i1 to i32
        %sign3A_1065 = arith.constant 0 : i32
        %sign3A_1066 = arith.cmpi slt, %add3A_339, %sign3A_1065 : i32
        %sign3A_1067 = arith.extui %sign3A_1066 : i1 to i32
        %sign3A_1068 = arith.subi %sign3A_1064, %sign3A_1067 : i32
        %sign3A_1069 = arith.constant 0 : i32
        %sign3A_1070 = arith.cmpi sgt, %jit3A_1060, %sign3A_1069 : i32
        %sign3A_1071 = arith.extui %sign3A_1070 : i1 to i32
        %sign3A_1072 = arith.constant 0 : i32
        %sign3A_1073 = arith.cmpi slt, %jit3A_1060, %sign3A_1072 : i32
        %sign3A_1074 = arith.extui %sign3A_1073 : i1 to i32
        %sign3A_1075 = arith.subi %sign3A_1071, %sign3A_1074 : i32
        %ne3A_1076 = arith.cmpi ne, %sign3A_1068, %sign3A_1075 : i32
        %rem3A_1077 = arith.remsi %add3A_339, %jit3A_1060 : i32
        %ne3A_1078 = arith.constant 0 : i32
        %ne3A_1079 = arith.cmpi ne, %rem3A_1077, %ne3A_1078 : i32
        %and3A_1080 = arith.andi %ne3A_1076, %ne3A_1079 : i1
        %sub3A_1081 = arith.constant 1 : i32
        %sub3A_1082 = arith.subi %div3A_1061, %sub3A_1081 : i32
        %select_n3A_1083 = arith.select %and3A_1080, %sub3A_1082, %div3A_1061 : i32
        %ne3A_1084 = arith.cmpi ne, %select_n3A_1059, %select_n3A_1083 : i32
        %or3A_1085 = arith.constant false
        %or3A_1086 = arith.ori %or3A_1085, %ne3A_1084 : i1
        %or3A_1087 = arith.constant false
        %or3A_1088 = arith.ori %or3A_1086, %or3A_1087 : i1
        %or3A_1089 = arith.ori %or3A_1088, %eq3A_320 : i1
        %convert_element_type3A_1090 = arith.extui %or3A_1089 : i1 to i32
        %cond3A_1091 = arith.constant 0 : i32
        %cond3A_1092 = arith.cmpi ne, %convert_element_type3A_1090, %cond3A_1091 : i32
        scf.if %cond3A_1092 {
        } else {
        }
        %and3A_1093 = arith.constant false
        %and3A_1094 = arith.andi %or3A_1089, %and3A_1093 : i1
        %jit3A_1095 = arith.constant 16 : i32
        %div3A_1096 = arith.divsi %add3A_321, %jit3A_1095 : i32
        %sign3A_1097 = arith.constant 0 : i32
        %sign3A_1098 = arith.cmpi sgt, %add3A_321, %sign3A_1097 : i32
        %sign3A_1099 = arith.extui %sign3A_1098 : i1 to i32
        %sign3A_1100 = arith.constant 0 : i32
        %sign3A_1101 = arith.cmpi slt, %add3A_321, %sign3A_1100 : i32
        %sign3A_1102 = arith.extui %sign3A_1101 : i1 to i32
        %sign3A_1103 = arith.subi %sign3A_1099, %sign3A_1102 : i32
        %sign3A_1104 = arith.constant 0 : i32
        %sign3A_1105 = arith.cmpi sgt, %jit3A_1095, %sign3A_1104 : i32
        %sign3A_1106 = arith.extui %sign3A_1105 : i1 to i32
        %sign3A_1107 = arith.constant 0 : i32
        %sign3A_1108 = arith.cmpi slt, %jit3A_1095, %sign3A_1107 : i32
        %sign3A_1109 = arith.extui %sign3A_1108 : i1 to i32
        %sign3A_1110 = arith.subi %sign3A_1106, %sign3A_1109 : i32
        %ne3A_1111 = arith.cmpi ne, %sign3A_1103, %sign3A_1110 : i32
        %rem3A_1112 = arith.remsi %add3A_321, %jit3A_1095 : i32
        %ne3A_1113 = arith.constant 0 : i32
        %ne3A_1114 = arith.cmpi ne, %rem3A_1112, %ne3A_1113 : i32
        %and3A_1115 = arith.andi %ne3A_1111, %ne3A_1114 : i1
        %sub3A_1116 = arith.constant 1 : i32
        %sub3A_1117 = arith.subi %div3A_1096, %sub3A_1116 : i32
        %select_n3A_1118 = arith.select %and3A_1115, %sub3A_1117, %div3A_1096 : i32
        %jit3A_1119 = arith.constant 16 : i32
        %eq3A_1120 = arith.constant 0 : i32
        %eq3A_1121 = arith.cmpi eq, %jit3A_1119, %eq3A_1120 : i32
        %jit3A_1122 = arith.constant 1 : i32
        %select_n3A_1123 = arith.select %eq3A_1121, %jit3A_1122, %jit3A_1119 : i32
        %rem3A_1124 = arith.remsi %add3A_321, %select_n3A_1123 : i32
        %ne3A_1125 = arith.constant 0 : i32
        %ne3A_1126 = arith.cmpi ne, %rem3A_1124, %ne3A_1125 : i32
        %lt3A_1127 = arith.constant 0 : i32
        %lt3A_1128 = arith.cmpi slt, %rem3A_1124, %lt3A_1127 : i32
        %lt3A_1129 = arith.constant 0 : i32
        %lt3A_1130 = arith.cmpi slt, %select_n3A_1123, %lt3A_1129 : i32
        %ne3A_1131 = arith.xori %lt3A_1128, %lt3A_1130 : i1
        %and3A_1132 = arith.andi %ne3A_1131, %ne3A_1126 : i1
        %add3A_1133 = arith.addi %rem3A_1124, %select_n3A_1123 : i32
        %select_n3A_1134 = arith.select %and3A_1132, %add3A_1133, %rem3A_1124 : i32
        %jit3A_1135 = arith.constant 16 : i32
        %div3A_1136 = arith.divsi %add3A_339, %jit3A_1135 : i32
        %sign3A_1137 = arith.constant 0 : i32
        %sign3A_1138 = arith.cmpi sgt, %add3A_339, %sign3A_1137 : i32
        %sign3A_1139 = arith.extui %sign3A_1138 : i1 to i32
        %sign3A_1140 = arith.constant 0 : i32
        %sign3A_1141 = arith.cmpi slt, %add3A_339, %sign3A_1140 : i32
        %sign3A_1142 = arith.extui %sign3A_1141 : i1 to i32
        %sign3A_1143 = arith.subi %sign3A_1139, %sign3A_1142 : i32
        %sign3A_1144 = arith.constant 0 : i32
        %sign3A_1145 = arith.cmpi sgt, %jit3A_1135, %sign3A_1144 : i32
        %sign3A_1146 = arith.extui %sign3A_1145 : i1 to i32
        %sign3A_1147 = arith.constant 0 : i32
        %sign3A_1148 = arith.cmpi slt, %jit3A_1135, %sign3A_1147 : i32
        %sign3A_1149 = arith.extui %sign3A_1148 : i1 to i32
        %sign3A_1150 = arith.subi %sign3A_1146, %sign3A_1149 : i32
        %ne3A_1151 = arith.cmpi ne, %sign3A_1143, %sign3A_1150 : i32
        %rem3A_1152 = arith.remsi %add3A_339, %jit3A_1135 : i32
        %ne3A_1153 = arith.constant 0 : i32
        %ne3A_1154 = arith.cmpi ne, %rem3A_1152, %ne3A_1153 : i32
        %and3A_1155 = arith.andi %ne3A_1151, %ne3A_1154 : i1
        %sub3A_1156 = arith.constant 1 : i32
        %sub3A_1157 = arith.subi %div3A_1136, %sub3A_1156 : i32
        %select_n3A_1158 = arith.select %and3A_1155, %sub3A_1157, %div3A_1136 : i32
        %jit3A_1159 = arith.constant 16 : i32
        %eq3A_1160 = arith.constant 0 : i32
        %eq3A_1161 = arith.cmpi eq, %jit3A_1159, %eq3A_1160 : i32
        %jit3A_1162 = arith.constant 1 : i32
        %select_n3A_1163 = arith.select %eq3A_1161, %jit3A_1162, %jit3A_1159 : i32
        %rem3A_1164 = arith.remsi %add3A_339, %select_n3A_1163 : i32
        %ne3A_1165 = arith.constant 0 : i32
        %ne3A_1166 = arith.cmpi ne, %rem3A_1164, %ne3A_1165 : i32
        %lt3A_1167 = arith.constant 0 : i32
        %lt3A_1168 = arith.cmpi slt, %rem3A_1164, %lt3A_1167 : i32
        %lt3A_1169 = arith.constant 0 : i32
        %lt3A_1170 = arith.cmpi slt, %select_n3A_1163, %lt3A_1169 : i32
        %ne3A_1171 = arith.xori %lt3A_1168, %lt3A_1170 : i1
        %and3A_1172 = arith.andi %ne3A_1171, %ne3A_1166 : i1
        %add3A_1173 = arith.addi %rem3A_1164, %select_n3A_1163 : i32
        %select_n3A_1174 = arith.select %and3A_1172, %add3A_1173, %rem3A_1164 : i32
        %ne3A_1175 = arith.cmpi ne, %select_n3A_1118, %select_n3A_1158 : i32
        %ne3A_1176 = arith.cmpi ne, %select_n3A_1134, %select_n3A_1174 : i32
        %or3A_1177 = arith.constant false
        %or3A_1178 = arith.ori %or3A_1177, %ne3A_1175 : i1
        %or3A_1179 = arith.ori %or3A_1178, %ne3A_1176 : i1
        %or3A_1180 = arith.constant false
        %or3A_1181 = arith.ori %or3A_1179, %or3A_1180 : i1
        %or3A_1182 = arith.ori %or3A_1181, %eq3A_320 : i1
        %convert_element_type3A_1183 = arith.extui %or3A_1182 : i1 to i32
        %cond3A_1184 = arith.constant 0 : i32
        %cond3A_1185 = arith.cmpi ne, %convert_element_type3A_1183, %cond3A_1184 : i32
        scf.if %cond3A_1185 {
        } else {
        }
        %and3A_1186 = arith.constant false
        %and3A_1187 = arith.andi %or3A_1182, %and3A_1186 : i1
        %jit3A_1188 = arith.constant 16 : i32
        %div3A_1189 = arith.divsi %add3A_321, %jit3A_1188 : i32
        %sign3A_1190 = arith.constant 0 : i32
        %sign3A_1191 = arith.cmpi sgt, %add3A_321, %sign3A_1190 : i32
        %sign3A_1192 = arith.extui %sign3A_1191 : i1 to i32
        %sign3A_1193 = arith.constant 0 : i32
        %sign3A_1194 = arith.cmpi slt, %add3A_321, %sign3A_1193 : i32
        %sign3A_1195 = arith.extui %sign3A_1194 : i1 to i32
        %sign3A_1196 = arith.subi %sign3A_1192, %sign3A_1195 : i32
        %sign3A_1197 = arith.constant 0 : i32
        %sign3A_1198 = arith.cmpi sgt, %jit3A_1188, %sign3A_1197 : i32
        %sign3A_1199 = arith.extui %sign3A_1198 : i1 to i32
        %sign3A_1200 = arith.constant 0 : i32
        %sign3A_1201 = arith.cmpi slt, %jit3A_1188, %sign3A_1200 : i32
        %sign3A_1202 = arith.extui %sign3A_1201 : i1 to i32
        %sign3A_1203 = arith.subi %sign3A_1199, %sign3A_1202 : i32
        %ne3A_1204 = arith.cmpi ne, %sign3A_1196, %sign3A_1203 : i32
        %rem3A_1205 = arith.remsi %add3A_321, %jit3A_1188 : i32
        %ne3A_1206 = arith.constant 0 : i32
        %ne3A_1207 = arith.cmpi ne, %rem3A_1205, %ne3A_1206 : i32
        %and3A_1208 = arith.andi %ne3A_1204, %ne3A_1207 : i1
        %sub3A_1209 = arith.constant 1 : i32
        %sub3A_1210 = arith.subi %div3A_1189, %sub3A_1209 : i32
        %select_n3A_1211 = arith.select %and3A_1208, %sub3A_1210, %div3A_1189 : i32
        %jit3A_1212 = arith.constant 16 : i32
        %eq3A_1213 = arith.constant 0 : i32
        %eq3A_1214 = arith.cmpi eq, %jit3A_1212, %eq3A_1213 : i32
        %jit3A_1215 = arith.constant 1 : i32
        %select_n3A_1216 = arith.select %eq3A_1214, %jit3A_1215, %jit3A_1212 : i32
        %rem3A_1217 = arith.remsi %add3A_321, %select_n3A_1216 : i32
        %ne3A_1218 = arith.constant 0 : i32
        %ne3A_1219 = arith.cmpi ne, %rem3A_1217, %ne3A_1218 : i32
        %lt3A_1220 = arith.constant 0 : i32
        %lt3A_1221 = arith.cmpi slt, %rem3A_1217, %lt3A_1220 : i32
        %lt3A_1222 = arith.constant 0 : i32
        %lt3A_1223 = arith.cmpi slt, %select_n3A_1216, %lt3A_1222 : i32
        %ne3A_1224 = arith.xori %lt3A_1221, %lt3A_1223 : i1
        %and3A_1225 = arith.andi %ne3A_1224, %ne3A_1219 : i1
        %add3A_1226 = arith.addi %rem3A_1217, %select_n3A_1216 : i32
        %select_n3A_1227 = arith.select %and3A_1225, %add3A_1226, %rem3A_1217 : i32
        %jit3A_1228 = arith.constant 16 : i32
        %div3A_1229 = arith.divsi %add3A_339, %jit3A_1228 : i32
        %sign3A_1230 = arith.constant 0 : i32
        %sign3A_1231 = arith.cmpi sgt, %add3A_339, %sign3A_1230 : i32
        %sign3A_1232 = arith.extui %sign3A_1231 : i1 to i32
        %sign3A_1233 = arith.constant 0 : i32
        %sign3A_1234 = arith.cmpi slt, %add3A_339, %sign3A_1233 : i32
        %sign3A_1235 = arith.extui %sign3A_1234 : i1 to i32
        %sign3A_1236 = arith.subi %sign3A_1232, %sign3A_1235 : i32
        %sign3A_1237 = arith.constant 0 : i32
        %sign3A_1238 = arith.cmpi sgt, %jit3A_1228, %sign3A_1237 : i32
        %sign3A_1239 = arith.extui %sign3A_1238 : i1 to i32
        %sign3A_1240 = arith.constant 0 : i32
        %sign3A_1241 = arith.cmpi slt, %jit3A_1228, %sign3A_1240 : i32
        %sign3A_1242 = arith.extui %sign3A_1241 : i1 to i32
        %sign3A_1243 = arith.subi %sign3A_1239, %sign3A_1242 : i32
        %ne3A_1244 = arith.cmpi ne, %sign3A_1236, %sign3A_1243 : i32
        %rem3A_1245 = arith.remsi %add3A_339, %jit3A_1228 : i32
        %ne3A_1246 = arith.constant 0 : i32
        %ne3A_1247 = arith.cmpi ne, %rem3A_1245, %ne3A_1246 : i32
        %and3A_1248 = arith.andi %ne3A_1244, %ne3A_1247 : i1
        %sub3A_1249 = arith.constant 1 : i32
        %sub3A_1250 = arith.subi %div3A_1229, %sub3A_1249 : i32
        %select_n3A_1251 = arith.select %and3A_1248, %sub3A_1250, %div3A_1229 : i32
        %jit3A_1252 = arith.constant 16 : i32
        %eq3A_1253 = arith.constant 0 : i32
        %eq3A_1254 = arith.cmpi eq, %jit3A_1252, %eq3A_1253 : i32
        %jit3A_1255 = arith.constant 1 : i32
        %select_n3A_1256 = arith.select %eq3A_1254, %jit3A_1255, %jit3A_1252 : i32
        %rem3A_1257 = arith.remsi %add3A_339, %select_n3A_1256 : i32
        %ne3A_1258 = arith.constant 0 : i32
        %ne3A_1259 = arith.cmpi ne, %rem3A_1257, %ne3A_1258 : i32
        %lt3A_1260 = arith.constant 0 : i32
        %lt3A_1261 = arith.cmpi slt, %rem3A_1257, %lt3A_1260 : i32
        %lt3A_1262 = arith.constant 0 : i32
        %lt3A_1263 = arith.cmpi slt, %select_n3A_1256, %lt3A_1262 : i32
        %ne3A_1264 = arith.xori %lt3A_1261, %lt3A_1263 : i1
        %and3A_1265 = arith.andi %ne3A_1264, %ne3A_1259 : i1
        %add3A_1266 = arith.addi %rem3A_1257, %select_n3A_1256 : i32
        %select_n3A_1267 = arith.select %and3A_1265, %add3A_1266, %rem3A_1257 : i32
        %ne3A_1268 = arith.cmpi ne, %select_n3A_1211, %select_n3A_1251 : i32
        %ne3A_1269 = arith.cmpi ne, %select_n3A_1227, %select_n3A_1267 : i32
        %or3A_1270 = arith.constant false
        %or3A_1271 = arith.ori %or3A_1270, %ne3A_1268 : i1
        %or3A_1272 = arith.ori %or3A_1271, %ne3A_1269 : i1
        %or3A_1273 = arith.constant false
        %or3A_1274 = arith.ori %or3A_1272, %or3A_1273 : i1
        %or3A_1275 = arith.ori %or3A_1274, %eq3A_320 : i1
        %convert_element_type3A_1276 = arith.extui %or3A_1275 : i1 to i32
        %cond3A_1277 = arith.constant 0 : i32
        %cond3A_1278 = arith.cmpi ne, %convert_element_type3A_1276, %cond3A_1277 : i32
        scf.if %cond3A_1278 {
          "tpu.trace_start"() <{level = 10 : i32, message = "ep_copy_out"}> : () -> ()
          %rem3A_1812 = arith.constant 2 : i32
          %rem3A_1813 = arith.remui %scan3A_314, %rem3A_1812 : i32
          %jit3A_1814 = arith.constant 16 : i32
          %div3A_1815 = arith.divsi %add3A_321, %jit3A_1814 : i32
          %sign3A_1816 = arith.constant 0 : i32
          %sign3A_1817 = arith.cmpi sgt, %add3A_321, %sign3A_1816 : i32
          %sign3A_1818 = arith.extui %sign3A_1817 : i1 to i32
          %sign3A_1819 = arith.constant 0 : i32
          %sign3A_1820 = arith.cmpi slt, %add3A_321, %sign3A_1819 : i32
          %sign3A_1821 = arith.extui %sign3A_1820 : i1 to i32
          %sign3A_1822 = arith.subi %sign3A_1818, %sign3A_1821 : i32
          %sign3A_1823 = arith.constant 0 : i32
          %sign3A_1824 = arith.cmpi sgt, %jit3A_1814, %sign3A_1823 : i32
          %sign3A_1825 = arith.extui %sign3A_1824 : i1 to i32
          %sign3A_1826 = arith.constant 0 : i32
          %sign3A_1827 = arith.cmpi slt, %jit3A_1814, %sign3A_1826 : i32
          %sign3A_1828 = arith.extui %sign3A_1827 : i1 to i32
          %sign3A_1829 = arith.subi %sign3A_1825, %sign3A_1828 : i32
          %ne3A_1830 = arith.cmpi ne, %sign3A_1822, %sign3A_1829 : i32
          %rem3A_1831 = arith.remsi %add3A_321, %jit3A_1814 : i32
          %ne3A_1832 = arith.constant 0 : i32
          %ne3A_1833 = arith.cmpi ne, %rem3A_1831, %ne3A_1832 : i32
          %and3A_1834 = arith.andi %ne3A_1830, %ne3A_1833 : i1
          %sub3A_1835 = arith.constant 1 : i32
          %sub3A_1836 = arith.subi %div3A_1815, %sub3A_1835 : i32
          %select_n3A_1837 = arith.select %and3A_1834, %sub3A_1836, %div3A_1815 : i32
          %jit3A_1838 = arith.constant 16 : i32
          %eq3A_1839 = arith.constant 0 : i32
          %eq3A_1840 = arith.cmpi eq, %jit3A_1838, %eq3A_1839 : i32
          %jit3A_1841 = arith.constant 1 : i32
          %select_n3A_1842 = arith.select %eq3A_1840, %jit3A_1841, %jit3A_1838 : i32
          %rem3A_1843 = arith.remsi %add3A_321, %select_n3A_1842 : i32
          %ne3A_1844 = arith.constant 0 : i32
          %ne3A_1845 = arith.cmpi ne, %rem3A_1843, %ne3A_1844 : i32
          %lt3A_1846 = arith.constant 0 : i32
          %lt3A_1847 = arith.cmpi slt, %rem3A_1843, %lt3A_1846 : i32
          %lt3A_1848 = arith.constant 0 : i32
          %lt3A_1849 = arith.cmpi slt, %select_n3A_1842, %lt3A_1848 : i32
          %ne3A_1850 = arith.xori %lt3A_1847, %lt3A_1849 : i1
          %and3A_1851 = arith.andi %ne3A_1850, %ne3A_1845 : i1
          %add3A_1852 = arith.addi %rem3A_1843, %select_n3A_1842 : i32
          %select_n3A_1853 = arith.select %and3A_1851, %add3A_1852, %rem3A_1843 : i32
          %mul3A_1854 = arith.constant 1 : i32
          %mul3A_1855 = arith.muli %mul3A_1854, %select_n3A_1837 : i32
          %mul3A_1856 = arith.constant 32 : i32
          %mul3A_1857 = arith.muli %mul3A_1856, %select_n3A_1853 : i32
          %dma_start3A_1858 = arith.constant 0 : i32
          %dma_start3A_1859 = arith.constant 0 : i32
          %dma_start3A_1860 = arith.constant 0 : i32
          %dma_start3A_1861 = tpu.memref_slice %run_scoped3A_12[%rem3A_1813, %dma_start3A_1858, %dma_start3A_1859, %dma_start3A_1860] : memref<2x1x32x512xf32, #tpu.memory_space<vmem>> -> memref<1x1x32x512xf32, #tpu.memory_space<vmem>>
          %dma_start3A_1862 = tpu.memref_squeeze %dma_start3A_1861 : memref<1x1x32x512xf32, #tpu.memory_space<vmem>> -> memref<1x32x512xf32, #tpu.memory_space<vmem>>
          %dma_start3A_1863 = arith.constant 0 : i32
          %dma_start3A_1864 = tpu.memref_slice %arg5[%mul3A_1855, %mul3A_1857, %dma_start3A_1863] : memref<48x512x512xf32, #tpu.memory_space<hbm>> -> memref<1x32x512xf32, #tpu.memory_space<hbm>>
          %dma_start3A_1865 = tpu.memref_slice %run_scoped3A_13[%rem3A_1813] : memref<2x!tpu.dma_semaphore, #tpu.memory_space<semaphore_mem>> -> memref<1x!tpu.dma_semaphore, #tpu.memory_space<semaphore_mem>>
          %dma_start3A_1866 = tpu.memref_squeeze %dma_start3A_1865 : memref<1x!tpu.dma_semaphore, #tpu.memory_space<semaphore_mem>> -> memref<!tpu.dma_semaphore, #tpu.memory_space<semaphore_mem>>
          %dma_start3A_1867 = arith.constant 0 : i32
          %dma_start3A_1868 = tpu.memref_slice %arg5[%mul3A_1855, %mul3A_1857, %dma_start3A_1867] : memref<48x512x512xf32, #tpu.memory_space<hbm>> -> memref<1x32x512xf32, #tpu.memory_space<hbm>>
          %dma_start3A_1869 = arith.constant 0 : i32
          %dma_start3A_1870 = arith.constant 0 : i32
          %dma_start3A_1871 = arith.constant 0 : i32
          %dma_start3A_1872 = tpu.memref_slice %run_scoped3A_12[%rem3A_1813, %dma_start3A_1869, %dma_start3A_1870, %dma_start3A_1871] : memref<2x1x32x512xf32, #tpu.memory_space<vmem>> -> memref<1x1x32x512xf32, #tpu.memory_space<vmem>>
          %dma_start3A_1873 = tpu.memref_squeeze %dma_start3A_1872 : memref<1x1x32x512xf32, #tpu.memory_space<vmem>> -> memref<1x32x512xf32, #tpu.memory_space<vmem>>
          tpu.enqueue_dma source(%dma_start3A_1873 : memref<1x32x512xf32, #tpu.memory_space<vmem>>) target(%dma_start3A_1868 : memref<1x32x512xf32, #tpu.memory_space<hbm>>) target_semaphore(%dma_start3A_1866 : memref<!tpu.dma_semaphore, #tpu.memory_space<semaphore_mem>>)
          "tpu.trace_stop"() : () -> ()
        } else {
        }
        %and3A_1279 = arith.constant true
        %and3A_1280 = arith.andi %or3A_1275, %and3A_1279 : i1
        %add3A_1281 = arith.constant 1 : i32
        %add3A_1282 = arith.addi %scan3A_314, %add3A_1281 : i32
        %select_n3A_1283 = arith.select %and3A_1280, %add3A_1282, %scan3A_314 : i32
        %jit3A_1284 = arith.constant 16 : i32
        %div3A_1285 = arith.divsi %add3A_321, %jit3A_1284 : i32
        %sign3A_1286 = arith.constant 0 : i32
        %sign3A_1287 = arith.cmpi sgt, %add3A_321, %sign3A_1286 : i32
        %sign3A_1288 = arith.extui %sign3A_1287 : i1 to i32
        %sign3A_1289 = arith.constant 0 : i32
        %sign3A_1290 = arith.cmpi slt, %add3A_321, %sign3A_1289 : i32
        %sign3A_1291 = arith.extui %sign3A_1290 : i1 to i32
        %sign3A_1292 = arith.subi %sign3A_1288, %sign3A_1291 : i32
        %sign3A_1293 = arith.constant 0 : i32
        %sign3A_1294 = arith.cmpi sgt, %jit3A_1284, %sign3A_1293 : i32
        %sign3A_1295 = arith.extui %sign3A_1294 : i1 to i32
        %sign3A_1296 = arith.constant 0 : i32
        %sign3A_1297 = arith.cmpi slt, %jit3A_1284, %sign3A_1296 : i32
        %sign3A_1298 = arith.extui %sign3A_1297 : i1 to i32
        %sign3A_1299 = arith.subi %sign3A_1295, %sign3A_1298 : i32
        %ne3A_1300 = arith.cmpi ne, %sign3A_1292, %sign3A_1299 : i32
        %rem3A_1301 = arith.remsi %add3A_321, %jit3A_1284 : i32
        %ne3A_1302 = arith.constant 0 : i32
        %ne3A_1303 = arith.cmpi ne, %rem3A_1301, %ne3A_1302 : i32
        %and3A_1304 = arith.andi %ne3A_1300, %ne3A_1303 : i1
        %sub3A_1305 = arith.constant 1 : i32
        %sub3A_1306 = arith.subi %div3A_1285, %sub3A_1305 : i32
        %select_n3A_1307 = arith.select %and3A_1304, %sub3A_1306, %div3A_1285 : i32
        %jit3A_1308 = arith.constant 16 : i32
        %div3A_1309 = arith.divsi %add3A_330, %jit3A_1308 : i32
        %sign3A_1310 = arith.constant 0 : i32
        %sign3A_1311 = arith.cmpi sgt, %add3A_330, %sign3A_1310 : i32
        %sign3A_1312 = arith.extui %sign3A_1311 : i1 to i32
        %sign3A_1313 = arith.constant 0 : i32
        %sign3A_1314 = arith.cmpi slt, %add3A_330, %sign3A_1313 : i32
        %sign3A_1315 = arith.extui %sign3A_1314 : i1 to i32
        %sign3A_1316 = arith.subi %sign3A_1312, %sign3A_1315 : i32
        %sign3A_1317 = arith.constant 0 : i32
        %sign3A_1318 = arith.cmpi sgt, %jit3A_1308, %sign3A_1317 : i32
        %sign3A_1319 = arith.extui %sign3A_1318 : i1 to i32
        %sign3A_1320 = arith.constant 0 : i32
        %sign3A_1321 = arith.cmpi slt, %jit3A_1308, %sign3A_1320 : i32
        %sign3A_1322 = arith.extui %sign3A_1321 : i1 to i32
        %sign3A_1323 = arith.subi %sign3A_1319, %sign3A_1322 : i32
        %ne3A_1324 = arith.cmpi ne, %sign3A_1316, %sign3A_1323 : i32
        %rem3A_1325 = arith.remsi %add3A_330, %jit3A_1308 : i32
        %ne3A_1326 = arith.constant 0 : i32
        %ne3A_1327 = arith.cmpi ne, %rem3A_1325, %ne3A_1326 : i32
        %and3A_1328 = arith.andi %ne3A_1324, %ne3A_1327 : i1
        %sub3A_1329 = arith.constant 1 : i32
        %sub3A_1330 = arith.subi %div3A_1309, %sub3A_1329 : i32
        %select_n3A_1331 = arith.select %and3A_1328, %sub3A_1330, %div3A_1309 : i32
        %ne3A_1332 = arith.cmpi ne, %select_n3A_1307, %select_n3A_1331 : i32
        %or3A_1333 = arith.constant false
        %or3A_1334 = arith.ori %or3A_1333, %ne3A_1332 : i1
        %or3A_1335 = arith.constant false
        %or3A_1336 = arith.ori %or3A_1334, %or3A_1335 : i1
        %not3A_1337 = arith.constant true
        %not3A_1338 = arith.xori %eq3A_318, %not3A_1337 : i1
        %and3A_1339 = arith.andi %or3A_1336, %not3A_1338 : i1
        %convert_element_type3A_1340 = arith.extui %and3A_1339 : i1 to i32
        %cond3A_1341 = arith.constant 0 : i32
        %cond3A_1342 = arith.cmpi ne, %convert_element_type3A_1340, %cond3A_1341 : i32
        scf.if %cond3A_1342 {
        } else {
        }
        %and3A_1343 = arith.constant false
        %and3A_1344 = arith.andi %and3A_1339, %and3A_1343 : i1
        %jit3A_1345 = arith.constant 16 : i32
        %div3A_1346 = arith.divsi %add3A_321, %jit3A_1345 : i32
        %sign3A_1347 = arith.constant 0 : i32
        %sign3A_1348 = arith.cmpi sgt, %add3A_321, %sign3A_1347 : i32
        %sign3A_1349 = arith.extui %sign3A_1348 : i1 to i32
        %sign3A_1350 = arith.constant 0 : i32
        %sign3A_1351 = arith.cmpi slt, %add3A_321, %sign3A_1350 : i32
        %sign3A_1352 = arith.extui %sign3A_1351 : i1 to i32
        %sign3A_1353 = arith.subi %sign3A_1349, %sign3A_1352 : i32
        %sign3A_1354 = arith.constant 0 : i32
        %sign3A_1355 = arith.cmpi sgt, %jit3A_1345, %sign3A_1354 : i32
        %sign3A_1356 = arith.extui %sign3A_1355 : i1 to i32
        %sign3A_1357 = arith.constant 0 : i32
        %sign3A_1358 = arith.cmpi slt, %jit3A_1345, %sign3A_1357 : i32
        %sign3A_1359 = arith.extui %sign3A_1358 : i1 to i32
        %sign3A_1360 = arith.subi %sign3A_1356, %sign3A_1359 : i32
        %ne3A_1361 = arith.cmpi ne, %sign3A_1353, %sign3A_1360 : i32
        %rem3A_1362 = arith.remsi %add3A_321, %jit3A_1345 : i32
        %ne3A_1363 = arith.constant 0 : i32
        %ne3A_1364 = arith.cmpi ne, %rem3A_1362, %ne3A_1363 : i32
        %and3A_1365 = arith.andi %ne3A_1361, %ne3A_1364 : i1
        %sub3A_1366 = arith.constant 1 : i32
        %sub3A_1367 = arith.subi %div3A_1346, %sub3A_1366 : i32
        %select_n3A_1368 = arith.select %and3A_1365, %sub3A_1367, %div3A_1346 : i32
        %jit3A_1369 = arith.constant 16 : i32
        %div3A_1370 = arith.divsi %add3A_330, %jit3A_1369 : i32
        %sign3A_1371 = arith.constant 0 : i32
        %sign3A_1372 = arith.cmpi sgt, %add3A_330, %sign3A_1371 : i32
        %sign3A_1373 = arith.extui %sign3A_1372 : i1 to i32
        %sign3A_1374 = arith.constant 0 : i32
        %sign3A_1375 = arith.cmpi slt, %add3A_330, %sign3A_1374 : i32
        %sign3A_1376 = arith.extui %sign3A_1375 : i1 to i32
        %sign3A_1377 = arith.subi %sign3A_1373, %sign3A_1376 : i32
        %sign3A_1378 = arith.constant 0 : i32
        %sign3A_1379 = arith.cmpi sgt, %jit3A_1369, %sign3A_1378 : i32
        %sign3A_1380 = arith.extui %sign3A_1379 : i1 to i32
        %sign3A_1381 = arith.constant 0 : i32
        %sign3A_1382 = arith.cmpi slt, %jit3A_1369, %sign3A_1381 : i32
        %sign3A_1383 = arith.extui %sign3A_1382 : i1 to i32
        %sign3A_1384 = arith.subi %sign3A_1380, %sign3A_1383 : i32
        %ne3A_1385 = arith.cmpi ne, %sign3A_1377, %sign3A_1384 : i32
        %rem3A_1386 = arith.remsi %add3A_330, %jit3A_1369 : i32
        %ne3A_1387 = arith.constant 0 : i32
        %ne3A_1388 = arith.cmpi ne, %rem3A_1386, %ne3A_1387 : i32
        %and3A_1389 = arith.andi %ne3A_1385, %ne3A_1388 : i1
        %sub3A_1390 = arith.constant 1 : i32
        %sub3A_1391 = arith.subi %div3A_1370, %sub3A_1390 : i32
        %select_n3A_1392 = arith.select %and3A_1389, %sub3A_1391, %div3A_1370 : i32
        %ne3A_1393 = arith.cmpi ne, %select_n3A_1368, %select_n3A_1392 : i32
        %or3A_1394 = arith.constant false
        %or3A_1395 = arith.ori %or3A_1394, %ne3A_1393 : i1
        %or3A_1396 = arith.constant false
        %or3A_1397 = arith.ori %or3A_1395, %or3A_1396 : i1
        %not3A_1398 = arith.constant true
        %not3A_1399 = arith.xori %eq3A_318, %not3A_1398 : i1
        %and3A_1400 = arith.andi %or3A_1397, %not3A_1399 : i1
        %convert_element_type3A_1401 = arith.extui %and3A_1400 : i1 to i32
        %cond3A_1402 = arith.constant 0 : i32
        %cond3A_1403 = arith.cmpi ne, %convert_element_type3A_1401, %cond3A_1402 : i32
        scf.if %cond3A_1403 {
        } else {
        }
        %and3A_1404 = arith.constant false
        %and3A_1405 = arith.andi %and3A_1400, %and3A_1404 : i1
        %jit3A_1406 = arith.constant 16 : i32
        %div3A_1407 = arith.divsi %add3A_321, %jit3A_1406 : i32
        %sign3A_1408 = arith.constant 0 : i32
        %sign3A_1409 = arith.cmpi sgt, %add3A_321, %sign3A_1408 : i32
        %sign3A_1410 = arith.extui %sign3A_1409 : i1 to i32
        %sign3A_1411 = arith.constant 0 : i32
        %sign3A_1412 = arith.cmpi slt, %add3A_321, %sign3A_1411 : i32
        %sign3A_1413 = arith.extui %sign3A_1412 : i1 to i32
        %sign3A_1414 = arith.subi %sign3A_1410, %sign3A_1413 : i32
        %sign3A_1415 = arith.constant 0 : i32
        %sign3A_1416 = arith.cmpi sgt, %jit3A_1406, %sign3A_1415 : i32
        %sign3A_1417 = arith.extui %sign3A_1416 : i1 to i32
        %sign3A_1418 = arith.constant 0 : i32
        %sign3A_1419 = arith.cmpi slt, %jit3A_1406, %sign3A_1418 : i32
        %sign3A_1420 = arith.extui %sign3A_1419 : i1 to i32
        %sign3A_1421 = arith.subi %sign3A_1417, %sign3A_1420 : i32
        %ne3A_1422 = arith.cmpi ne, %sign3A_1414, %sign3A_1421 : i32
        %rem3A_1423 = arith.remsi %add3A_321, %jit3A_1406 : i32
        %ne3A_1424 = arith.constant 0 : i32
        %ne3A_1425 = arith.cmpi ne, %rem3A_1423, %ne3A_1424 : i32
        %and3A_1426 = arith.andi %ne3A_1422, %ne3A_1425 : i1
        %sub3A_1427 = arith.constant 1 : i32
        %sub3A_1428 = arith.subi %div3A_1407, %sub3A_1427 : i32
        %select_n3A_1429 = arith.select %and3A_1426, %sub3A_1428, %div3A_1407 : i32
        %jit3A_1430 = arith.constant 16 : i32
        %eq3A_1431 = arith.constant 0 : i32
        %eq3A_1432 = arith.cmpi eq, %jit3A_1430, %eq3A_1431 : i32
        %jit3A_1433 = arith.constant 1 : i32
        %select_n3A_1434 = arith.select %eq3A_1432, %jit3A_1433, %jit3A_1430 : i32
        %rem3A_1435 = arith.remsi %add3A_321, %select_n3A_1434 : i32
        %ne3A_1436 = arith.constant 0 : i32
        %ne3A_1437 = arith.cmpi ne, %rem3A_1435, %ne3A_1436 : i32
        %lt3A_1438 = arith.constant 0 : i32
        %lt3A_1439 = arith.cmpi slt, %rem3A_1435, %lt3A_1438 : i32
        %lt3A_1440 = arith.constant 0 : i32
        %lt3A_1441 = arith.cmpi slt, %select_n3A_1434, %lt3A_1440 : i32
        %ne3A_1442 = arith.xori %lt3A_1439, %lt3A_1441 : i1
        %and3A_1443 = arith.andi %ne3A_1442, %ne3A_1437 : i1
        %add3A_1444 = arith.addi %rem3A_1435, %select_n3A_1434 : i32
        %select_n3A_1445 = arith.select %and3A_1443, %add3A_1444, %rem3A_1435 : i32
        %jit3A_1446 = arith.constant 16 : i32
        %div3A_1447 = arith.divsi %add3A_330, %jit3A_1446 : i32
        %sign3A_1448 = arith.constant 0 : i32
        %sign3A_1449 = arith.cmpi sgt, %add3A_330, %sign3A_1448 : i32
        %sign3A_1450 = arith.extui %sign3A_1449 : i1 to i32
        %sign3A_1451 = arith.constant 0 : i32
        %sign3A_1452 = arith.cmpi slt, %add3A_330, %sign3A_1451 : i32
        %sign3A_1453 = arith.extui %sign3A_1452 : i1 to i32
        %sign3A_1454 = arith.subi %sign3A_1450, %sign3A_1453 : i32
        %sign3A_1455 = arith.constant 0 : i32
        %sign3A_1456 = arith.cmpi sgt, %jit3A_1446, %sign3A_1455 : i32
        %sign3A_1457 = arith.extui %sign3A_1456 : i1 to i32
        %sign3A_1458 = arith.constant 0 : i32
        %sign3A_1459 = arith.cmpi slt, %jit3A_1446, %sign3A_1458 : i32
        %sign3A_1460 = arith.extui %sign3A_1459 : i1 to i32
        %sign3A_1461 = arith.subi %sign3A_1457, %sign3A_1460 : i32
        %ne3A_1462 = arith.cmpi ne, %sign3A_1454, %sign3A_1461 : i32
        %rem3A_1463 = arith.remsi %add3A_330, %jit3A_1446 : i32
        %ne3A_1464 = arith.constant 0 : i32
        %ne3A_1465 = arith.cmpi ne, %rem3A_1463, %ne3A_1464 : i32
        %and3A_1466 = arith.andi %ne3A_1462, %ne3A_1465 : i1
        %sub3A_1467 = arith.constant 1 : i32
        %sub3A_1468 = arith.subi %div3A_1447, %sub3A_1467 : i32
        %select_n3A_1469 = arith.select %and3A_1466, %sub3A_1468, %div3A_1447 : i32
        %jit3A_1470 = arith.constant 16 : i32
        %eq3A_1471 = arith.constant 0 : i32
        %eq3A_1472 = arith.cmpi eq, %jit3A_1470, %eq3A_1471 : i32
        %jit3A_1473 = arith.constant 1 : i32
        %select_n3A_1474 = arith.select %eq3A_1472, %jit3A_1473, %jit3A_1470 : i32
        %rem3A_1475 = arith.remsi %add3A_330, %select_n3A_1474 : i32
        %ne3A_1476 = arith.constant 0 : i32
        %ne3A_1477 = arith.cmpi ne, %rem3A_1475, %ne3A_1476 : i32
        %lt3A_1478 = arith.constant 0 : i32
        %lt3A_1479 = arith.cmpi slt, %rem3A_1475, %lt3A_1478 : i32
        %lt3A_1480 = arith.constant 0 : i32
        %lt3A_1481 = arith.cmpi slt, %select_n3A_1474, %lt3A_1480 : i32
        %ne3A_1482 = arith.xori %lt3A_1479, %lt3A_1481 : i1
        %and3A_1483 = arith.andi %ne3A_1482, %ne3A_1477 : i1
        %add3A_1484 = arith.addi %rem3A_1475, %select_n3A_1474 : i32
        %select_n3A_1485 = arith.select %and3A_1483, %add3A_1484, %rem3A_1475 : i32
        %ne3A_1486 = arith.cmpi ne, %select_n3A_1429, %select_n3A_1469 : i32
        %ne3A_1487 = arith.cmpi ne, %select_n3A_1445, %select_n3A_1485 : i32
        %or3A_1488 = arith.constant false
        %or3A_1489 = arith.ori %or3A_1488, %ne3A_1486 : i1
        %or3A_1490 = arith.ori %or3A_1489, %ne3A_1487 : i1
        %or3A_1491 = arith.constant false
        %or3A_1492 = arith.ori %or3A_1490, %or3A_1491 : i1
        %not3A_1493 = arith.constant true
        %not3A_1494 = arith.xori %eq3A_318, %not3A_1493 : i1
        %and3A_1495 = arith.andi %or3A_1492, %not3A_1494 : i1
        %convert_element_type3A_1496 = arith.extui %and3A_1495 : i1 to i32
        %cond3A_1497 = arith.constant 0 : i32
        %cond3A_1498 = arith.cmpi ne, %convert_element_type3A_1496, %cond3A_1497 : i32
        scf.if %cond3A_1498 {
        } else {
        }
        %and3A_1499 = arith.constant false
        %and3A_1500 = arith.andi %and3A_1495, %and3A_1499 : i1
        %jit3A_1501 = arith.constant 16 : i32
        %div3A_1502 = arith.divsi %add3A_321, %jit3A_1501 : i32
        %sign3A_1503 = arith.constant 0 : i32
        %sign3A_1504 = arith.cmpi sgt, %add3A_321, %sign3A_1503 : i32
        %sign3A_1505 = arith.extui %sign3A_1504 : i1 to i32
        %sign3A_1506 = arith.constant 0 : i32
        %sign3A_1507 = arith.cmpi slt, %add3A_321, %sign3A_1506 : i32
        %sign3A_1508 = arith.extui %sign3A_1507 : i1 to i32
        %sign3A_1509 = arith.subi %sign3A_1505, %sign3A_1508 : i32
        %sign3A_1510 = arith.constant 0 : i32
        %sign3A_1511 = arith.cmpi sgt, %jit3A_1501, %sign3A_1510 : i32
        %sign3A_1512 = arith.extui %sign3A_1511 : i1 to i32
        %sign3A_1513 = arith.constant 0 : i32
        %sign3A_1514 = arith.cmpi slt, %jit3A_1501, %sign3A_1513 : i32
        %sign3A_1515 = arith.extui %sign3A_1514 : i1 to i32
        %sign3A_1516 = arith.subi %sign3A_1512, %sign3A_1515 : i32
        %ne3A_1517 = arith.cmpi ne, %sign3A_1509, %sign3A_1516 : i32
        %rem3A_1518 = arith.remsi %add3A_321, %jit3A_1501 : i32
        %ne3A_1519 = arith.constant 0 : i32
        %ne3A_1520 = arith.cmpi ne, %rem3A_1518, %ne3A_1519 : i32
        %and3A_1521 = arith.andi %ne3A_1517, %ne3A_1520 : i1
        %sub3A_1522 = arith.constant 1 : i32
        %sub3A_1523 = arith.subi %div3A_1502, %sub3A_1522 : i32
        %select_n3A_1524 = arith.select %and3A_1521, %sub3A_1523, %div3A_1502 : i32
        %jit3A_1525 = arith.constant 16 : i32
        %eq3A_1526 = arith.constant 0 : i32
        %eq3A_1527 = arith.cmpi eq, %jit3A_1525, %eq3A_1526 : i32
        %jit3A_1528 = arith.constant 1 : i32
        %select_n3A_1529 = arith.select %eq3A_1527, %jit3A_1528, %jit3A_1525 : i32
        %rem3A_1530 = arith.remsi %add3A_321, %select_n3A_1529 : i32
        %ne3A_1531 = arith.constant 0 : i32
        %ne3A_1532 = arith.cmpi ne, %rem3A_1530, %ne3A_1531 : i32
        %lt3A_1533 = arith.constant 0 : i32
        %lt3A_1534 = arith.cmpi slt, %rem3A_1530, %lt3A_1533 : i32
        %lt3A_1535 = arith.constant 0 : i32
        %lt3A_1536 = arith.cmpi slt, %select_n3A_1529, %lt3A_1535 : i32
        %ne3A_1537 = arith.xori %lt3A_1534, %lt3A_1536 : i1
        %and3A_1538 = arith.andi %ne3A_1537, %ne3A_1532 : i1
        %add3A_1539 = arith.addi %rem3A_1530, %select_n3A_1529 : i32
        %select_n3A_1540 = arith.select %and3A_1538, %add3A_1539, %rem3A_1530 : i32
        %jit3A_1541 = arith.constant 16 : i32
        %div3A_1542 = arith.divsi %add3A_330, %jit3A_1541 : i32
        %sign3A_1543 = arith.constant 0 : i32
        %sign3A_1544 = arith.cmpi sgt, %add3A_330, %sign3A_1543 : i32
        %sign3A_1545 = arith.extui %sign3A_1544 : i1 to i32
        %sign3A_1546 = arith.constant 0 : i32
        %sign3A_1547 = arith.cmpi slt, %add3A_330, %sign3A_1546 : i32
        %sign3A_1548 = arith.extui %sign3A_1547 : i1 to i32
        %sign3A_1549 = arith.subi %sign3A_1545, %sign3A_1548 : i32
        %sign3A_1550 = arith.constant 0 : i32
        %sign3A_1551 = arith.cmpi sgt, %jit3A_1541, %sign3A_1550 : i32
        %sign3A_1552 = arith.extui %sign3A_1551 : i1 to i32
        %sign3A_1553 = arith.constant 0 : i32
        %sign3A_1554 = arith.cmpi slt, %jit3A_1541, %sign3A_1553 : i32
        %sign3A_1555 = arith.extui %sign3A_1554 : i1 to i32
        %sign3A_1556 = arith.subi %sign3A_1552, %sign3A_1555 : i32
        %ne3A_1557 = arith.cmpi ne, %sign3A_1549, %sign3A_1556 : i32
        %rem3A_1558 = arith.remsi %add3A_330, %jit3A_1541 : i32
        %ne3A_1559 = arith.constant 0 : i32
        %ne3A_1560 = arith.cmpi ne, %rem3A_1558, %ne3A_1559 : i32
        %and3A_1561 = arith.andi %ne3A_1557, %ne3A_1560 : i1
        %sub3A_1562 = arith.constant 1 : i32
        %sub3A_1563 = arith.subi %div3A_1542, %sub3A_1562 : i32
        %select_n3A_1564 = arith.select %and3A_1561, %sub3A_1563, %div3A_1542 : i32
        %jit3A_1565 = arith.constant 16 : i32
        %eq3A_1566 = arith.constant 0 : i32
        %eq3A_1567 = arith.cmpi eq, %jit3A_1565, %eq3A_1566 : i32
        %jit3A_1568 = arith.constant 1 : i32
        %select_n3A_1569 = arith.select %eq3A_1567, %jit3A_1568, %jit3A_1565 : i32
        %rem3A_1570 = arith.remsi %add3A_330, %select_n3A_1569 : i32
        %ne3A_1571 = arith.constant 0 : i32
        %ne3A_1572 = arith.cmpi ne, %rem3A_1570, %ne3A_1571 : i32
        %lt3A_1573 = arith.constant 0 : i32
        %lt3A_1574 = arith.cmpi slt, %rem3A_1570, %lt3A_1573 : i32
        %lt3A_1575 = arith.constant 0 : i32
        %lt3A_1576 = arith.cmpi slt, %select_n3A_1569, %lt3A_1575 : i32
        %ne3A_1577 = arith.xori %lt3A_1574, %lt3A_1576 : i1
        %and3A_1578 = arith.andi %ne3A_1577, %ne3A_1572 : i1
        %add3A_1579 = arith.addi %rem3A_1570, %select_n3A_1569 : i32
        %select_n3A_1580 = arith.select %and3A_1578, %add3A_1579, %rem3A_1570 : i32
        %ne3A_1581 = arith.cmpi ne, %select_n3A_1524, %select_n3A_1564 : i32
        %ne3A_1582 = arith.cmpi ne, %select_n3A_1540, %select_n3A_1580 : i32
        %or3A_1583 = arith.constant false
        %or3A_1584 = arith.ori %or3A_1583, %ne3A_1581 : i1
        %or3A_1585 = arith.ori %or3A_1584, %ne3A_1582 : i1
        %or3A_1586 = arith.constant false
        %or3A_1587 = arith.ori %or3A_1585, %or3A_1586 : i1
        %not3A_1588 = arith.constant true
        %not3A_1589 = arith.xori %eq3A_318, %not3A_1588 : i1
        %and3A_1590 = arith.andi %or3A_1587, %not3A_1589 : i1
        %convert_element_type3A_1591 = arith.extui %and3A_1590 : i1 to i32
        %cond3A_1592 = arith.constant 0 : i32
        %cond3A_1593 = arith.cmpi ne, %convert_element_type3A_1591, %cond3A_1592 : i32
        scf.if %cond3A_1593 {
          "tpu.trace_start"() <{level = 10 : i32, message = "ep_wait_out"}> : () -> ()
          %rem3A_1812 = arith.constant 2 : i32
          %rem3A_1813 = arith.remui %scan3A_315, %rem3A_1812 : i32
          %jit3A_1814 = arith.constant 16 : i32
          %div3A_1815 = arith.divsi %add3A_330, %jit3A_1814 : i32
          %sign3A_1816 = arith.constant 0 : i32
          %sign3A_1817 = arith.cmpi sgt, %add3A_330, %sign3A_1816 : i32
          %sign3A_1818 = arith.extui %sign3A_1817 : i1 to i32
          %sign3A_1819 = arith.constant 0 : i32
          %sign3A_1820 = arith.cmpi slt, %add3A_330, %sign3A_1819 : i32
          %sign3A_1821 = arith.extui %sign3A_1820 : i1 to i32
          %sign3A_1822 = arith.subi %sign3A_1818, %sign3A_1821 : i32
          %sign3A_1823 = arith.constant 0 : i32
          %sign3A_1824 = arith.cmpi sgt, %jit3A_1814, %sign3A_1823 : i32
          %sign3A_1825 = arith.extui %sign3A_1824 : i1 to i32
          %sign3A_1826 = arith.constant 0 : i32
          %sign3A_1827 = arith.cmpi slt, %jit3A_1814, %sign3A_1826 : i32
          %sign3A_1828 = arith.extui %sign3A_1827 : i1 to i32
          %sign3A_1829 = arith.subi %sign3A_1825, %sign3A_1828 : i32
          %ne3A_1830 = arith.cmpi ne, %sign3A_1822, %sign3A_1829 : i32
          %rem3A_1831 = arith.remsi %add3A_330, %jit3A_1814 : i32
          %ne3A_1832 = arith.constant 0 : i32
          %ne3A_1833 = arith.cmpi ne, %rem3A_1831, %ne3A_1832 : i32
          %and3A_1834 = arith.andi %ne3A_1830, %ne3A_1833 : i1
          %sub3A_1835 = arith.constant 1 : i32
          %sub3A_1836 = arith.subi %div3A_1815, %sub3A_1835 : i32
          %select_n3A_1837 = arith.select %and3A_1834, %sub3A_1836, %div3A_1815 : i32
          %jit3A_1838 = arith.constant 16 : i32
          %eq3A_1839 = arith.constant 0 : i32
          %eq3A_1840 = arith.cmpi eq, %jit3A_1838, %eq3A_1839 : i32
          %jit3A_1841 = arith.constant 1 : i32
          %select_n3A_1842 = arith.select %eq3A_1840, %jit3A_1841, %jit3A_1838 : i32
          %rem3A_1843 = arith.remsi %add3A_330, %select_n3A_1842 : i32
          %ne3A_1844 = arith.constant 0 : i32
          %ne3A_1845 = arith.cmpi ne, %rem3A_1843, %ne3A_1844 : i32
          %lt3A_1846 = arith.constant 0 : i32
          %lt3A_1847 = arith.cmpi slt, %rem3A_1843, %lt3A_1846 : i32
          %lt3A_1848 = arith.constant 0 : i32
          %lt3A_1849 = arith.cmpi slt, %select_n3A_1842, %lt3A_1848 : i32
          %ne3A_1850 = arith.xori %lt3A_1847, %lt3A_1849 : i1
          %and3A_1851 = arith.andi %ne3A_1850, %ne3A_1845 : i1
          %add3A_1852 = arith.addi %rem3A_1843, %select_n3A_1842 : i32
          %select_n3A_1853 = arith.select %and3A_1851, %add3A_1852, %rem3A_1843 : i32
          %mul3A_1854 = arith.constant 1 : i32
          %mul3A_1855 = arith.muli %mul3A_1854, %select_n3A_1837 : i32
          %mul3A_1856 = arith.constant 32 : i32
          %mul3A_1857 = arith.muli %mul3A_1856, %select_n3A_1853 : i32
          %dma_wait3A_1858 = arith.constant 0 : i32
          %dma_wait3A_1859 = arith.constant 0 : i32
          %dma_wait3A_1860 = arith.constant 0 : i32
          %dma_wait3A_1861 = tpu.memref_slice %run_scoped3A_12[%rem3A_1813, %dma_wait3A_1858, %dma_wait3A_1859, %dma_wait3A_1860] : memref<2x1x32x512xf32, #tpu.memory_space<vmem>> -> memref<1x1x32x512xf32, #tpu.memory_space<vmem>>
          %dma_wait3A_1862 = tpu.memref_squeeze %dma_wait3A_1861 : memref<1x1x32x512xf32, #tpu.memory_space<vmem>> -> memref<1x32x512xf32, #tpu.memory_space<vmem>>
          %dma_wait3A_1863 = arith.constant 0 : i32
          %dma_wait3A_1864 = tpu.memref_slice %arg5[%mul3A_1855, %mul3A_1857, %dma_wait3A_1863] : memref<48x512x512xf32, #tpu.memory_space<hbm>> -> memref<1x32x512xf32, #tpu.memory_space<hbm>>
          %dma_wait3A_1865 = tpu.memref_slice %run_scoped3A_13[%rem3A_1813] : memref<2x!tpu.dma_semaphore, #tpu.memory_space<semaphore_mem>> -> memref<1x!tpu.dma_semaphore, #tpu.memory_space<semaphore_mem>>
          %dma_wait3A_1866 = tpu.memref_squeeze %dma_wait3A_1865 : memref<1x!tpu.dma_semaphore, #tpu.memory_space<semaphore_mem>> -> memref<!tpu.dma_semaphore, #tpu.memory_space<semaphore_mem>>
          %dma_wait3A_1867 = arith.constant 0 : i32
          %dma_wait3A_1868 = tpu.memref_slice %arg5[%mul3A_1855, %mul3A_1857, %dma_wait3A_1867] : memref<48x512x512xf32, #tpu.memory_space<hbm>> -> memref<1x32x512xf32, #tpu.memory_space<hbm>>
          %dma_wait3A_1869 = arith.constant 0 : i32
          %dma_wait3A_1870 = arith.constant 0 : i32
          %dma_wait3A_1871 = arith.constant 0 : i32
          %dma_wait3A_1872 = tpu.memref_slice %run_scoped3A_12[%rem3A_1813, %dma_wait3A_1869, %dma_wait3A_1870, %dma_wait3A_1871] : memref<2x1x32x512xf32, #tpu.memory_space<vmem>> -> memref<1x1x32x512xf32, #tpu.memory_space<vmem>>
          %dma_wait3A_1873 = tpu.memref_squeeze %dma_wait3A_1872 : memref<1x1x32x512xf32, #tpu.memory_space<vmem>> -> memref<1x32x512xf32, #tpu.memory_space<vmem>>
          tpu.wait_dma2 semaphore(%dma_wait3A_1866 : memref<!tpu.dma_semaphore, #tpu.memory_space<semaphore_mem>>) src(%dma_wait3A_1873 : memref<1x32x512xf32, #tpu.memory_space<vmem>>) dst(%dma_wait3A_1868 : memref<1x32x512xf32, #tpu.memory_space<hbm>>)
          "tpu.trace_stop"() : () -> ()
        } else {
        }
        %and3A_1594 = arith.constant true
        %and3A_1595 = arith.andi %and3A_1590, %and3A_1594 : i1
        %add3A_1596 = arith.constant 1 : i32
        %add3A_1597 = arith.addi %scan3A_315, %add3A_1596 : i32
        %select_n3A_1598 = arith.select %and3A_1595, %add3A_1597, %scan3A_315 : i32
        %jit3A_1599 = arith.constant 16 : i32
        %div3A_1600 = arith.divsi %add3A_321, %jit3A_1599 : i32
        %sign3A_1601 = arith.constant 0 : i32
        %sign3A_1602 = arith.cmpi sgt, %add3A_321, %sign3A_1601 : i32
        %sign3A_1603 = arith.extui %sign3A_1602 : i1 to i32
        %sign3A_1604 = arith.constant 0 : i32
        %sign3A_1605 = arith.cmpi slt, %add3A_321, %sign3A_1604 : i32
        %sign3A_1606 = arith.extui %sign3A_1605 : i1 to i32
        %sign3A_1607 = arith.subi %sign3A_1603, %sign3A_1606 : i32
        %sign3A_1608 = arith.constant 0 : i32
        %sign3A_1609 = arith.cmpi sgt, %jit3A_1599, %sign3A_1608 : i32
        %sign3A_1610 = arith.extui %sign3A_1609 : i1 to i32
        %sign3A_1611 = arith.constant 0 : i32
        %sign3A_1612 = arith.cmpi slt, %jit3A_1599, %sign3A_1611 : i32
        %sign3A_1613 = arith.extui %sign3A_1612 : i1 to i32
        %sign3A_1614 = arith.subi %sign3A_1610, %sign3A_1613 : i32
        %ne3A_1615 = arith.cmpi ne, %sign3A_1607, %sign3A_1614 : i32
        %rem3A_1616 = arith.remsi %add3A_321, %jit3A_1599 : i32
        %ne3A_1617 = arith.constant 0 : i32
        %ne3A_1618 = arith.cmpi ne, %rem3A_1616, %ne3A_1617 : i32
        %and3A_1619 = arith.andi %ne3A_1615, %ne3A_1618 : i1
        %sub3A_1620 = arith.constant 1 : i32
        %sub3A_1621 = arith.subi %div3A_1600, %sub3A_1620 : i32
        %select_n3A_1622 = arith.select %and3A_1619, %sub3A_1621, %div3A_1600 : i32
        %jit3A_1623 = arith.constant 16 : i32
        %div3A_1624 = arith.divsi %add3A_339, %jit3A_1623 : i32
        %sign3A_1625 = arith.constant 0 : i32
        %sign3A_1626 = arith.cmpi sgt, %add3A_339, %sign3A_1625 : i32
        %sign3A_1627 = arith.extui %sign3A_1626 : i1 to i32
        %sign3A_1628 = arith.constant 0 : i32
        %sign3A_1629 = arith.cmpi slt, %add3A_339, %sign3A_1628 : i32
        %sign3A_1630 = arith.extui %sign3A_1629 : i1 to i32
        %sign3A_1631 = arith.subi %sign3A_1627, %sign3A_1630 : i32
        %sign3A_1632 = arith.constant 0 : i32
        %sign3A_1633 = arith.cmpi sgt, %jit3A_1623, %sign3A_1632 : i32
        %sign3A_1634 = arith.extui %sign3A_1633 : i1 to i32
        %sign3A_1635 = arith.constant 0 : i32
        %sign3A_1636 = arith.cmpi slt, %jit3A_1623, %sign3A_1635 : i32
        %sign3A_1637 = arith.extui %sign3A_1636 : i1 to i32
        %sign3A_1638 = arith.subi %sign3A_1634, %sign3A_1637 : i32
        %ne3A_1639 = arith.cmpi ne, %sign3A_1631, %sign3A_1638 : i32
        %rem3A_1640 = arith.remsi %add3A_339, %jit3A_1623 : i32
        %ne3A_1641 = arith.constant 0 : i32
        %ne3A_1642 = arith.cmpi ne, %rem3A_1640, %ne3A_1641 : i32
        %and3A_1643 = arith.andi %ne3A_1639, %ne3A_1642 : i1
        %sub3A_1644 = arith.constant 1 : i32
        %sub3A_1645 = arith.subi %div3A_1624, %sub3A_1644 : i32
        %select_n3A_1646 = arith.select %and3A_1643, %sub3A_1645, %div3A_1624 : i32
        %ne3A_1647 = arith.cmpi ne, %select_n3A_1622, %select_n3A_1646 : i32
        %or3A_1648 = arith.constant false
        %or3A_1649 = arith.ori %or3A_1648, %ne3A_1647 : i1
        %or3A_1650 = arith.constant false
        %or3A_1651 = arith.ori %or3A_1649, %or3A_1650 : i1
        %or3A_1652 = arith.ori %or3A_1651, %eq3A_320 : i1
        %add3A_1653 = arith.constant 1 : i32
        %add3A_1654 = arith.addi %scan3A_309, %add3A_1653 : i32
        %select_n3A_1655 = arith.select %or3A_1652, %add3A_1654, %scan3A_309 : i32
        %jit3A_1656 = arith.constant 16 : i32
        %div3A_1657 = arith.divsi %add3A_321, %jit3A_1656 : i32
        %sign3A_1658 = arith.constant 0 : i32
        %sign3A_1659 = arith.cmpi sgt, %add3A_321, %sign3A_1658 : i32
        %sign3A_1660 = arith.extui %sign3A_1659 : i1 to i32
        %sign3A_1661 = arith.constant 0 : i32
        %sign3A_1662 = arith.cmpi slt, %add3A_321, %sign3A_1661 : i32
        %sign3A_1663 = arith.extui %sign3A_1662 : i1 to i32
        %sign3A_1664 = arith.subi %sign3A_1660, %sign3A_1663 : i32
        %sign3A_1665 = arith.constant 0 : i32
        %sign3A_1666 = arith.cmpi sgt, %jit3A_1656, %sign3A_1665 : i32
        %sign3A_1667 = arith.extui %sign3A_1666 : i1 to i32
        %sign3A_1668 = arith.constant 0 : i32
        %sign3A_1669 = arith.cmpi slt, %jit3A_1656, %sign3A_1668 : i32
        %sign3A_1670 = arith.extui %sign3A_1669 : i1 to i32
        %sign3A_1671 = arith.subi %sign3A_1667, %sign3A_1670 : i32
        %ne3A_1672 = arith.cmpi ne, %sign3A_1664, %sign3A_1671 : i32
        %rem3A_1673 = arith.remsi %add3A_321, %jit3A_1656 : i32
        %ne3A_1674 = arith.constant 0 : i32
        %ne3A_1675 = arith.cmpi ne, %rem3A_1673, %ne3A_1674 : i32
        %and3A_1676 = arith.andi %ne3A_1672, %ne3A_1675 : i1
        %sub3A_1677 = arith.constant 1 : i32
        %sub3A_1678 = arith.subi %div3A_1657, %sub3A_1677 : i32
        %select_n3A_1679 = arith.select %and3A_1676, %sub3A_1678, %div3A_1657 : i32
        %jit3A_1680 = arith.constant 16 : i32
        %div3A_1681 = arith.divsi %add3A_339, %jit3A_1680 : i32
        %sign3A_1682 = arith.constant 0 : i32
        %sign3A_1683 = arith.cmpi sgt, %add3A_339, %sign3A_1682 : i32
        %sign3A_1684 = arith.extui %sign3A_1683 : i1 to i32
        %sign3A_1685 = arith.constant 0 : i32
        %sign3A_1686 = arith.cmpi slt, %add3A_339, %sign3A_1685 : i32
        %sign3A_1687 = arith.extui %sign3A_1686 : i1 to i32
        %sign3A_1688 = arith.subi %sign3A_1684, %sign3A_1687 : i32
        %sign3A_1689 = arith.constant 0 : i32
        %sign3A_1690 = arith.cmpi sgt, %jit3A_1680, %sign3A_1689 : i32
        %sign3A_1691 = arith.extui %sign3A_1690 : i1 to i32
        %sign3A_1692 = arith.constant 0 : i32
        %sign3A_1693 = arith.cmpi slt, %jit3A_1680, %sign3A_1692 : i32
        %sign3A_1694 = arith.extui %sign3A_1693 : i1 to i32
        %sign3A_1695 = arith.subi %sign3A_1691, %sign3A_1694 : i32
        %ne3A_1696 = arith.cmpi ne, %sign3A_1688, %sign3A_1695 : i32
        %rem3A_1697 = arith.remsi %add3A_339, %jit3A_1680 : i32
        %ne3A_1698 = arith.constant 0 : i32
        %ne3A_1699 = arith.cmpi ne, %rem3A_1697, %ne3A_1698 : i32
        %and3A_1700 = arith.andi %ne3A_1696, %ne3A_1699 : i1
        %sub3A_1701 = arith.constant 1 : i32
        %sub3A_1702 = arith.subi %div3A_1681, %sub3A_1701 : i32
        %select_n3A_1703 = arith.select %and3A_1700, %sub3A_1702, %div3A_1681 : i32
        %ne3A_1704 = arith.cmpi ne, %select_n3A_1679, %select_n3A_1703 : i32
        %or3A_1705 = arith.constant false
        %or3A_1706 = arith.ori %or3A_1705, %ne3A_1704 : i1
        %or3A_1707 = arith.constant false
        %or3A_1708 = arith.ori %or3A_1706, %or3A_1707 : i1
        %or3A_1709 = arith.ori %or3A_1708, %eq3A_320 : i1
        %add3A_1710 = arith.constant 1 : i32
        %add3A_1711 = arith.addi %scan3A_311, %add3A_1710 : i32
        %select_n3A_1712 = arith.select %or3A_1709, %add3A_1711, %scan3A_311 : i32
        %jit3A_1713 = arith.constant 16 : i32
        %div3A_1714 = arith.divsi %add3A_321, %jit3A_1713 : i32
        %sign3A_1715 = arith.constant 0 : i32
        %sign3A_1716 = arith.cmpi sgt, %add3A_321, %sign3A_1715 : i32
        %sign3A_1717 = arith.extui %sign3A_1716 : i1 to i32
        %sign3A_1718 = arith.constant 0 : i32
        %sign3A_1719 = arith.cmpi slt, %add3A_321, %sign3A_1718 : i32
        %sign3A_1720 = arith.extui %sign3A_1719 : i1 to i32
        %sign3A_1721 = arith.subi %sign3A_1717, %sign3A_1720 : i32
        %sign3A_1722 = arith.constant 0 : i32
        %sign3A_1723 = arith.cmpi sgt, %jit3A_1713, %sign3A_1722 : i32
        %sign3A_1724 = arith.extui %sign3A_1723 : i1 to i32
        %sign3A_1725 = arith.constant 0 : i32
        %sign3A_1726 = arith.cmpi slt, %jit3A_1713, %sign3A_1725 : i32
        %sign3A_1727 = arith.extui %sign3A_1726 : i1 to i32
        %sign3A_1728 = arith.subi %sign3A_1724, %sign3A_1727 : i32
        %ne3A_1729 = arith.cmpi ne, %sign3A_1721, %sign3A_1728 : i32
        %rem3A_1730 = arith.remsi %add3A_321, %jit3A_1713 : i32
        %ne3A_1731 = arith.constant 0 : i32
        %ne3A_1732 = arith.cmpi ne, %rem3A_1730, %ne3A_1731 : i32
        %and3A_1733 = arith.andi %ne3A_1729, %ne3A_1732 : i1
        %sub3A_1734 = arith.constant 1 : i32
        %sub3A_1735 = arith.subi %div3A_1714, %sub3A_1734 : i32
        %select_n3A_1736 = arith.select %and3A_1733, %sub3A_1735, %div3A_1714 : i32
        %jit3A_1737 = arith.constant 16 : i32
        %eq3A_1738 = arith.constant 0 : i32
        %eq3A_1739 = arith.cmpi eq, %jit3A_1737, %eq3A_1738 : i32
        %jit3A_1740 = arith.constant 1 : i32
        %select_n3A_1741 = arith.select %eq3A_1739, %jit3A_1740, %jit3A_1737 : i32
        %rem3A_1742 = arith.remsi %add3A_321, %select_n3A_1741 : i32
        %ne3A_1743 = arith.constant 0 : i32
        %ne3A_1744 = arith.cmpi ne, %rem3A_1742, %ne3A_1743 : i32
        %lt3A_1745 = arith.constant 0 : i32
        %lt3A_1746 = arith.cmpi slt, %rem3A_1742, %lt3A_1745 : i32
        %lt3A_1747 = arith.constant 0 : i32
        %lt3A_1748 = arith.cmpi slt, %select_n3A_1741, %lt3A_1747 : i32
        %ne3A_1749 = arith.xori %lt3A_1746, %lt3A_1748 : i1
        %and3A_1750 = arith.andi %ne3A_1749, %ne3A_1744 : i1
        %add3A_1751 = arith.addi %rem3A_1742, %select_n3A_1741 : i32
        %select_n3A_1752 = arith.select %and3A_1750, %add3A_1751, %rem3A_1742 : i32
        %jit3A_1753 = arith.constant 16 : i32
        %div3A_1754 = arith.divsi %add3A_339, %jit3A_1753 : i32
        %sign3A_1755 = arith.constant 0 : i32
        %sign3A_1756 = arith.cmpi sgt, %add3A_339, %sign3A_1755 : i32
        %sign3A_1757 = arith.extui %sign3A_1756 : i1 to i32
        %sign3A_1758 = arith.constant 0 : i32
        %sign3A_1759 = arith.cmpi slt, %add3A_339, %sign3A_1758 : i32
        %sign3A_1760 = arith.extui %sign3A_1759 : i1 to i32
        %sign3A_1761 = arith.subi %sign3A_1757, %sign3A_1760 : i32
        %sign3A_1762 = arith.constant 0 : i32
        %sign3A_1763 = arith.cmpi sgt, %jit3A_1753, %sign3A_1762 : i32
        %sign3A_1764 = arith.extui %sign3A_1763 : i1 to i32
        %sign3A_1765 = arith.constant 0 : i32
        %sign3A_1766 = arith.cmpi slt, %jit3A_1753, %sign3A_1765 : i32
        %sign3A_1767 = arith.extui %sign3A_1766 : i1 to i32
        %sign3A_1768 = arith.subi %sign3A_1764, %sign3A_1767 : i32
        %ne3A_1769 = arith.cmpi ne, %sign3A_1761, %sign3A_1768 : i32
        %rem3A_1770 = arith.remsi %add3A_339, %jit3A_1753 : i32
        %ne3A_1771 = arith.constant 0 : i32
        %ne3A_1772 = arith.cmpi ne, %rem3A_1770, %ne3A_1771 : i32
        %and3A_1773 = arith.andi %ne3A_1769, %ne3A_1772 : i1
        %sub3A_1774 = arith.constant 1 : i32
        %sub3A_1775 = arith.subi %div3A_1754, %sub3A_1774 : i32
        %select_n3A_1776 = arith.select %and3A_1773, %sub3A_1775, %div3A_1754 : i32
        %jit3A_1777 = arith.constant 16 : i32
        %eq3A_1778 = arith.constant 0 : i32
        %eq3A_1779 = arith.cmpi eq, %jit3A_1777, %eq3A_1778 : i32
        %jit3A_1780 = arith.constant 1 : i32
        %select_n3A_1781 = arith.select %eq3A_1779, %jit3A_1780, %jit3A_1777 : i32
        %rem3A_1782 = arith.remsi %add3A_339, %select_n3A_1781 : i32
        %ne3A_1783 = arith.constant 0 : i32
        %ne3A_1784 = arith.cmpi ne, %rem3A_1782, %ne3A_1783 : i32
        %lt3A_1785 = arith.constant 0 : i32
        %lt3A_1786 = arith.cmpi slt, %rem3A_1782, %lt3A_1785 : i32
        %lt3A_1787 = arith.constant 0 : i32
        %lt3A_1788 = arith.cmpi slt, %select_n3A_1781, %lt3A_1787 : i32
        %ne3A_1789 = arith.xori %lt3A_1786, %lt3A_1788 : i1
        %and3A_1790 = arith.andi %ne3A_1789, %ne3A_1784 : i1
        %add3A_1791 = arith.addi %rem3A_1782, %select_n3A_1781 : i32
        %select_n3A_1792 = arith.select %and3A_1790, %add3A_1791, %rem3A_1782 : i32
        %ne3A_1793 = arith.cmpi ne, %select_n3A_1736, %select_n3A_1776 : i32
        %ne3A_1794 = arith.cmpi ne, %select_n3A_1752, %select_n3A_1792 : i32
        %or3A_1795 = arith.constant false
        %or3A_1796 = arith.ori %or3A_1795, %ne3A_1793 : i1
        %or3A_1797 = arith.ori %or3A_1796, %ne3A_1794 : i1
        %or3A_1798 = arith.constant false
        %or3A_1799 = arith.ori %or3A_1797, %or3A_1798 : i1
        %or3A_1800 = arith.ori %or3A_1799, %eq3A_320 : i1
        %add3A_1801 = arith.constant 1 : i32
        %add3A_1802 = arith.addi %scan3A_313, %add3A_1801 : i32
        %select_n3A_1803 = arith.select %or3A_1800, %add3A_1802, %scan3A_313 : i32
        %add3A_1804 = arith.constant 1 : i32
        %add3A_1805 = arith.addi %scan3A_316, %add3A_1804 : i32
        %select_n3A_1806 = arith.constant true
        %select_n3A_1807 = arith.select %select_n3A_1806, %add3A_1805, %scan3A_316 : i32
        %eq3A_1808 = arith.constant 24 : i32
        %eq3A_1809 = arith.cmpi eq, %select_n3A_1807, %eq3A_1808 : i32
        %select_n3A_1810 = arith.constant 0 : i32
        %select_n3A_1811 = arith.select %eq3A_1809, %select_n3A_1810, %select_n3A_1807 : i32
        scf.yield %select_n3A_409, %select_n3A_1655, %select_n3A_475, %select_n3A_1712, %select_n3A_575, %select_n3A_1803, %select_n3A_1283, %select_n3A_1598, %select_n3A_1811 : i32, i32, i32, i32, i32, i32, i32, i32, i32
      }
      %scan3A_209 = arith.constant 24 : i32
      %sub3A_210 = arith.constant 1 : i32
      %sub3A_211 = arith.subi %scan3A_208#8, %sub3A_210 : i32
      %select_n3A_212 = arith.constant true
      %select_n3A_213 = arith.select %select_n3A_212, %sub3A_211, %scan3A_208#8 : i32
      %eq3A_214 = arith.constant -1 : i32
      %eq3A_215 = arith.cmpi eq, %select_n3A_213, %eq3A_214 : i32
      %select_n3A_216 = arith.constant 23 : i32
      %select_n3A_217 = arith.select %eq3A_215, %select_n3A_216, %select_n3A_213 : i32
      %add3A_218 = arith.addi %select_n3A_217, %mul3A_6 : i32
      %sub3A_219 = arith.constant 1 : i32
      %sub3A_220 = arith.subi %select_n3A_217, %sub3A_219 : i32
      %select_n3A_221 = arith.constant true
      %select_n3A_222 = arith.select %select_n3A_221, %sub3A_220, %select_n3A_217 : i32
      %eq3A_223 = arith.constant -1 : i32
      %eq3A_224 = arith.cmpi eq, %select_n3A_222, %eq3A_223 : i32
      %select_n3A_225 = arith.constant 23 : i32
      %select_n3A_226 = arith.select %eq3A_224, %select_n3A_225, %select_n3A_222 : i32
      %add3A_227 = arith.addi %select_n3A_226, %mul3A_6 : i32
      %add3A_228 = arith.constant 1 : i32
      %add3A_229 = arith.addi %select_n3A_217, %add3A_228 : i32
      %select_n3A_230 = arith.constant true
      %select_n3A_231 = arith.select %select_n3A_230, %add3A_229, %select_n3A_217 : i32
      %eq3A_232 = arith.constant 24 : i32
      %eq3A_233 = arith.cmpi eq, %select_n3A_231, %eq3A_232 : i32
      %select_n3A_234 = arith.constant 0 : i32
      %select_n3A_235 = arith.select %eq3A_233, %select_n3A_234, %select_n3A_231 : i32
      %add3A_236 = arith.addi %select_n3A_235, %mul3A_6 : i32
      %add3A_237 = arith.constant 1 : i32
      %add3A_238 = arith.addi %select_n3A_235, %add3A_237 : i32
      %select_n3A_239 = arith.constant true
      %select_n3A_240 = arith.select %select_n3A_239, %add3A_238, %select_n3A_235 : i32
      %eq3A_241 = arith.constant 24 : i32
      %eq3A_242 = arith.cmpi eq, %select_n3A_240, %eq3A_241 : i32
      %select_n3A_243 = arith.constant 0 : i32
      %select_n3A_244 = arith.select %eq3A_242, %select_n3A_243, %select_n3A_240 : i32
      %add3A_245 = arith.addi %select_n3A_244, %mul3A_6 : i32
      "tpu.trace_start"() <{level = 10 : i32, message = "ep_finalize"}> : () -> ()
      %rem3A_246 = arith.constant 2 : i32
      %rem3A_247 = arith.remui %scan3A_208#7, %rem3A_246 : i32
      %jit3A_248 = arith.constant 16 : i32
      %div3A_249 = arith.divsi %add3A_218, %jit3A_248 : i32
      %sign3A_250 = arith.constant 0 : i32
      %sign3A_251 = arith.cmpi sgt, %add3A_218, %sign3A_250 : i32
      %sign3A_252 = arith.extui %sign3A_251 : i1 to i32
      %sign3A_253 = arith.constant 0 : i32
      %sign3A_254 = arith.cmpi slt, %add3A_218, %sign3A_253 : i32
      %sign3A_255 = arith.extui %sign3A_254 : i1 to i32
      %sign3A_256 = arith.subi %sign3A_252, %sign3A_255 : i32
      %sign3A_257 = arith.constant 0 : i32
      %sign3A_258 = arith.cmpi sgt, %jit3A_248, %sign3A_257 : i32
      %sign3A_259 = arith.extui %sign3A_258 : i1 to i32
      %sign3A_260 = arith.constant 0 : i32
      %sign3A_261 = arith.cmpi slt, %jit3A_248, %sign3A_260 : i32
      %sign3A_262 = arith.extui %sign3A_261 : i1 to i32
      %sign3A_263 = arith.subi %sign3A_259, %sign3A_262 : i32
      %ne3A_264 = arith.cmpi ne, %sign3A_256, %sign3A_263 : i32
      %rem3A_265 = arith.remsi %add3A_218, %jit3A_248 : i32
      %ne3A_266 = arith.constant 0 : i32
      %ne3A_267 = arith.cmpi ne, %rem3A_265, %ne3A_266 : i32
      %and3A_268 = arith.andi %ne3A_264, %ne3A_267 : i1
      %sub3A_269 = arith.constant 1 : i32
      %sub3A_270 = arith.subi %div3A_249, %sub3A_269 : i32
      %select_n3A_271 = arith.select %and3A_268, %sub3A_270, %div3A_249 : i32
      %jit3A_272 = arith.constant 16 : i32
      %eq3A_273 = arith.constant 0 : i32
      %eq3A_274 = arith.cmpi eq, %jit3A_272, %eq3A_273 : i32
      %jit3A_275 = arith.constant 1 : i32
      %select_n3A_276 = arith.select %eq3A_274, %jit3A_275, %jit3A_272 : i32
      %rem3A_277 = arith.remsi %add3A_218, %select_n3A_276 : i32
      %ne3A_278 = arith.constant 0 : i32
      %ne3A_279 = arith.cmpi ne, %rem3A_277, %ne3A_278 : i32
      %lt3A_280 = arith.constant 0 : i32
      %lt3A_281 = arith.cmpi slt, %rem3A_277, %lt3A_280 : i32
      %lt3A_282 = arith.constant 0 : i32
      %lt3A_283 = arith.cmpi slt, %select_n3A_276, %lt3A_282 : i32
      %ne3A_284 = arith.xori %lt3A_281, %lt3A_283 : i1
      %and3A_285 = arith.andi %ne3A_284, %ne3A_279 : i1
      %add3A_286 = arith.addi %rem3A_277, %select_n3A_276 : i32
      %select_n3A_287 = arith.select %and3A_285, %add3A_286, %rem3A_277 : i32
      %mul3A_288 = arith.constant 1 : i32
      %mul3A_289 = arith.muli %mul3A_288, %select_n3A_271 : i32
      %mul3A_290 = arith.constant 32 : i32
      %mul3A_291 = arith.muli %mul3A_290, %select_n3A_287 : i32
      %dma_wait3A = arith.constant 0 : i32
      %dma_wait3A_292 = arith.constant 0 : i32
      %dma_wait3A_293 = arith.constant 0 : i32
      %dma_wait3A_294 = tpu.memref_slice %run_scoped3A_12[%rem3A_247, %dma_wait3A, %dma_wait3A_292, %dma_wait3A_293] : memref<2x1x32x512xf32, #tpu.memory_space<vmem>> -> memref<1x1x32x512xf32, #tpu.memory_space<vmem>>
      %dma_wait3A_295 = tpu.memref_squeeze %dma_wait3A_294 : memref<1x1x32x512xf32, #tpu.memory_space<vmem>> -> memref<1x32x512xf32, #tpu.memory_space<vmem>>
      %dma_wait3A_296 = arith.constant 0 : i32
      %dma_wait3A_297 = tpu.memref_slice %arg5[%mul3A_289, %mul3A_291, %dma_wait3A_296] : memref<48x512x512xf32, #tpu.memory_space<hbm>> -> memref<1x32x512xf32, #tpu.memory_space<hbm>>
      %dma_wait3A_298 = tpu.memref_slice %run_scoped3A_13[%rem3A_247] : memref<2x!tpu.dma_semaphore, #tpu.memory_space<semaphore_mem>> -> memref<1x!tpu.dma_semaphore, #tpu.memory_space<semaphore_mem>>
      %dma_wait3A_299 = tpu.memref_squeeze %dma_wait3A_298 : memref<1x!tpu.dma_semaphore, #tpu.memory_space<semaphore_mem>> -> memref<!tpu.dma_semaphore, #tpu.memory_space<semaphore_mem>>
      %dma_wait3A_300 = arith.constant 0 : i32
      %dma_wait3A_301 = tpu.memref_slice %arg5[%mul3A_289, %mul3A_291, %dma_wait3A_300] : memref<48x512x512xf32, #tpu.memory_space<hbm>> -> memref<1x32x512xf32, #tpu.memory_space<hbm>>
      %dma_wait3A_302 = arith.constant 0 : i32
      %dma_wait3A_303 = arith.constant 0 : i32
      %dma_wait3A_304 = arith.constant 0 : i32
      %dma_wait3A_305 = tpu.memref_slice %run_scoped3A_12[%rem3A_247, %dma_wait3A_302, %dma_wait3A_303, %dma_wait3A_304] : memref<2x1x32x512xf32, #tpu.memory_space<vmem>> -> memref<1x1x32x512xf32, #tpu.memory_space<vmem>>
      %dma_wait3A_306 = tpu.memref_squeeze %dma_wait3A_305 : memref<1x1x32x512xf32, #tpu.memory_space<vmem>> -> memref<1x32x512xf32, #tpu.memory_space<vmem>>
      tpu.wait_dma2 semaphore(%dma_wait3A_299 : memref<!tpu.dma_semaphore, #tpu.memory_space<semaphore_mem>>) src(%dma_wait3A_306 : memref<1x32x512xf32, #tpu.memory_space<vmem>>) dst(%dma_wait3A_301 : memref<1x32x512xf32, #tpu.memory_space<hbm>>)
      "tpu.trace_stop"() : () -> ()
      tpu.yield
    }) : () -> ()
    return
  }
}

</mosaic_0001>

<sc_bundles>
// kernel: kernel.3.cloned.1.call-start
scs
__scs_entry_jumppad:
0x0: {  	(pc) =	sbr.rel $0x88, $3  }
0x1: {  	(tag) =	ssettag $0x0;
	lr =	simm.s32 $0x1  }
0x2: {  	[smem:$0x3F9F] =	sst lr;
	_ =	strace $0xD0000000  }
0x3: {  	_ = 	snop  }
0x4: {  	_ = 	snop  }
0x5: {  	_ = 	snop  }
0x6: {  	_ = 	snop  }
0x7: {  	_ = 	snop  }
__scs_overlays_trampoline_lowered:
0x8: {  	[smem:$0x3FAE] =	sst s0  }
0x9: {  	[smem:$0x3FAF] =	sst s1  }
0xa: {  	[smem:$0x3FB0] =	sst s2  }
0xb: {  	[smem:$0x3FB1] =	sst s3  }
0xc: {  	[smem:$0x3FB2] =	sst s4  }
0xd: {  	[smem:$0x3FB3] =	sst s5  }
0xe: {  	[smem:$0x3FB4] =	sst s6  }
0xf: {  	[smem:$0x3FB5] =	sst s7  }
0x10: {  	[smem:$0x3FB6] =	sst s8  }
0x11: {  	[smem:$0x3FB7] =	sst s9;
	s0 =	simm.s32 @!p0 $0x0  }
0x12: {  	s1 =	sld [smem:$0x3F9D];
	s0 =	simm.s32 @p0 $0x1  }
0x13: {  	[smem:$0x3FB8] =	sst s0;
	s0 =	simm.s32 @!p1 $0x0  }
0x14: {  	s2 =	sld [smem:$0x3F9C];
	s0 =	simm.s32 @p1 $0x1  }
0x15: {  	[smem:$0x3FB9] =	sst s0;
	s0 =	simm.s32 @!p2 $0x0  }
0x16: {  	s3 =	sld [smem:$0x3FDB];
	s0 =	simm.s32 @p2 $0x1  }
0x17: {  	s4 =	simm.s32 $0x1BF5;
	[smem:$0x3FBB] =	sst s0  }
0x18: {  	s0 =	sld [smem:$0x3F9E];
	_ =	swait.ge [sflag:s4], $0x0  }
0x19: {  	s7 =	sld [smem:$0x3F9F]  }
0x1a: {  	s8 =	sadd.s32 $0xFFFFE003, lr  }
0x1b: {  	s9 =	sadd.s32 $0xFFFFFEF7, lr;
	s5 =	simm.s32 $0xFFFFFFFF;
	p2 =	slt.u32 s8, $0xFFFFF086  }
0x1c: {  	p1 =	slt.u32 s9, $0xF7A;
	s5 =	simm.s32 @!p2 $0x0  }
0x1d: {  	s5 =	simm.s32 @p1 $0x1;
	p0 =	seq.s32 s7, s2  }
0x1e: {  	s7 =	smul.u32 @!p0 $0xF7A, s2;
	p2 =	seq.s32 @!p0 s5, $0x0  }
0x1f: {  	s9 =	smul.u32 $0xF7A, s1;
	s8 =	simm.s32 @!p0 $0x1BF5;
	p2 =	por !p2, p0  }
0x20: {  	[sflag:s8] =	ssyncset.s32 @!p0 $0xFFFFF086;
	s6 =	sadd.s32 @!p0 s3, s7;
	s7 =	simm.s32 @!p0 $0x108  }
0x21: {  	s3 =	sadd.s32 s3, s9;
	s6 =	sadd.s32 @!p0 $0x88, s6;
	s7 =	simm.s32 @p2 $0x1082  }
0x22: {  	[simem:s7], [sflag:s8] =	dma.local @!p0 [hbm:s6], $0xF7A  }
0x23: {  	s9 =	sor.u32 $0xD0000000, s2;
	s6 =	simm.s32 $0x108;
	_ =	swait.ge @!p0 [sflag:s8], $0x0  }
0x24: {  	s3 =	sadd.s32 $0x88, s3;
	s6 =	simm.s32 @!p1 $0x1082;
	[sflag:s4] =	ssyncset.s32 $0xFFFFF086  }
0x25: {  	[simem:s6], [sflag:s4] =	dma.local [hbm:s3], $0xF7A  }
0x26: {  	[smem:$0x3F9F] =	sst s1;
	(tag) =	ssettag s2;
	_ =	strace s9  }
0x27: {  	s1 =	sld [smem:$0x3FAF]  }
0x28: {  	s2 =	sld [smem:$0x3FB0]  }
0x29: {  	s4 =	sld [smem:$0x3FB2]  }
0x2a: {  	p0 =	seq.s32 s5, $0x0;
	s5 =	sld [smem:$0x3FB3]  }
0x2b: {  	s6 =	sld [smem:$0x3FB4]  }
0x2c: {  	s7 =	sld [smem:$0x3FB5]  }
0x2d: {  	s3 =	simm.s32 $0x108;
	s8 =	sld [smem:$0x3FB6]  }
0x2e: {  	s3 =	simm.s32 @!p0 $0x1082;
	s9 =	sld [smem:$0x3FB7]  }
0x2f: {  	lr =	sadd.s32 s0, s3;
	s0 =	sld [smem:$0x3FAE]  }
0x30: {  	s3 =	sld [smem:$0x3FB1]  }
0x31: {  	[smem:$0x3FBA] =	sst s10  }
0x32: {  	s10 =	sld [smem:$0x3FB8];
	_ =	sdelay $0x3  }
0x33: {  	p0 =	seq.s32 s10, $0x1;
	s10 =	sld [smem:$0x3FBA];
	_ =	sdelay $0x3  }
0x34: {  	[smem:$0x3FBA] =	sst s10  }
0x35: {  	s10 =	sld [smem:$0x3FB9];
	_ =	sdelay $0x3  }
0x36: {  	p1 =	seq.s32 s10, $0x1;
	s10 =	sld [smem:$0x3FBA];
	_ =	sdelay $0x3  }
0x37: {  	[smem:$0x3FBA] =	sst s10  }
0x38: {  	s10 =	sld [smem:$0x3FBB]  }
0x39: {  	_ = 	snop;
	(pc) =	sbr.ind lr, $3  }
0x3a: {  	_ = 	snop  }
0x3b: {  	_ = 	snop  }
0x3c: {  	p2 =	seq.s32 s10, $0x1;
	s10 =	sld [smem:$0x3FBA]  }
0x3d: {  	_ =	shalt  }
0x3e: {  	_ =	shalt  }
0x3f: {  	_ =	shalt  }
0x40: {  	_ =	shalt  }
0x41: {  	_ =	shalt  }
0x42: {  	_ =	shalt  }
0x43: {  	_ =	shalt  }
0x44: {  	_ =	shalt  }
0x45: {  	_ =	shalt  }
0x46: {  	_ =	shalt  }
0x47: {  	_ =	shalt  }
0x48: {  	_ =	shalt  }
0x49: {  	_ =	shalt  }
0x4a: {  	_ =	shalt  }
0x4b: {  	_ =	shalt  }
0x4c: {  	_ =	shalt  }
0x4d: {  	_ =	shalt  }
0x4e: {  	_ =	shalt  }
0x4f: {  	_ =	shalt  }
0x50: {  	_ =	shalt  }
0x51: {  	_ =	shalt  }
0x52: {  	_ =	shalt  }
0x53: {  	_ =	shalt  }
0x54: {  	_ =	shalt  }
0x55: {  	_ =	shalt  }
0x56: {  	_ =	shalt  }
0x57: {  	_ =	shalt  }
0x58: {  	_ =	shalt  }
0x59: {  	_ =	shalt  }
0x5a: {  	_ =	shalt  }
0x5b: {  	_ =	shalt  }
0x5c: {  	_ =	shalt  }
0x5d: {  	_ =	shalt  }
0x5e: {  	_ =	shalt  }
0x5f: {  	_ =	shalt  }
0x60: {  	_ =	shalt  }
0x61: {  	_ =	shalt  }
0x62: {  	_ =	shalt  }
0x63: {  	_ =	shalt  }
0x64: {  	_ =	shalt  }
0x65: {  	_ =	shalt  }
0x66: {  	_ =	shalt  }
0x67: {  	_ =	shalt  }
0x68: {  	_ =	shalt  }
0x69: {  	_ =	shalt  }
0x6a: {  	_ =	shalt  }
0x6b: {  	_ =	shalt  }
0x6c: {  	_ =	shalt  }
0x6d: {  	_ =	shalt  }
0x6e: {  	_ =	shalt  }
0x6f: {  	_ =	shalt  }
0x70: {  	_ =	shalt  }
0x71: {  	_ =	shalt  }
0x72: {  	_ =	shalt  }
0x73: {  	_ =	shalt  }
0x74: {  	_ =	shalt  }
0x75: {  	_ =	shalt  }
0x76: {  	_ =	shalt  }
0x77: {  	_ =	shalt  }
0x78: {  	_ =	shalt  }
0x79: {  	_ =	shalt  }
0x7a: {  	_ =	shalt  }
0x7b: {  	_ =	shalt  }
0x7c: {  	_ =	shalt  }
0x7d: {  	_ =	shalt  }
0x7e: {  	_ =	shalt  }
0x7f: {  	_ =	shalt  }
0x80: {  	_ =	shalt  }
0x81: {  	_ =	shalt  }
0x82: {  	_ =	shalt  }
0x83: {  	_ =	shalt  }
0x84: {  	_ =	shalt  }
0x85: {  	_ =	shalt  }
0x86: {  	_ =	shalt  }
0x87: {  	_ =	shalt  }
.Lfunc_end0:
.L_simem_size_0:
called_computation_lowered:
.L_overlay_start_0:
0x88: {  	s2 =	sld [smem:$0x3FD9]  }
0x89: {  	s3 =	sld [smem:$0x3FFE];
	_ =	sdelay $0x1  }
0x8a: {  	s1 =	srdreg.scid  }
0x8b: {  	s0 =	sand.u32 $0x1, s1  }
0x8c: {  	s17 =	sshll.u32 s0, $0xA;
	s2 =	sadd.s32 s3, s2  }
0x8d: {  	s2 =	sadd.s32 s2, s17  }
0x8e: {  	[smem:$0x3FC6] =	sst s2  }
0x8f: {  	_ = 	snop  }
0x90: {  	s2 =	sld [smem:$0x3FC9]  }
0x91: {  	s18 =	sld [smem:$0x3FD0];
	(tm) =	ssettm $0x1  }
0x92: {  	s4 =	sld [smem:$0x3FFB];
	_ =	sdelay $0x3  }
0x93: {  	_ =	strace s4  }
0x94: {  	s4 =	sld [smem:$0x3FFC];
	_ =	sdelay $0x3  }
0x95: {  	_ =	strace s4  }
0x96: {  	s4 =	sld [smem:$0x3FFD];
	_ =	sdelay $0x3  }
0x97: {  	_ =	strace s4  }
0x98: {  	_ =	strace $0x8FFFFFFF  }
0x99: {  	s19 =	sld [smem:$0x3FDB];
	_ =	sdelay $0x1  }
0x9a: {  	s5 =	simm.s32 $_scs_section_size  }
0x9b: {  	s6 =	simm.s32 $_size__tile_overlayer_lowered;
	s7 =	simm.s32 $_tile_overlayer_lowered  }
0x9c: {  	s22 =	simm.s32 $0x1BFF;
	s21 =	sshll.u32 s7, $0x1;
	s4 =	sadd.s32 s5, s19  }
0x9d: {  	s8 =	simm.s32 $0x0;
	s20 =	sshll.u32 s6, $0x1;
	s6 =	sadd.s32 s21, s4  }
0x9e: {  	[timem:s8], [sflag:s22] =	dma.local [hbm:s6], s20  }
0x9f: {  	_ =	swait.ge [sflag:s22], s20  }
0xa0: {  	s5 =	ssub.s32 $0x0, s20;
	[sflag:s22] =	ssyncset.done $0x0  }
0xa1: {  	[sflag:s22] =	ssyncadd.s32 s5;
	_ =	sdelay $0x1  }
0xa2: {  	s23 =	simm.s32 $0x1B8B  }
0xa3: {  	_ =	swait.ge [sflag:s23], $0x1  }
0xa4: {  	[sflag:s23] =	ssyncset.done $0x0  }
0xa5: {  	s25 =	simm.s32 $0x1B8E;
	s24 =	sld [smem:$0x3FFE];
	[sflag:s23] =	ssyncadd.s32 $0xFFFFFFFF  }
0xa6: {  	s26 =	simm.s32 $execute0_lowered;
	[smem:$0x3FD2] =	sst s25  }
0xa7: {  	s6 =	sshll.u32 s26, $0x1;
	_ =	strace $0x80000046;
	[dreg:$0x1] =	wrdreg $0xFFFFFFFF  }
0xa8: {  	s28 =	simm.s32 $_size_execute0_lowered;
	s4 =	sadd.s32 s4, s6;
	[dreg:$0x0] =	wrdreg $0x0  }
0xa9: {  	s6 =	sshll.u32 s28, $0x1;
	[dreg:$0x2] =	wrdreg s4  }
0xaa: {  	[dreg:$0x3] =	wrdreg s6  }
0xab: {  	[dreg:$0x4] =	wrdreg $0xC0  }
0xac: {  	_ =	task [dreg:s8], $0x5FFFF  }
0xad: {  	[dreg:$0x1] =	wrdreg $0xFFFFFFFF  }
0xae: {  	[dreg:$0x0] =	wrdreg $0x60  }
0xaf: {  	[dreg:$0x2] =	wrdreg s24  }
0xb0: {  	[dreg:$0x3] =	wrdreg s2  }
0xb1: {  	[dreg:$0x4] =	wrdreg s18  }
0xb2: {  	[dreg:$0x5] =	wrdreg $0x9  }
0xb3: {  	_ =	task.clear_ibuf [dreg:s8], $0x6FFFF;
	_ =	strace $0x90000046  }
0xb4: {  	s29 =	simm.s32 $0x9;
	_ =	strace $0x80000053  }
0xb5: {  	_ =	swait.ge [sflag:s29], $0x1  }
0xb6: {  	[sflag:s29] =	ssyncadd.s32 $0xFFFFFFFF  }
0xb7: {  	_ =	strace $0x90000053  }
0xb8: {  	_ =	sfence  }
0xb9: {  	s30 =	sld [smem:$0x0];
	_ =	sdelay $0x2  }
0xba: {  	s31 =	sshll.u32 s1, $0xD;
	s1 =	sshrl.u32 s1, $0x2  }
0xbb: {  	s3 =	sand.u32 $0x4000, s31;
	s1 =	sadd.s32 s1, s30  }
0xbc: {  	s0 =	sor.u32 s3, s0;
	s1 =	sshll.u32 s1, $0x11  }
0xbd: {  	s0 =	sor.u32 s1, s0  }
0xbe: {  	s0 =	sadd.s32 $0x8F2B, s0  }
0xbf: {  	[sflag:s0] =	ssyncadd.remote.s32 $0x1  }
0xc0: {  	_ =	sfence.sel $0xFFFF  }
0xc1: {  	[dreg:$0x0] =	wrdreg $0xFFFFFFFF;
	(pc) =	sbr.abs _section_cstart, $3  }
0xc2: {  	[dreg:$0x1] =	wrdreg $0xFFFFFFFF  }
0xc3: {  	_ =	task.clear_ibuf [dreg:s8], $0x2FFFF;
	_ =	strace $0x9FFFFFFF  }
0xc4: {  	(tm) =	ssettm $0x7FFFFFFF  }
0xc5: {  	_ =	shalt  }
tec
execute0_lowered:
.L_overlay_start_1:
0x0: {  	(tag) =	ssettag $0x1  }
0x1: {  	s0 =	rddreg [dreg:$0x0]  }
0x2: {  	s1 =	srdreg.scid;
	s5 =	rddreg [dreg:$0x1]  }
0x3: {  	s4 =	stileid.u32;
	s3 =	simm.s32 $0x0;
	s1 =	sand.u32 $0x1, s1  }
0x4: {  	[smem:$0x7FF] =	sst s3;
	s7 =	sadd.s32 $0x600, s0;
	s2 =	sshll.u32 s1, $0x4  }
0x5: {  	s8 =	sadd.s32 $0x1000, s0;
	s28 =	sshll.u32 s4, $0xE;
	s2 =	sor.u32 s4, s2  }
0x6: {  	_ =	strace $0x80000047;
	[dreg:$0x5] =	wrdreg s7;
	s6 =	smul.u32 $0x18, s2  }
0x7: {  	s22 =	ssub.s32 $0x2, s1;
	s3 =	sand.u32 $0x4000, s28;
	[dreg:$0x6] =	wrdreg s8  }
0x8: {  	s24 =	sshrl.u32 s22, $0x1;
	s3 =	sadd.s32 s5, s3;
	s23 =	sshrl.u32 s6, $0x7  }
0x9: {  	s0 =	ssub.s32 s22, s24;
	s25 =	sshll.u32 s6, $0x3;
	s1 =	smul.u32 $0xC00, s23  }
0xa: {  	s0 =	smax.u32 s0, $0x1;
	s29 =	sshll.u32 s6, $0xB;
	s26 =	sand.u32 $0x380, s25  }
0xb: {  	[dreg:$0x4] =	wrdreg s6;
	s2 =	sand.u32 $0x1F8000, s29;
	s1 =	sor.u32 s1, s26  }
0xc: {  	[dreg:$0xa] =	wrdreg s0;
	s31 =	sadd.s32 s2, s3;
	s1 =	sshrl.u32 s1, $0x3  }
0xd: {  	[dreg:$0x9] =	wrdreg s31;
	s30 =	sadd.s32 s7, s1  }
0xe: {  	s1 =	sadd.s32 s8, s1;
	[dreg:$0x7] =	wrdreg s30  }
0xf: {  	v0 =	vlaneseq.u32;
	[dreg:$0x8] =	wrdreg s1;
	s1 =	simm.s32 $0x0  }
.LBB2_1:
0x10: {  	[dreg:$0xb] =	wrdreg s1;
	s0 =	simm.s32 $0x0  }
0x11: {  	s2 =	simm.s32 $0x80;
	s3 =	simm.s32 $0x400;
	s4 =	simm.s32 $0x300  }
0x12: {  	s29 =	simm.s32 $0x600;
	s22 =	simm.s32 $0x0;
	_ =	strace $0x80000048  }
0x13: {  	s12 =	simm.s32 $0x0;
	s30 =	simm.s32 $0x1;
	s25 =	rddreg [dreg:$0x7]  }
0x14: {  	[tilespmem:s0], [sflag:$0x1] =	stream.strided.gather [hbm4b:s25+s2], $0x180, s3, s2, $0x200038;
	[tilespmem:$0x10600] =	vst v63  }
0x15: {  	s13 =	simm.s32 $0x0;
	s31 =	simm.s32 $0x1;
	s26 =	rddreg [dreg:$0x8]  }
0x16: {  	[tilespmem:s4], [sflag:$0x3] =	stream.strided.gather [hbm4b:s26+s2], $0x180, s3, s2, $0x200038;
	[tilespmem:$0x10600] =	vst v63  }
0x17: {  	s14 =	simm.s32 $0x0;
	s8 =	simm.s32 $0x1;
	s28 =	rddreg [dreg:$0x9]  }
0x18: {  	[tilespmem:s29], [sflag:$0x5] =	stream.linear.gather [hbm4b:s28+s0], $0x4000, $0x200038;
	[tilespmem:$0x10600] =	vst v63  }
0x19: {  	s15 =	simm.s32 $0x0;
	_ =	strace $0x90000048;
	[dreg:$0x10] =	wrdreg s30  }
0x1a: {  	s2 =	simm.s32 $0x0;
	s3 =	simm.s32 $0x0;
	[dreg:$0x12] =	wrdreg s31  }
.LBB2_2:
0x1b: {  	s11 =	rddreg [dreg:$0x4];
	s0 =	sadd.s32 $0xFFFFFFFF, s2  }
0x1c: {  	p1 =	seq.s32 s2, $0x0;
	s1 =	sadd.s32 s11, s2;
	s2 =	sadd.s32 $0x1, s2  }
0x1d: {  	p0 =	seq.s32 s2, $0x18  }
0x1e: {  	s2 =	simm.s32 @p0 $0x0  }
0x1f: {  	[dreg:$0xd] =	wrdreg s2;
	s2 =	sadd.s32 s11, s2  }
0x20: {  	s16 =	sshra.s32 s1, $0x1F;
	s4 =	sshra.s32 s2, $0x1F  }
0x21: {  	[dreg:$0xc] =	wrdreg s3;
	s3 =	sshrl.u32 s16, $0x1C;
	s4 =	sshrl.u32 s4, $0x1C  }
0x22: {  	s6 =	simm.s32 $0x1;
	s3 =	sadd.s32 s3, s1;
	s4 =	sadd.s32 s4, s2  }
0x23: {  	p5 =	slt.s32 s1, $0x1;
	s5 =	sand.u32 $0xFFFFFFF0, s3;
	s17 =	sand.u32 $0xFFFFFFF0, s4  }
0x24: {  	p6 =	slt.s32 s2, $0x1;
	p2 =	sne.s32 s1, s5;
	p3 =	sne.s32 s2, s17  }
0x25: {  	s3 =	sshra.s32 s3, $0x4;
	p0 =	por !p5, !p2;
	p2 =	por !p6, !p3  }
0x26: {  	s5 =	simm.s32 $0x1;
	p0 =	por !p0, !p0;
	p2 =	por !p2, !p2  }
0x27: {  	s4 =	sshra.s32 s4, $0x4;
	s5 =	simm.s32 @!p0 $0x0;
	s6 =	simm.s32 @!p2 $0x0  }
0x28: {  	p0 =	seq.s32 s15, $0x17;
	s16 =	ssub.s32 s3, s5;
	s3 =	ssub.s32 s4, s6  }
0x29: {  	p5 =	seq.s32 @!p0 s16, s3  }
0x2a: {  	s0 =	simm.s32 @p1 $0x17;
	p4 =	por p5, p0  }
0x2b: {  	s0 =	sadd.s32 s11, s0;
	s4 =	sshrl.u32 @!p4 s3, $0x3  }
0x2c: {  	s5 =	sshll.u32 @!p4 s3, $0x7;
	s6 =	sand.u32 @!p4 $0x1, s8;
	s4 =	smul.u32 @!p4 $0xC00, s4  }
0x2d: {  	s18 =	sshra.s32 s0, $0x1F;
	s5 =	sand.u32 @!p4 $0x380, s5;
	s7 =	smul.u32 @!p4 $0x600, s6  }
0x2e: {  	_ =	strace @!p4 $0x80000049;
	s9 =	simm.s32 @!p4 $0x80;
	s4 =	sor.u32 @!p4 s5, s4  }
0x2f: {  	s5 =	sshrl.u32 @!p4 s7, $0x2;
	s7 =	rddreg [dreg:$0x5];
	s4 =	sshrl.u32 @!p4 s4, $0x3  }
0x30: {  	s10 =	simm.s32 @!p4 $0x400;
	s6 =	sadd.s32 @!p4 $0x1, s6;
	s7 =	sadd.s32 @!p4 s7, s4  }
0x31: {  	[tilespmem:s5], [sflag:s6] =	stream.strided.gather @!p4 [hbm4b:s7+s9], $0x180, s10, s9, $0x200038;
	[tilespmem:$0x10600] =	vst v63  }
0x32: {  	s19 =	sand.u32 $0xF, s1;
	s20 =	sshrl.u32 s18, $0x1C;
	s5 =	rddreg [dreg:$0x12]  }
0x33: {  	s1 =	sand.u32 $0xF, s2;
	s2 =	sadd.s32 s20, s0;
	s5 =	sand.u32 @!p4 $0x1, s5  }
0x34: {  	p3 =	sne.s32 s19, s1;
	_ =	strace @!p4 $0x90000049;
	s6 =	smul.u32 @!p4 $0x600, s5  }
0x35: {  	p6 =	sne.s32 s15, $0x17;
	p2 =	sne.s32 s16, s3;
	_ =	strace @!p4 $0x8000004A  }
0x36: {  	p1 =	por p3, p2;
	s7 =	rddreg [dreg:$0x6];
	s6 =	sshrl.u32 @!p4 s6, $0x2  }
0x37: {  	s5 =	sadd.s32 @!p4 $0x3, s5;
	s4 =	sadd.s32 @!p4 s7, s4;
	s6 =	sadd.s32 @!p4 $0x300, s6  }
0x38: {  	[tilespmem:s6], [sflag:s5] =	stream.strided.gather @!p4 [hbm4b:s4+s9], $0x180, s10, s9, $0x200038;
	[tilespmem:$0x10600] =	vst v63  }
0x39: {  	s21 =	sand.u32 $0xFFFFFFF0, s2;
	p3 =	por !p6, !p1;
	s4 =	simm.s32 @!p2 $0x0  }
0x3a: {  	p6 =	sne.s32 s0, s21;
	s5 =	simm.s32 @!p1 $0x0;
	s4 =	simm.s32 @p2 $0x1  }
0x3b: {  	s5 =	simm.s32 @p1 $0x1;
	p2 =	slt.s32 s0, $0x1;
	[smem:$0x7FC] =	sst s4  }
0x3c: {  	[smem:$0x7FD] =	sst s5;
	p1 =	por !p2, !p6;
	p6 =	por !p3, !p3  }
0x3d: {  	s4 =	rddreg [dreg:$0x10];
	s3 =	sshll.u32 @p6 s3, $0x12  }
0x3e: {  	s1 =	sshll.u32 @p6 s1, $0xE;
	s4 =	sand.u32 @p6 $0x1, s4;
	_ =	strace @!p4 $0x9000004A  }
0x3f: {  	s1 =	sor.u32 @p6 s1, s3;
	s3 =	sshll.u32 @p6 s4, $0xE;
	_ =	strace @p6 $0x8000004B  }
0x40: {  	s4 =	sadd.s32 @p6 $0x5, s4;
	s1 =	sshrl.u32 @p6 s1, $0x3;
	s5 =	rddreg [dreg:$0x1]  }
0x41: {  	s3 =	sor.u32 @p6 $0x600, s3;
	s1 =	sadd.s32 @p6 s5, s1;
	s5 =	simm.s32 @p6 $0x0  }
0x42: {  	[tilespmem:s3], [sflag:s4] =	stream.linear.gather @p6 [hbm4b:s1+s5], $0x4000, $0x200038;
	[tilespmem:$0x10600] =	vst v63  }
0x43: {  	p1 =	por !p1, !p1;
	s1 =	simm.s32 $0x1  }
0x44: {  	s2 =	sshra.s32 s2, $0x4;
	s1 =	simm.s32 @!p1 $0x0  }
0x45: {  	p1 =	seq.s32 s15, $0x0;
	s2 =	ssub.s32 s2, s1  }
0x46: {  	p3 =	seq.s32 @!p1 s16, s2  }
0x47: {  	_ =	strace @p6 $0x9000004B;
	s1 =	sand.u32 $0x1, s14;
	p3 =	por p1, !p3  }
0x48: {  	_ =	strace @p3 $0x8000004C;
	s3 =	sadd.s32 @p3 $0x1, s1  }
0x49: {  	_ =	swait.ge @p3 [sflag:s3], $0x180  }
0x4a: {  	[sflag:s3] =	ssyncset.done @p3 $0x0  }
0x4b: {  	[sflag:s3] =	ssyncadd.s32 @p3 $0xFFFFFE80  }
0x4c: {  	s3 =	sand.u32 @p3 $0x1, s13;
	_ =	strace @p3 $0x9000004C  }
0x4d: {  	s3 =	sadd.s32 @p3 $0x3, s3;
	_ =	strace @p3 $0x8000004D  }
0x4e: {  	_ =	swait.ge @p3 [sflag:s3], $0x180  }
0x4f: {  	s0 =	sand.u32 $0xF, s0;
	[sflag:s3] =	ssyncset.done @p3 $0x0  }
0x50: {  	p2 =	sne.s32 s19, s0;
	[sflag:s3] =	ssyncadd.s32 @p3 $0xFFFFFE80  }
0x51: {  	_ =	strace @p3 $0x9000004D;
	[dreg:$0x14] =	wrdreg s15;
	p3 =	sne.s32 s16, s2  }
0x52: {  	[dreg:$0x13] =	wrdreg s14;
	p3 =	por p2, p3  }
0x53: {  	[dreg:$0x15] =	wrdreg s16;
	p1 =	por p1, p3  }
0x54: {  	[dreg:$0x16] =	wrdreg s19;
	s0 =	sand.u32 @p1 $0x1, s12  }
0x55: {  	_ =	strace @p1 $0x8000004E;
	s0 =	sadd.s32 @p1 $0x5, s0  }
0x56: {  	_ =	swait.ge @p1 [sflag:s0], $0x4000  }
0x57: {  	s23 =	sshll.u32 s12, $0xE;
	[sflag:s0] =	ssyncset.done @p1 $0x0  }
0x58: {  	[sflag:s0] =	ssyncadd.s32 @p1 $0xFFFFC000;
	s0 =	sand.u32 $0x4000, s23  }
0x59: {  	s0 =	sor.u32 $0x600, s0  }
0x5a: {  	v1 =	vmov s0  }
0x5b: {  	s24 =	simm.s32 $0x0  }
0x5c: {  	s25 =	sand.u32 $0x3000, s24  }
0x5d: {  	_ =	strace @p1 $0x9000004E;
	[dreg:$0xf] =	wrdreg s12;
	s0 =	sand.u32 $0x380, s24  }
0x5e: {  	_ =	strace $0x8000004F;
	s29 =	sor.u32 s0, s25  }
0x5f: {  	s21 =	sor.u32 $0x840, s29;
	v2 =	vld.idx.msk [tilespmem:v1+s29+$0x0 ss:$0x1], $0xffff  }
0x60: {  	s9 =	sor.u32 $0x20, s29;
	v6 =	vld.idx.msk [tilespmem:v1+s21+$0x0 ss:$0x1], $0xffff  }
0x61: {  	s23 =	sor.u32 $0x30, s29;
	v4 =	vld.idx.msk [tilespmem:v1+s9+$0x0 ss:$0x1], $0xffff  }
0x62: {  	s10 =	sor.u32 $0x40, s29;
	v5 =	vld.idx.msk [tilespmem:v1+s23+$0x0 ss:$0x1], $0xffff  }
0x63: {  	s0 =	sor.u32 $0x50, s29;
	v7 =	vld.idx.msk [tilespmem:v1+s10+$0x0 ss:$0x1], $0xffff  }
0x64: {  	s17 =	sor.u32 $0x60, s29;
	v12 =	vld.idx.msk [tilespmem:v1+s0+$0x0 ss:$0x1], $0xffff  }
0x65: {  	s19 =	sor.u32 $0x440, s29;
	v8 =	vld.idx.msk [tilespmem:v1+s17+$0x0 ss:$0x1], $0xffff  }
0x66: {  	s24 =	sor.u32 $0x800, s29;
	v17 =	vld.idx.msk [tilespmem:v1+s19+$0x0 ss:$0x1], $0xffff  }
0x67: {  	s4 =	sor.u32 $0x830, s29;
	v14 =	vld.idx.msk [tilespmem:v1+s24+$0x0 ss:$0x1], $0xffff  }
0x68: {  	s20 =	sor.u32 $0x810, s29;
	v21 =	vld.idx.msk [tilespmem:v1+s4+$0x0 ss:$0x1], $0xffff  }
0x69: {  	s30 =	sor.u32 $0x70, s29;
	v20 =	vld.idx.msk [tilespmem:v1+s20+$0x0 ss:$0x1], $0xffff  }
0x6a: {  	s31 =	sor.u32 $0x400, s29;
	v9 =	vld.idx.msk [tilespmem:v1+s30+$0x0 ss:$0x1], $0xffff;
	v3 =	vmul.f32 $1.700000000e+01, v2;
	v23 =	vmul.f32 $1.700000000e+01, v4  }
0x6b: {  	s16 =	sor.u32 $0x410, s29;
	v10 =	vld.idx.msk [tilespmem:v1+s31+$0x0 ss:$0x1], $0xffff;
	v31 =	vmul.f32 $1.700000000e+01, v5;
	v24 =	vmul.f32 $1.700000000e+01, v7  }
0x6c: {  	s14 =	sor.u32 $0x420, s29;
	v11 =	vld.idx.msk [tilespmem:v1+s16+$0x0 ss:$0x1], $0xffff;
	v33 =	vmul.f32 $1.700000000e+01, v6;
	v34 =	vmul.f32 $1.700000000e+01, v8  }
0x6d: {  	s3 =	sor.u32 $0x430, s29;
	v13 =	vld.idx.msk [tilespmem:v1+s14+$0x0 ss:$0x1], $0xffff;
	v35 =	vmul.f32 $1.700000000e+01, v14;
	v14 =	vmul.f32 $1.700000000e+01, v21  }
0x6e: {  	s12 =	sor.u32 $0x450, s29;
	v19 =	vld.idx.msk [tilespmem:v1+s3+$0x0 ss:$0x1], $0xffff;
	v43 =	vmul.f32 $1.700000000e+01, v20;
	v47 =	vmul.f32 $1.700000000e+01, v17  }
0x6f: {  	s5 =	sor.u32 $0x470, s29;
	v27 =	vld.idx.msk [tilespmem:v1+s12+$0x0 ss:$0x1], $0xffff;
	v2 =	vtrunc.f32 v3;
	v4 =	vtrunc.f32 v23  }
0x70: {  	s15 =	sor.u32 $0x820, s29;
	v25 =	vld.idx.msk [tilespmem:v1+s5+$0x0 ss:$0x1], $0xffff;
	v7 =	vtrunc.f32 v31;
	v16 =	vtrunc.f32 v24  }
0x71: {  	s6 =	sor.u32 $0x870, s29;
	v18 =	vld.idx.msk [tilespmem:v1+s15+$0x0 ss:$0x1], $0xffff;
	v39 =	vtrunc.f32 v33;
	v2 =	vcvt.f32.s32 v2  }
0x72: {  	s11 =	sor.u32 $0x850, s29;
	v37 =	vld.idx.msk [tilespmem:v1+s6+$0x0 ss:$0x1], $0xffff;
	v41 =	vtrunc.f32 v34;
	v4 =	vcvt.f32.s32 v4  }
0x73: {  	s26 =	sand.u32 $0x1, s13;
	s18 =	sor.u32 $0xC00, s29;
	v44 =	vld.idx.msk [tilespmem:v1+s11+$0x0 ss:$0x1], $0xffff;
	v21 =	vtrunc.f32 v14;
	v57 =	vtrunc.f32 v43;
	v5 =	vshll.u32 v2, $0x4  }
0x74: {  	p1 =	seq.s32 s26, $0x1;
	s26 =	sor.u32 $0x10, s29;
	v56 =	vld.idx.msk [tilespmem:v1+s18+$0x0 ss:$0x1], $0xffff;
	v7 =	vcvt.f32.s32 v7;
	v4 =	vshll.u32 v4, $0x4;
	v5 =	vor.u32 v0, v5  }
0x75: {  	s25 =	sor.u32 $0xC10, s29;
	v49 =	vld.idx.msk [tilespmem:v1+s26+$0x0 ss:$0x1], $0xffff;
	v60 =	vtrunc.f32 v47;
	v55 =	vcvt.f32.s32 v39;
	v15 =	vor.u32 v0, v4  }
0x76: {  	[dreg:$0x11] =	wrdreg s13;
	s7 =	sor.u32 $0x460, s29;
	v21 =	vcvt.f32.s32 v21;
	v39 =	vcvt.f32.s32 v57;
	v57 =	vld.idx.msk [tilespmem:v1+s25+$0x0 ss:$0x1], $0xffff;
	v6 =	vshll.u32 v7, $0x4  }
0x77: {  	s13 =	sor.u32 $0x860, s29;
	[dreg:$0x19] =	wrdreg s0;
	s0 =	simm.s32 $0x480;
	v54 =	vcvt.f32.s32 v41;
	v61 =	vcvt.f32.s32 v60;
	v2 =	vld.idx.msk [tilespmem:v1+s7+$0x0 ss:$0x1], $0xffff;
	v22 =	vor.u32 v0, v6  }
0x78: {  	s0 =	simm.s32 @!p1 $0x300;
	p1 =	seq.s32 s1, $0x1;
	s1 =	simm.s32 $0x180;
	v17 =	vshll.u32 v21, $0x4;
	v4 =	vmul.f32 $1.700000000e+01, v9;
	v9 =	vcvt.f32.s32 v16;
	v16 =	vld.idx.msk [tilespmem:v1+s13+$0x0 ss:$0x1], $0xffff  }
0x79: {  	s1 =	simm.s32 @!p1 $0x0;
	v20 =	vshll.u32 v54, $0x4;
	v21 =	vor.u32 v0, v17;
	v6 =	vld.idx.msk [tilespmem:v5+s0+$0x0], $0xffff  }
0x7a: {  	v36 =	vmul.f32 $1.700000000e+01, v11;
	v45 =	vor.u32 v0, v20;
	v20 =	vshll.u32 v61, $0x4;
	v26 =	vld.idx.msk [tilespmem:v15+s1+$0x0], $0xffff  }
0x7b: {  	v62 =	vor.u32 v0, v20;
	v8 =	vshll.u32 v9, $0x4;
	v32 =	vld.idx.msk [tilespmem:v15+s0+$0x0], $0xffff  }
0x7c: {  	v51 =	vtrunc.f32 v36;
	v7 =	vtrunc.f32 v4;
	v28 =	vor.u32 v0, v8;
	v38 =	vld.idx.msk [tilespmem:v22+s0+$0x0], $0xffff  }
0x7d: {  	v58 =	vshll.u32 v55, $0x4;
	v9 =	vcvt.f32.s32 v7;
	v7 =	vmul.f32 $1.700000000e+01, v10;
	v40 =	vld.idx.msk [tilespmem:v22+s1+$0x0], $0xffff  }
0x7e: {  	v59 =	vshll.u32 v39, $0x4;
	v48 =	vor.u32 v0, v58;
	v8 =	vmul.f32 $1.700000000e+01, v13;
	v20 =	vld.idx.msk [tilespmem:v21+s1+$0x0], $0xffff  }
0x7f: {  	v10 =	vtrunc.f32 v35;
	v9 =	vshll.u32 v9, $0x4;
	v50 =	vtrunc.f32 v7;
	v21 =	vld.idx.msk [tilespmem:v21+s0+$0x0], $0xffff  }
0x80: {  	v15 =	vcvt.f32.s32 v51;
	v22 =	vmul.f32 $1.700000000e+01, v37;
	v9 =	vor.u32 v0, v9;
	v37 =	vld.idx.msk [tilespmem:v62+s1+$0x0], $0xffff  }
0x81: {  	v10 =	vcvt.f32.s32 v10;
	v13 =	vcvt.f32.s32 v50;
	v50 =	vor.u32 v0, v59;
	v30 =	vld.idx.msk [tilespmem:v28+s0+$0x0], $0xffff  }
0x82: {  	v11 =	vtrunc.f32 v8;
	v51 =	vmul.f32 $1.700000000e+01, v56;
	v53 =	vshll.u32 v15, $0x4;
	v29 =	vld.idx.msk [tilespmem:v28+s1+$0x0], $0xffff  }
0x83: {  	v11 =	vcvt.f32.s32 v11;
	v10 =	vshll.u32 v10, $0x4;
	v41 =	vor.u32 v0, v53;
	v53 =	vld.idx.msk [tilespmem:v48+s0+$0x0], $0xffff  }
0x84: {  	v52 =	vor.u32 v0, v10;
	v48 =	vld.idx.msk [tilespmem:v48+s1+$0x0], $0xffff  }
0x85: {  	v42 =	vshll.u32 v11, $0x4;
	v28 =	vtrunc.f32 v51;
	v11 =	vld.idx.msk [tilespmem:v9+s0+$0x0], $0xffff  }
0x86: {  	v54 =	vcvt.f32.s32 v28;
	v56 =	vld.idx.msk [tilespmem:v50+s0+$0x0], $0xffff  }
0x87: {  	v25 =	vmul.f32 $1.700000000e+01, v25;
	v19 =	vmul.f32 $1.700000000e+01, v19;
	v50 =	vld.idx.msk [tilespmem:v50+s1+$0x0], $0xffff  }
0x88: {  	v12 =	vmul.f32 $1.700000000e+01, v12;
	v55 =	vmul.f32 $1.700000000e+01, v27;
	v58 =	vshll.u32 v54, $0x4;
	v54 =	vld.idx.msk [tilespmem:v62+s0+$0x0], $0xffff  }
0x89: {  	v27 =	vmul.f32 $1.700000000e+01, v44;
	v10 =	vshll.u32 v13, $0x4;
	v15 =	vor.u32 v0, v42;
	v42 =	vld.idx.msk [tilespmem:v52+s0+$0x0], $0xffff  }
0x8a: {  	v59 =	vtrunc.f32 v55;
	v63 =	vtrunc.f32 v22;
	v10 =	vor.u32 v0, v10;
	v46 =	vld.idx.msk [tilespmem:v52+s1+$0x0], $0xffff  }
0x8b: {  	v28 =	vmul.f32 $1.700000000e+01, v49;
	v31 =	vmul.f32 v38, v31;
	v52 =	vld.idx.msk [tilespmem:v45+s0+$0x0], $0xffff  }
0x8c: {  	v38 =	vcvt.f32.s32 v59;
	v23 =	vmul.f32 v32, v23;
	v45 =	vld.idx.msk [tilespmem:v45+s1+$0x0], $0xffff  }
0x8d: {  	v14 =	vmul.f32 v21, v14;
	v60 =	vtrunc.f32 v28;
	v49 =	vor.u32 v0, v58;
	v39 =	vld.idx.msk [tilespmem:v41+s0+$0x0], $0xffff  }
0x8e: {  	v58 =	vcvt.f32.s32 v63;
	v61 =	vcvt.f32.s32 v60;
	v31 =	vadd.f32 v31, v40;
	v41 =	vld.idx.msk [tilespmem:v41+s1+$0x0], $0xffff  }
0x8f: {  	v38 =	vshll.u32 v38, $0x4;
	v40 =	vmul.f32 $1.700000000e+01, v2;
	v23 =	vadd.f32 v23, v26;
	v13 =	vld.idx.msk [tilespmem:v10+s0+$0x0], $0xffff  }
0x90: {  	s28 =	sand.u32 $0x1, s22;
	v38 =	vor.u32 v0, v38;
	v33 =	vmul.f32 v53, v33;
	v24 =	vmul.f32 v30, v24;
	v17 =	vld.idx.msk [tilespmem:v15+s0+$0x0], $0xffff  }
0x91: {  	s2 =	sshll.u32 s28, $0xE;
	v2 =	vshll.u32 v61, $0x4;
	v59 =	vtrunc.f32 v40;
	v58 =	vshll.u32 v58, $0x4;
	v15 =	vld.idx.msk [tilespmem:v15+s1+$0x0], $0xffff  }
0x92: {  	s2 =	sor.u32 $0x8600, s2;
	v62 =	vcvt.f32.s32 v59;
	v35 =	vmul.f32 v42, v35;
	v42 =	vor.u32 v0, v2;
	v60 =	vld.idx.msk [tilespmem:v49+s0+$0x0], $0xffff  }
0x93: {  	[dreg:$0xe] =	wrdreg s22;
	s22 =	sor.u32 $0xC20, s29;
	v2 =	vmov s2;
	v49 =	vld.idx.msk [tilespmem:v49+s1+$0x0], $0xffff;
	v34 =	vmul.f32 v52, v34;
	v52 =	vmul.f32 $1.700000000e+01, v57  }
0x94: {  	[dreg:$0x17] =	wrdreg s28;
	s28 =	sor.u32 $0xC30, s29;
	v53 =	vor.u32 v0, v58;
	v33 =	vadd.f32 v33, v48;
	v36 =	vmul.f32 v39, v36;
	v39 =	vld.idx.msk [tilespmem:v1+s22+$0x0 ss:$0x1], $0xffff  }
0x95: {  	v43 =	vmul.f32 v56, v43;
	v57 =	vld.idx.msk [tilespmem:v1+s28+$0x0 ss:$0x1], $0xffff;
	v44 =	vshll.u32 v62, $0x4;
	v63 =	vtrunc.f32 v52  }
0x96: {  	v24 =	vadd.f32 v24, v29;
	v56 =	vld.idx.msk [tilespmem:v38+s0+$0x0], $0xffff;
	v44 =	vor.u32 v0, v44;
	v58 =	vcvt.f32.s32 v63  }
0x97: {  	[dreg:$0x18] =	wrdreg s2;
	v47 =	vmul.f32 v54, v47;
	s2 =	sor.u32 $0xC40, s29;
	v43 =	vadd.f32 v43, v50;
	v38 =	vld.idx.msk [tilespmem:v38+s1+$0x0], $0xffff;
	v35 =	vadd.f32 v35, v46  }
0x98: {  	v34 =	vadd.f32 v34, v45;
	v45 =	vtrunc.f32 v27;
	[tilespmem:v2+s23+$0x0 ss:$0x1] =	vst.idx.msk $0xffff, v31;
	v61 =	vshll.u32 v58, $0x4;
	v58 =	vld.idx.msk [tilespmem:v1+s2+$0x0 ss:$0x1], $0xffff  }
0x99: {  	v37 =	vadd.f32 v47, v37;
	v45 =	vcvt.f32.s32 v45;
	v46 =	vld.idx.msk [tilespmem:v42+s1+$0x0], $0xffff;
	[tilespmem:v2+s24+$0x0 ss:$0x1] =	vst.idx.msk $0xffff, v35;
	v39 =	vmul.f32 $1.700000000e+01, v39  }
0x9a: {  	v31 =	vld.idx.msk [tilespmem:v53+s1+$0x0], $0xffff;
	[tilespmem:v2+s17+$0x0 ss:$0x1] =	vst.idx.msk $0xffff, v34;
	v59 =	vmul.f32 v60, v51;
	v35 =	vor.u32 v0, v61  }
0x9b: {  	v54 =	vmul.f32 $1.700000000e+01, v57;
	s23 =	sor.u32 $0xC50, s29;
	[tilespmem:v2+s20+$0x0 ss:$0x1] =	vst.idx.msk $0xffff, v43;
	v30 =	vshll.u32 v45, $0x4;
	v32 =	vld.idx.msk [tilespmem:v44+s1+$0x0], $0xffff;
	v62 =	vtrunc.f32 v39  }
0x9c: {  	s20 =	sor.u32 $0xC60, s29;
	v51 =	vld.idx.msk [tilespmem:v1+s23+$0x0 ss:$0x1], $0xffff;
	v34 =	vadd.f32 v59, v49;
	v59 =	vmul.f32 v56, v55;
	v63 =	vcvt.f32.s32 v62  }
0x9d: {  	[tilespmem:v2+s9+$0x0 ss:$0x1] =	vst.idx.msk $0xffff, v23;
	v23 =	vor.u32 v0, v30;
	v61 =	vtrunc.f32 v54;
	v49 =	vld.idx.msk [tilespmem:v1+s20+$0x0 ss:$0x1], $0xffff;
	v48 =	vmul.f32 $1.700000000e+01, v58  }
0x9e: {  	v44 =	vld.idx.msk [tilespmem:v44+s0+$0x0], $0xffff;
	v62 =	vcvt.f32.s32 v61;
	v58 =	vadd.f32 v59, v38;
	v60 =	vshll.u32 v63, $0x4  }
0x9f: {  	v59 =	vtrunc.f32 v19;
	v57 =	vld.idx.msk [tilespmem:v35+s0+$0x0], $0xffff;
	v43 =	vor.u32 v0, v60;
	v60 =	vtrunc.f32 v48  }
0xa0: {  	s24 =	sor.u32 $0xC70, s29;
	v63 =	vtrunc.f32 v25;
	v47 =	vshll.u32 v62, $0x4;
	v26 =	vld.idx.msk [tilespmem:v35+s1+$0x0], $0xffff;
	v35 =	vcvt.f32.s32 v60  }
0xa1: {  	[tilespmem:v2+s19+$0x0 ss:$0x1] =	vst.idx.msk $0xffff, v37;
	v55 =	vld.idx.msk [tilespmem:v1+s24+$0x0 ss:$0x1], $0xffff;
	v38 =	vcvt.f32.s32 v59;
	v37 =	vcvt.f32.s32 v63;
	v47 =	vor.u32 v0, v47  }
0xa2: {  	v51 =	vmul.f32 $1.700000000e+01, v51;
	v49 =	vmul.f32 $1.700000000e+01, v49;
	v60 =	vld.idx.msk [tilespmem:v42+s0+$0x0], $0xffff;
	v62 =	vshll.u32 v35, $0x4  }
0xa3: {  	[tilespmem:v2+s18+$0x0 ss:$0x1] =	vst.idx.msk $0xffff, v34;
	v61 =	vshll.u32 v37, $0x4;
	v34 =	vor.u32 v0, v62;
	v62 =	vshll.u32 v38, $0x4;
	v38 =	vld.idx.msk [tilespmem:v23+s0+$0x0], $0xffff  }
0xa4: {  	v40 =	vmul.f32 v44, v40;
	v63 =	vtrunc.f32 v51;
	v29 =	vor.u32 v0, v61;
	v37 =	vld.idx.msk [tilespmem:v43+s0+$0x0], $0xffff  }
0xa5: {  	v36 =	vadd.f32 v36, v41;
	[tilespmem:v2+s21+$0x0 ss:$0x1] =	vst.idx.msk $0xffff, v33;
	v35 =	vcvt.f32.s32 v63;
	v61 =	vtrunc.f32 v49;
	v33 =	vld.idx.msk [tilespmem:v43+s1+$0x0], $0xffff  }
0xa6: {  	v14 =	vadd.f32 v14, v20;
	v56 =	vmul.f32 v57, v52;
	v63 =	vcvt.f32.s32 v61;
	v57 =	vld.idx.msk [tilespmem:v47+s0+$0x0], $0xffff  }
0xa7: {  	[tilespmem:v2+s16+$0x0 ss:$0x1] =	vst.idx.msk $0xffff, v36;
	v59 =	vtrunc.f32 v12;
	v41 =	vmul.f32 $1.700000000e+01, v55;
	v32 =	vadd.f32 v40, v32;
	v47 =	vld.idx.msk [tilespmem:v47+s1+$0x0], $0xffff  }
0xa8: {  	[tilespmem:v2+s10+$0x0 ss:$0x1] =	vst.idx.msk $0xffff, v24;
	v35 =	vshll.u32 v35, $0x4;
	v36 =	vor.u32 v0, v62;
	v55 =	vshll.u32 v63, $0x4;
	v63 =	vld.idx.msk [tilespmem:v53+s0+$0x0], $0xffff  }
0xa9: {  	[tilespmem:v2+s7+$0x0 ss:$0x1] =	vst.idx.msk $0xffff, v32;
	v32 =	vcvt.f32.s32 v59;
	v35 =	vor.u32 v0, v35;
	v24 =	vld.idx.msk [tilespmem:v29+s0+$0x0], $0xffff  }
0xaa: {  	v29 =	vld.idx.msk [tilespmem:v29+s1+$0x0], $0xffff  }
0xab: {  	v18 =	vmul.f32 $1.700000000e+01, v18;
	[tilespmem:v2+s4+$0x0 ss:$0x1] =	vst.idx.msk $0xffff, v14;
	v32 =	vshll.u32 v32, $0x4;
	v26 =	vadd.f32 v56, v26;
	v50 =	vld.idx.msk [tilespmem:v34+s0+$0x0], $0xffff  }
0xac: {  	v56 =	vtrunc.f32 v41;
	v32 =	vor.u32 v0, v32;
	v34 =	vld.idx.msk [tilespmem:v34+s1+$0x0], $0xffff;
	v52 =	vmul.f32 v37, v39  }
0xad: {  	[tilespmem:v2+s12+$0x0 ss:$0x1] =	vst.idx.msk $0xffff, v58;
	v37 =	vor.u32 v0, v55;
	v39 =	vcvt.f32.s32 v56;
	v62 =	vld.idx.msk [tilespmem:v36+s0+$0x0], $0xffff  }
0xae: {  	v45 =	vmul.f32 $1.700000000e+01, v16;
	v61 =	vtrunc.f32 v18;
	[tilespmem:v2+s25+$0x0 ss:$0x1] =	vst.idx.msk $0xffff, v26;
	v58 =	vld.idx.msk [tilespmem:v35+s0+$0x0], $0xffff;
	v26 =	vadd.f32 v52, v33  }
0xaf: {  	v28 =	vmul.f32 v60, v28;
	v57 =	vmul.f32 v57, v54;
	v60 =	vld.idx.msk [tilespmem:v35+s1+$0x0], $0xffff;
	v39 =	vshll.u32 v39, $0x4  }
0xb0: {  	v39 =	vor.u32 v0, v39;
	v24 =	vmul.f32 v24, v25;
	[tilespmem:v2+s22+$0x0 ss:$0x1] =	vst.idx.msk $0xffff, v26;
	v26 =	vcvt.f32.s32 v61  }
0xb1: {  	v28 =	vadd.f32 v28, v46;
	v59 =	vld.idx.msk [tilespmem:v32+s0+$0x0], $0xffff;
	v46 =	vmul.f32 v50, v48;
	v50 =	vtrunc.f32 v45  }
0xb2: {  	v22 =	vmul.f32 v63, v22;
	v44 =	vld.idx.msk [tilespmem:v37+s0+$0x0], $0xffff;
	v24 =	vadd.f32 v24, v29;
	v52 =	vcvt.f32.s32 v50  }
0xb3: {  	v33 =	vadd.f32 v57, v47;
	v47 =	vld.idx.msk [tilespmem:v37+s1+$0x0], $0xffff;
	v16 =	vshll.u32 v26, $0x4;
	v53 =	vmul.f32 v58, v51  }
0xb4: {  	v48 =	vor.u32 v0, v16;
	v16 =	vld.idx.msk [tilespmem:v36+s1+$0x0], $0xffff;
	[tilespmem:v2+s5+$0x0 ss:$0x1] =	vst.idx.msk $0xffff, v24;
	v24 =	vshll.u32 v52, $0x4  }
0xb5: {  	[tilespmem:v2+s26+$0x0 ss:$0x1] =	vst.idx.msk $0xffff, v28;
	v54 =	vld.idx.msk [tilespmem:v39+s0+$0x0], $0xffff;
	v24 =	vor.u32 v0, v24  }
0xb6: {  	v22 =	vadd.f32 v22, v31;
	[tilespmem:v2+s28+$0x0 ss:$0x1] =	vst.idx.msk $0xffff, v33;
	v55 =	vadd.f32 v53, v60;
	v60 =	vld.idx.msk [tilespmem:v32+s1+$0x0], $0xffff  }
0xb7: {  	v19 =	vmul.f32 v62, v19;
	v26 =	vadd.f32 v46, v34;
	v56 =	vld.idx.msk [tilespmem:v39+s1+$0x0], $0xffff;
	v25 =	vmul.f32 v44, v49  }
0xb8: {  	v23 =	vld.idx.msk [tilespmem:v23+s1+$0x0], $0xffff;
	[tilespmem:v2+s6+$0x0 ss:$0x1] =	vst.idx.msk $0xffff, v22;
	v12 =	vmul.f32 v59, v12  }
0xb9: {  	[tilespmem:v2+s2+$0x0 ss:$0x1] =	vst.idx.msk $0xffff, v26;
	v57 =	vld.idx.msk [tilespmem:v48+s0+$0x0], $0xffff;
	v16 =	vadd.f32 v19, v16;
	v19 =	vadd.f32 v25, v47  }
0xba: {  	p1 =	por !p5, p0;
	[tilespmem:v2+s23+$0x0 ss:$0x1] =	vst.idx.msk $0xffff, v55;
	v61 =	vmul.f32 v54, v41;
	v62 =	vld.idx.msk [tilespmem:v24+s0+$0x0], $0xffff  }
0xbb: {  	s9 =	smov.u32 s8;
	s25 =	rddreg [dreg:$0x12];
	v58 =	vmul.f32 v38, v27;
	s2 =	simm.s32 $0x0;
	v12 =	vadd.f32 v12, v60;
	[tilespmem:v2+s20+$0x0 ss:$0x1] =	vst.idx.msk $0xffff, v19;
	v19 =	vld.idx.msk [tilespmem:v5+s1+$0x0], $0xffff  }
0xbc: {  	s28 =	rddreg [dreg:$0x19];
	s2 =	simm.s32 @p1 $0x1;
	[tilespmem:v2+s3+$0x0 ss:$0x1] =	vst.idx.msk $0xffff, v16;
	s3 =	sadd.s32 @!p4 $0x1, s8;
	v5 =	vadd.f32 v61, v56  }
0xbd: {  	v63 =	vmul.f32 v17, v8;
	v8 =	vld.idx.msk [tilespmem:v9+s1+$0x0], $0xffff;
	s2 =	simm.s32 @p0 $0x0;
	v16 =	vadd.f32 v58, v23;
	s9 =	smov.u32 @p1 s3;
	s3 =	simm.s32 $0x1;
	[tilespmem:v2+s28+$0x0 ss:$0x1] =	vst.idx.msk $0xffff, v12  }
0xbe: {  	s26 =	rddreg [dreg:$0x10];
	s4 =	sadd.s32 s25, s2;
	s3 =	simm.s32 @!p6 $0x0;
	[tilespmem:v2+s24+$0x0 ss:$0x1] =	vst.idx.msk $0xffff, v5;
	v5 =	vmul.f32 v11, v4;
	v11 =	vmul.f32 v6, v3;
	v3 =	vld.idx.msk [tilespmem:v24+s1+$0x0], $0xffff  }
0xbf: {  	v9 =	vadd.f32 v63, v15;
	[dreg:$0x12] =	wrdreg s4;
	[tilespmem:v2+s11+$0x0 ss:$0x1] =	vst.idx.msk $0xffff, v16;
	s9 =	smov.u32 @p0 s8;
	v16 =	vmul.f32 v13, v7;
	v7 =	vld.idx.msk [tilespmem:v48+s1+$0x0], $0xffff;
	s2 =	sadd.s32 s3, s26  }
0xc0: {  	s8 =	simm.s32 $0x80;
	v4 =	vmul.f32 v57, v18;
	v6 =	vld.idx.msk [tilespmem:v10+s1+$0x0], $0xffff;
	[dreg:$0x10] =	wrdreg s2;
	s2 =	simm.s32 $0x200;
	v10 =	vmul.f32 v62, v45;
	v11 =	vadd.f32 v11, v19  }
.LBB2_3:
0xc1: {  	s3 =	sand.u32 $0x3000, s2  }
0xc2: {  	s4 =	sand.u32 $0x380, s8;
	[tilespmem:v2+s29+$0x0 ss:$0x1] =	vst.idx.msk $0xffff, v11;
	s5 =	smov.u32 s2;
	s10 =	sadd.s32 $0x200, s2  }
0xc3: {  	p4 =	sne.s32 s2, $0x3E00;
	s29 =	sor.u32 s4, s3;
	[tilespmem:v2+s14+$0x0 ss:$0x1] =	vst.idx.msk $0xffff, v9;
	v3 =	vadd.f32 v10, v3  }
0xc4: {  	v4 =	vadd.f32 v4, v7;
	v9 =	vld.idx.msk [tilespmem:v1+s29+$0x0 ss:$0x1], $0xffff;
	s16 =	sor.u32 $0x10, s29;
	s12 =	sor.u32 $0x840, s29  }
0xc5: {  	v5 =	vadd.f32 v5, v8;
	s23 =	sor.u32 $0x20, s29;
	v6 =	vadd.f32 v16, v6;
	v7 =	vld.idx.msk [tilespmem:v1+s12+$0x0 ss:$0x1], $0xffff;
	[tilespmem:v2+s13+$0x0 ss:$0x1] =	vst.idx.msk $0xffff, v3  }
0xc6: {  	s20 =	sor.u32 $0x30, s29;
	v3 =	vld.idx.msk [tilespmem:v1+s23+$0x0 ss:$0x1], $0xffff;
	[tilespmem:v2+s15+$0x0 ss:$0x1] =	vst.idx.msk $0xffff, v4  }
0xc7: {  	s5 =	sor.u32 $0x40, s29;
	v4 =	vld.idx.msk [tilespmem:v1+s20+$0x0 ss:$0x1], $0xffff;
	[tilespmem:v2+s31+$0x0 ss:$0x1] =	vst.idx.msk $0xffff, v6  }
0xc8: {  	s11 =	sor.u32 $0x50, s29;
	v6 =	vld.idx.msk [tilespmem:v1+s5+$0x0 ss:$0x1], $0xffff;
	[tilespmem:v2+s30+$0x0 ss:$0x1] =	vst.idx.msk $0xffff, v5  }
0xc9: {  	s19 =	sor.u32 $0x60, s29;
	v8 =	vld.idx.msk [tilespmem:v1+s11+$0x0 ss:$0x1], $0xffff  }
0xca: {  	s30 =	sor.u32 $0x70, s29;
	v15 =	vmul.f32 $1.700000000e+01, v9;
	v9 =	vld.idx.msk [tilespmem:v1+s19+$0x0 ss:$0x1], $0xffff  }
0xcb: {  	s31 =	sor.u32 $0x400, s29;
	v16 =	vmul.f32 $1.700000000e+01, v7;
	v10 =	vld.idx.msk [tilespmem:v1+s30+$0x0 ss:$0x1], $0xffff  }
0xcc: {  	s26 =	sor.u32 $0x410, s29;
	v7 =	vtrunc.f32 v15;
	v20 =	vmul.f32 $1.700000000e+01, v3;
	v11 =	vld.idx.msk [tilespmem:v1+s31+$0x0 ss:$0x1], $0xffff  }
0xcd: {  	s14 =	sor.u32 $0x420, s29;
	v5 =	vmul.f32 $1.700000000e+01, v4;
	v14 =	vtrunc.f32 v16;
	v12 =	vld.idx.msk [tilespmem:v1+s26+$0x0 ss:$0x1], $0xffff  }
0xce: {  	s2 =	sor.u32 $0x430, s29;
	v4 =	vtrunc.f32 v20;
	v21 =	vmul.f32 $1.700000000e+01, v6;
	v6 =	vld.idx.msk [tilespmem:v1+s14+$0x0 ss:$0x1], $0xffff  }
0xcf: {  	s17 =	sor.u32 $0x440, s29;
	v7 =	vcvt.f32.s32 v7;
	v17 =	vtrunc.f32 v5;
	v13 =	vld.idx.msk [tilespmem:v1+s2+$0x0 ss:$0x1], $0xffff  }
0xd0: {  	s28 =	sor.u32 $0x450, s29;
	v3 =	vmul.f32 $1.700000000e+01, v8;
	v18 =	vtrunc.f32 v21;
	v8 =	vld.idx.msk [tilespmem:v1+s17+$0x0 ss:$0x1], $0xffff  }
0xd1: {  	s4 =	sor.u32 $0x460, s29;
	v7 =	vshll.u32 v7, $0x4;
	v19 =	vcvt.f32.s32 v4;
	v34 =	vmul.f32 $1.700000000e+01, v9;
	v9 =	vld.idx.msk [tilespmem:v1+s28+$0x0 ss:$0x1], $0xffff  }
0xd2: {  	s7 =	sor.u32 $0x470, s29;
	v4 =	vor.u32 v0, v7;
	v7 =	vcvt.f32.s32 v17;
	v17 =	vtrunc.f32 v3;
	v33 =	vld.idx.msk [tilespmem:v1+s4+$0x0 ss:$0x1], $0xffff  }
0xd3: {  	s22 =	sor.u32 $0x800, s29;
	v22 =	vshll.u32 v19, $0x4;
	v17 =	vcvt.f32.s32 v17;
	v28 =	vmul.f32 $1.700000000e+01, v11;
	v23 =	vld.idx.msk [tilespmem:v1+s7+$0x0 ss:$0x1], $0xffff  }
0xd4: {  	s24 =	sor.u32 $0x810, s29;
	v7 =	vshll.u32 v7, $0x4;
	v26 =	vmul.f32 $1.700000000e+01, v12;
	v19 =	vmul.f32 $1.700000000e+01, v6;
	v6 =	vld.idx.msk [tilespmem:v1+s22+$0x0 ss:$0x1], $0xffff  }
0xd5: {  	s15 =	sor.u32 $0x820, s29;
	v11 =	vor.u32 v0, v22;
	v12 =	vshll.u32 v17, $0x4;
	v17 =	vtrunc.f32 v28;
	v22 =	vld.idx.msk [tilespmem:v1+s24+$0x0 ss:$0x1], $0xffff  }
0xd6: {  	s3 =	sor.u32 $0x830, s29;
	v31 =	vmul.f32 $1.700000000e+01, v10;
	v25 =	vor.u32 v0, v7;
	v32 =	vmul.f32 $1.700000000e+01, v8;
	v10 =	vld.idx.msk [tilespmem:v1+s15+$0x0 ss:$0x1], $0xffff  }
0xd7: {  	v7 =	vcvt.f32.s32 v18;
	v8 =	vtrunc.f32 v19;
	v18 =	vld.idx.msk [tilespmem:v1+s3+$0x0 ss:$0x1], $0xffff  }
0xd8: {  	v24 =	vtrunc.f32 v31;
	v8 =	vcvt.f32.s32 v8;
	v27 =	vld.idx.msk [tilespmem:v4+s0+$0x0], $0xffff  }
0xd9: {  	s6 =	sor.u32 $0x850, s29;
	v29 =	vtrunc.f32 v34;
	v30 =	vcvt.f32.s32 v24;
	v7 =	vshll.u32 v7, $0x4  }
0xda: {  	s13 =	sor.u32 $0x860, s29;
	v17 =	vcvt.f32.s32 v17;
	v37 =	vor.u32 v0, v7;
	v38 =	vmul.f32 $1.700000000e+01, v6;
	v24 =	vld.idx.msk [tilespmem:v11+s1+$0x0], $0xffff  }
0xdb: {  	s21 =	sor.u32 $0x870, s29;
	v36 =	vshll.u32 v8, $0x4;
	v6 =	vshll.u32 v30, $0x4;
	v39 =	vmul.f32 $1.700000000e+01, v22;
	v22 =	vld.idx.msk [tilespmem:v1+s13+$0x0 ss:$0x1], $0xffff  }
0xdc: {  	v8 =	vor.u32 v0, v12;
	v30 =	vmul.f32 $1.700000000e+01, v9;
	v9 =	vtrunc.f32 v38;
	v40 =	vld.idx.msk [tilespmem:v1+s21+$0x0 ss:$0x1], $0xffff  }
0xdd: {  	v7 =	vor.u32 v0, v6;
	v6 =	vshll.u32 v17, $0x4;
	v9 =	vcvt.f32.s32 v9;
	v35 =	vld.idx.msk [tilespmem:v11+s0+$0x0], $0xffff  }
0xde: {  	v12 =	vtrunc.f32 v26;
	v41 =	vtrunc.f32 v39;
	v11 =	vor.u32 v0, v36;
	v17 =	vld.idx.msk [tilespmem:v25+s0+$0x0], $0xffff  }
0xdf: {  	v6 =	vor.u32 v0, v6;
	v42 =	vshll.u32 v9, $0x4;
	v9 =	vmul.f32 $1.700000000e+01, v18;
	v36 =	vld.idx.msk [tilespmem:v37+s0+$0x0], $0xffff  }
0xe0: {  	v43 =	vcvt.f32.s32 v12;
	v18 =	vcvt.f32.s32 v29;
	v42 =	vor.u32 v0, v42;
	v25 =	vld.idx.msk [tilespmem:v25+s1+$0x0], $0xffff  }
0xe1: {  	v12 =	vmul.f32 $1.700000000e+01, v10;
	v29 =	vld.idx.msk [tilespmem:v37+s1+$0x0], $0xffff;
	v37 =	vcvt.f32.s32 v14  }
0xe2: {  	v10 =	vshll.u32 v43, $0x4;
	v41 =	vcvt.f32.s32 v41;
	v14 =	vmul.f32 $1.700000000e+01, v40;
	v44 =	vld.idx.msk [tilespmem:v7+s0+$0x0], $0xffff  }
0xe3: {  	s18 =	sor.u32 $0xC00, s29;
	v43 =	vtrunc.f32 v9;
	v40 =	vor.u32 v0, v10;
	v10 =	vmul.f32 $1.700000000e+01, v22;
	v45 =	vld.idx.msk [tilespmem:v1+s6+$0x0 ss:$0x1], $0xffff  }
0xe4: {  	v18 =	vshll.u32 v18, $0x4;
	v22 =	vtrunc.f32 v12;
	v46 =	vtrunc.f32 v14;
	v47 =	vld.idx.msk [tilespmem:v1+s18+$0x0 ss:$0x1], $0xffff  }
0xe5: {  	v41 =	vshll.u32 v41, $0x4;
	v48 =	vor.u32 v0, v18;
	v18 =	vcvt.f32.s32 v43;
	v49 =	vld.idx.msk [tilespmem:v42+s0+$0x0], $0xffff  }
0xe6: {  	v37 =	vshll.u32 v37, $0x4;
	v43 =	vtrunc.f32 v10;
	v46 =	vcvt.f32.s32 v46;
	v42 =	vld.idx.msk [tilespmem:v42+s1+$0x0], $0xffff  }
0xe7: {  	v17 =	vmul.f32 v17, v5;
	v18 =	vshll.u32 v18, $0x4;
	v37 =	vor.u32 v0, v37;
	v50 =	vld.idx.msk [tilespmem:v6+s0+$0x0], $0xffff  }
0xe8: {  	v18 =	vor.u32 v0, v18;
	v5 =	vmul.f32 v44, v31;
	v44 =	vshll.u32 v46, $0x4;
	v31 =	vld.idx.msk [tilespmem:v40+s0+$0x0], $0xffff  }
0xe9: {  	v51 =	vtrunc.f32 v32;
	v41 =	vor.u32 v0, v41;
	v43 =	vcvt.f32.s32 v43;
	v46 =	vld.idx.msk [tilespmem:v1+s16+$0x0 ss:$0x1], $0xffff  }
0xea: {  	v17 =	vadd.f32 v17, v25;
	v25 =	vcvt.f32.s32 v51;
	v47 =	vmul.f32 $1.700000000e+01, v47;
	v52 =	vld.idx.msk [tilespmem:v11+s0+$0x0], $0xffff  }
0xeb: {  	v53 =	vtrunc.f32 v30;
	v54 =	vcvt.f32.s32 v22;
	v22 =	vshll.u32 v43, $0x4;
	v51 =	vld.idx.msk [tilespmem:v48+s0+$0x0], $0xffff  }
0xec: {  	v43 =	vcvt.f32.s32 v53;
	v55 =	vtrunc.f32 v47;
	[tilespmem:v2+s20+$0x0 ss:$0x1] =	vst.idx.msk $0xffff, v17;
	v17 =	vshll.u32 v25, $0x4;
	v53 =	vld.idx.msk [tilespmem:v37+s0+$0x0], $0xffff  }
0xed: {  	v25 =	vshll.u32 v54, $0x4;
	v54 =	vcvt.f32.s32 v55;
	v56 =	vor.u32 v0, v17;
	v17 =	vld.idx.msk [tilespmem:v18+s1+$0x0], $0xffff  }
0xee: {  	v43 =	vshll.u32 v43, $0x4;
	v55 =	vmul.f32 v31, v26;
	v26 =	vmul.f32 $1.700000000e+01, v45;
	v57 =	vld.idx.msk [tilespmem:v41+s0+$0x0], $0xffff  }
0xef: {  	v38 =	vmul.f32 v49, v38;
	v31 =	vmul.f32 $1.700000000e+01, v46;
	v46 =	vshll.u32 v54, $0x4;
	v45 =	vld.idx.msk [tilespmem:v48+s1+$0x0], $0xffff  }
0xf0: {  	s20 =	sor.u32 $0xC10, s29;
	v19 =	vmul.f32 v52, v19;
	v48 =	vtrunc.f32 v26;
	v46 =	vor.u32 v0, v46;
	v41 =	vld.idx.msk [tilespmem:v41+s1+$0x0], $0xffff  }
0xf1: {  	v38 =	vadd.f32 v38, v42;
	v49 =	vtrunc.f32 v31;
	v34 =	vmul.f32 v51, v34;
	v42 =	vld.idx.msk [tilespmem:v1+s20+$0x0 ss:$0x1], $0xffff  }
0xf2: {  	v49 =	vcvt.f32.s32 v49;
	v52 =	vmul.f32 v53, v16;
	v51 =	vld.idx.msk [tilespmem:v56+s0+$0x0], $0xffff  }
0xf3: {  	v33 =	vmul.f32 $1.700000000e+01, v33;
	v16 =	vcvt.f32.s32 v48;
	v53 =	vld.idx.msk [tilespmem:v56+s1+$0x0], $0xffff;
	[tilespmem:v2+s22+$0x0 ss:$0x1] =	vst.idx.msk $0xffff, v38;
	s22 =	sor.u32 $0xC20, s29  }
0xf4: {  	v43 =	vor.u32 v0, v43;
	v38 =	vshll.u32 v49, $0x4;
	v39 =	vmul.f32 v57, v39;
	v48 =	vld.idx.msk [tilespmem:v1+s22+$0x0 ss:$0x1], $0xffff  }
0xf5: {  	v38 =	vor.u32 v0, v38;
	v34 =	vadd.f32 v34, v45;
	v45 =	vtrunc.f32 v33;
	v49 =	vld.idx.msk [tilespmem:v46+s0+$0x0], $0xffff  }
0xf6: {  	s25 =	sor.u32 $0xC30, s29;
	v45 =	vcvt.f32.s32 v45;
	v39 =	vadd.f32 v39, v41;
	v41 =	vshll.u32 v16, $0x4;
	v46 =	vld.idx.msk [tilespmem:v46+s1+$0x0], $0xffff  }
0xf7: {  	v16 =	vmul.f32 v50, v28;
	[tilespmem:v2+s19+$0x0 ss:$0x1] =	vst.idx.msk $0xffff, v34;
	v34 =	vmul.f32 $1.700000000e+01, v42;
	v42 =	vld.idx.msk [tilespmem:v1+s25+$0x0 ss:$0x1], $0xffff  }
0xf8: {  	v28 =	vor.u32 v0, v44;
	v32 =	vmul.f32 v51, v32;
	v45 =	vshll.u32 v45, $0x4;
	v37 =	vld.idx.msk [tilespmem:v37+s1+$0x0], $0xffff  }
0xf9: {  	v45 =	vor.u32 v0, v45;
	v44 =	vld.idx.msk [tilespmem:v43+s0+$0x0], $0xffff;
	[tilespmem:v2+s24+$0x0 ss:$0x1] =	vst.idx.msk $0xffff, v39;
	v39 =	vtrunc.f32 v34  }
0xfa: {  	v32 =	vadd.f32 v32, v53;
	v48 =	vmul.f32 $1.700000000e+01, v48;
	v50 =	vld.idx.msk [tilespmem:v38+s1+$0x0], $0xffff;
	v39 =	vcvt.f32.s32 v39  }
0xfb: {  	v35 =	vmul.f32 v35, v20;
	s19 =	sor.u32 $0xC40, s29;
	v47 =	vmul.f32 v49, v47;
	v40 =	vld.idx.msk [tilespmem:v40+s1+$0x0], $0xffff  }
0xfc: {  	v21 =	vmul.f32 v36, v21;
	v36 =	vtrunc.f32 v48;
	[tilespmem:v2+s17+$0x0 ss:$0x1] =	vst.idx.msk $0xffff, v32;
	v32 =	vshll.u32 v39, $0x4;
	v39 =	vld.idx.msk [tilespmem:v1+s19+$0x0 ss:$0x1], $0xffff  }
0xfd: {  	v36 =	vcvt.f32.s32 v36;
	v42 =	vmul.f32 $1.700000000e+01, v42;
	v20 =	vld.idx.msk [tilespmem:v28+s1+$0x0], $0xffff;
	v32 =	vor.u32 v0, v32  }
0xfe: {  	v15 =	vmul.f32 v27, v15;
	v46 =	vadd.f32 v47, v46;
	s17 =	sor.u32 $0xC50, s29;
	v37 =	vadd.f32 v52, v37;
	v27 =	vld.idx.msk [tilespmem:v45+s1+$0x0], $0xffff  }
0xff: {  	v30 =	vmul.f32 v44, v30;
	v36 =	vshll.u32 v36, $0x4;
	v44 =	vtrunc.f32 v42;
	v47 =	vld.idx.msk [tilespmem:v1+s17+$0x0 ss:$0x1], $0xffff  }
0x100: {  	v23 =	vmul.f32 $1.700000000e+01, v23;
	v36 =	vor.u32 v0, v36;
	v43 =	vld.idx.msk [tilespmem:v43+s1+$0x0], $0xffff;
	[tilespmem:v2+s12+$0x0 ss:$0x1] =	vst.idx.msk $0xffff, v37;
	v37 =	vcvt.f32.s32 v44  }
0x101: {  	v24 =	vadd.f32 v35, v24;
	v35 =	vadd.f32 v55, v40;
	v40 =	vld.idx.msk [tilespmem:v45+s0+$0x0], $0xffff;
	[tilespmem:v2+s18+$0x0 ss:$0x1] =	vst.idx.msk $0xffff, v46  }
0x102: {  	v44 =	vtrunc.f32 v23;
	s12 =	sor.u32 $0xC60, s29;
	v39 =	vmul.f32 $1.700000000e+01, v39;
	v45 =	vld.idx.msk [tilespmem:v32+s0+$0x0], $0xffff;
	v37 =	vshll.u32 v37, $0x4  }
0x103: {  	[tilespmem:v2+s26+$0x0 ss:$0x1] =	vst.idx.msk $0xffff, v35;
	v35 =	vcvt.f32.s32 v44;
	v37 =	vor.u32 v0, v37;
	v44 =	vld.idx.msk [tilespmem:v1+s12+$0x0 ss:$0x1], $0xffff  }
0x104: {  	v21 =	vadd.f32 v21, v29;
	v29 =	vtrunc.f32 v39;
	[tilespmem:v2+s23+$0x0 ss:$0x1] =	vst.idx.msk $0xffff, v24;
	v24 =	vld.idx.msk [tilespmem:v32+s1+$0x0], $0xffff  }
0x105: {  	v29 =	vcvt.f32.s32 v29;
	v46 =	vmul.f32 $1.700000000e+01, v47;
	v32 =	vshll.u32 v35, $0x4;
	v35 =	vld.idx.msk [tilespmem:v36+s0+$0x0], $0xffff  }
0x106: {  	v13 =	vmul.f32 $1.700000000e+01, v13;
	s18 =	sor.u32 $0xC70, s29;
	v30 =	vadd.f32 v30, v43;
	v32 =	vor.u32 v0, v32;
	v36 =	vld.idx.msk [tilespmem:v36+s1+$0x0], $0xffff  }
0x107: {  	v29 =	vshll.u32 v29, $0x4;
	[tilespmem:v2+s5+$0x0 ss:$0x1] =	vst.idx.msk $0xffff, v21;
	v21 =	vmul.f32 v40, v33;
	v33 =	vtrunc.f32 v46;
	v40 =	vld.idx.msk [tilespmem:v1+s18+$0x0 ss:$0x1], $0xffff  }
0x108: {  	v34 =	vmul.f32 v45, v34;
	v29 =	vor.u32 v0, v29;
	v43 =	vld.idx.msk [tilespmem:v37+s0+$0x0], $0xffff;
	v33 =	vcvt.f32.s32 v33  }
0x109: {  	v45 =	vtrunc.f32 v13;
	[tilespmem:v2+s28+$0x0 ss:$0x1] =	vst.idx.msk $0xffff, v30;
	v30 =	vor.u32 v0, v41;
	v37 =	vld.idx.msk [tilespmem:v37+s1+$0x0], $0xffff;
	v41 =	vmul.f32 $1.700000000e+01, v44  }
0x10a: {  	v44 =	vcvt.f32.s32 v45;
	v24 =	vadd.f32 v34, v24;
	v38 =	vld.idx.msk [tilespmem:v38+s0+$0x0], $0xffff;
	v33 =	vshll.u32 v33, $0x4  }
0x10b: {  	v35 =	vmul.f32 v35, v48;
	v34 =	vld.idx.msk [tilespmem:v32+s0+$0x0], $0xffff;
	v33 =	vor.u32 v0, v33;
	v45 =	vtrunc.f32 v41  }
0x10c: {  	v21 =	vadd.f32 v21, v27;
	v44 =	vshll.u32 v44, $0x4;
	v27 =	vld.idx.msk [tilespmem:v32+s1+$0x0], $0xffff;
	[tilespmem:v2+s20+$0x0 ss:$0x1] =	vst.idx.msk $0xffff, v24;
	v24 =	vcvt.f32.s32 v45  }
0x10d: {  	v32 =	vor.u32 v0, v44;
	v35 =	vadd.f32 v35, v36;
	v40 =	vmul.f32 $1.700000000e+01, v40;
	v36 =	vld.idx.msk [tilespmem:v29+s0+$0x0], $0xffff  }
0x10e: {  	[tilespmem:v2+s4+$0x0 ss:$0x1] =	vst.idx.msk $0xffff, v21;
	v21 =	vmul.f32 v43, v42;
	v29 =	vld.idx.msk [tilespmem:v29+s1+$0x0], $0xffff;
	v24 =	vshll.u32 v24, $0x4  }
0x10f: {  	v42 =	vld.idx.msk [tilespmem:v30+s0+$0x0], $0xffff;
	[tilespmem:v2+s22+$0x0 ss:$0x1] =	vst.idx.msk $0xffff, v35;
	v24 =	vor.u32 v0, v24;
	v35 =	vtrunc.f32 v40  }
0x110: {  	v31 =	vmul.f32 v38, v31;
	v21 =	vadd.f32 v21, v37;
	v37 =	vld.idx.msk [tilespmem:v33+s0+$0x0], $0xffff;
	v35 =	vcvt.f32.s32 v35  }
0x111: {  	v23 =	vmul.f32 v34, v23;
	v33 =	vld.idx.msk [tilespmem:v33+s1+$0x0], $0xffff  }
0x112: {  	v31 =	vadd.f32 v31, v50;
	v34 =	vld.idx.msk [tilespmem:v32+s0+$0x0], $0xffff;
	[tilespmem:v2+s25+$0x0 ss:$0x1] =	vst.idx.msk $0xffff, v21;
	v21 =	vshll.u32 v35, $0x4  }
0x113: {  	v23 =	vadd.f32 v23, v27;
	v27 =	vld.idx.msk [tilespmem:v28+s0+$0x0], $0xffff;
	v28 =	vmul.f32 v36, v39;
	v21 =	vor.u32 v0, v21  }
0x114: {  	v25 =	vor.u32 v0, v25;
	[tilespmem:v2+s16+$0x0 ss:$0x1] =	vst.idx.msk $0xffff, v31;
	v31 =	vld.idx.msk [tilespmem:v24+s0+$0x0], $0xffff  }
0x115: {  	[tilespmem:v2+s7+$0x0 ss:$0x1] =	vst.idx.msk $0xffff, v23;
	v23 =	vmul.f32 v42, v26;
	v26 =	vadd.f32 v28, v29;
	v24 =	vld.idx.msk [tilespmem:v24+s1+$0x0], $0xffff  }
0x116: {  	v29 =	vmul.f32 v37, v46;
	v28 =	vld.idx.msk [tilespmem:v32+s1+$0x0], $0xffff  }
0x117: {  	v30 =	vld.idx.msk [tilespmem:v30+s1+$0x0], $0xffff;
	[tilespmem:v2+s19+$0x0 ss:$0x1] =	vst.idx.msk $0xffff, v26  }
0x118: {  	v26 =	vadd.f32 v29, v33;
	v29 =	vld.idx.msk [tilespmem:v21+s0+$0x0], $0xffff  }
0x119: {  	v14 =	vmul.f32 v27, v14;
	v21 =	vld.idx.msk [tilespmem:v21+s1+$0x0], $0xffff  }
0x11a: {  	v13 =	vmul.f32 v34, v13;
	v27 =	vld.idx.msk [tilespmem:v25+s0+$0x0], $0xffff;
	[tilespmem:v2+s17+$0x0 ss:$0x1] =	vst.idx.msk $0xffff, v26;
	v26 =	vmul.f32 v31, v41  }
0x11b: {  	v22 =	vor.u32 v0, v22;
	v14 =	vadd.f32 v14, v20;
	v18 =	vld.idx.msk [tilespmem:v18+s0+$0x0], $0xffff  }
0x11c: {  	v13 =	vadd.f32 v13, v28;
	v20 =	vld.idx.msk [tilespmem:v8+s0+$0x0], $0xffff;
	v24 =	vadd.f32 v26, v24  }
0x11d: {  	v26 =	vld.idx.msk [tilespmem:v8+s1+$0x0], $0xffff;
	v8 =	vadd.f32 v23, v30;
	[tilespmem:v2+s21+$0x0 ss:$0x1] =	vst.idx.msk $0xffff, v14  }
0x11e: {  	v11 =	vld.idx.msk [tilespmem:v11+s1+$0x0], $0xffff;
	[tilespmem:v2+s2+$0x0 ss:$0x1] =	vst.idx.msk $0xffff, v13;
	v13 =	vmul.f32 v29, v40  }
0x11f: {  	v14 =	vld.idx.msk [tilespmem:v4+s1+$0x0], $0xffff;
	[tilespmem:v2+s12+$0x0 ss:$0x1] =	vst.idx.msk $0xffff, v24  }
0x120: {  	v4 =	vmul.f32 v27, v12;
	[tilespmem:v2+s6+$0x0 ss:$0x1] =	vst.idx.msk $0xffff, v8;
	v12 =	vld.idx.msk [tilespmem:v22+s0+$0x0], $0xffff;
	v13 =	vadd.f32 v13, v21  }
0x121: {  	v9 =	vmul.f32 v18, v9;
	v8 =	vld.idx.msk [tilespmem:v7+s1+$0x0], $0xffff  }
.Ltmp0:
0x122: {  	v18 =	vmul.f32 v20, v3;
	v3 =	vld.idx.msk [tilespmem:v22+s1+$0x0], $0xffff;
	[tilespmem:v2+s18+$0x0 ss:$0x1] =	vst.idx.msk $0xffff, v13;
	(pc) =	sbr.rel @p4 .LBB2_3-.Ltmp0, $4  }
0x123: {  	v13 =	vadd.f32 v9, v17;
	v7 =	vld.idx.msk [tilespmem:v25+s1+$0x0], $0xffff  }
0x124: {  	v17 =	vadd.f32 v18, v26;
	v9 =	vadd.f32 v19, v11;
	v6 =	vld.idx.msk [tilespmem:v6+s1+$0x0], $0xffff  }
0x125: {  	v11 =	vadd.f32 v15, v14;
	[tilespmem:v2+s3+$0x0 ss:$0x1] =	vst.idx.msk $0xffff, v13  }
0x126: {  	s8 =	sadd.s32 $0x80, s8;
	s2 =	smov.u32 s10;
	v10 =	vmul.f32 v12, v10;
	[tilespmem:v2+s11+$0x0 ss:$0x1] =	vst.idx.msk $0xffff, v17  }
0x127: {  	_ =	sdelay $0x3  }
0x128: {  	[tilespmem:v2+s29+$0x0 ss:$0x1] =	vst.idx.msk $0xffff, v11;
	v1 =	vadd.f32 v10, v3  }
0x129: {  	[tilespmem:v2+s14+$0x0 ss:$0x1] =	vst.idx.msk $0xffff, v9;
	s0 =	sld [smem:$0x7FD];
	v3 =	vadd.f32 v4, v7  }
0x12a: {  	v63 =	vadd.f32 v16, v6;
	[tilespmem:v2+s13+$0x0 ss:$0x1] =	vst.idx.msk $0xffff, v1  }
0x12b: {  	v1 =	vadd.f32 v5, v8;
	[tilespmem:v2+s15+$0x0 ss:$0x1] =	vst.idx.msk $0xffff, v3  }
0x12c: {  	p1 =	seq.s32 s0, $0x1;
	[tilespmem:v2+s31+$0x0 ss:$0x1] =	vst.idx.msk $0xffff, v63  }
0x12d: {  	s0 =	rddreg [dreg:$0x15];
	p1 =	por p0, p1;
	[tilespmem:v2+s30+$0x0 ss:$0x1] =	vst.idx.msk $0xffff, v1  }
0x12e: {  	s1 =	rddreg [dreg:$0x16];
	s0 =	sshll.u32 @p1 s0, $0x12;
	_ =	strace $0x9000004F  }
0x12f: {  	s1 =	sshll.u32 @p1 s1, $0xE;
	s28 =	rddreg [dreg:$0x14];
	_ =	strace @p1 $0x80000050  }
0x130: {  	s0 =	sor.u32 @p1 s1, s0;
	s1 =	rddreg [dreg:$0x17]  }
0x131: {  	s2 =	rddreg [dreg:$0x2]  }
0x132: {  	s0 =	sshrl.u32 @p1 s0, $0x3;
	p2 =	sne.s32 s28, $0x0;
	s3 =	rddreg [dreg:$0x18]  }
0x133: {  	s1 =	sadd.s32 @p1 $0x7, s1;
	s0 =	sadd.s32 @p1 s2, s0;
	s2 =	simm.s32 @p1 $0x0  }
0x134: {  	[hbm4b:s0+s2] =	stream.linear.scatter @p1 [tilespmem:s3], [sflag:s1], $0x4000, $0x200038;
	[tilespmem:$0x10600] =	vst v63  }
0x135: {  	p2 =	por !p2, !p3;
	_ =	strace @p1 $0x90000050  }
0x136: {  	p2 =	por !p2, !p2;
	s3 =	rddreg [dreg:$0xc]  }
0x137: {  	s0 =	sand.u32 @p2 $0x1, s3  }
0x138: {  	_ =	strace @p2 $0x80000051;
	s0 =	sadd.s32 @p2 $0x7, s0  }
0x139: {  	_ =	swait.ge @p2 [sflag:s0], $0x4000  }
0x13a: {  	[sflag:s0] =	ssyncset.done @p2 $0x0  }
0x13b: {  	[sflag:s0] =	ssyncadd.s32 @p2 $0xFFFFC000  }
0x13c: {  	s22 =	rddreg [dreg:$0xe];
	_ =	strace @p2 $0x90000051  }
0x13d: {  	s29 =	sld [smem:$0x7FC];
	_ =	sdelay $0x2  }
0x13e: {  	p6 =	seq.s32 s29, $0x1  }
0x13f: {  	s15 =	sadd.s32 $0x1, s28;
	s2 =	simm.s32 $0x1;
	p0 =	por p0, p6  }
0x140: {  	s2 =	simm.s32 @!p0 $0x0;
	p0 =	sne.s32 s15, $0x18  }
.Ltmp1:
0x141: {  	s8 =	smov.u32 s9;
	s1 =	simm.s32 $0x1;
	(pc) =	sbr.rel @p0 .LBB2_2-.Ltmp1, $4  }
0x142: {  	s1 =	simm.s32 @!p1 $0x0;
	s0 =	simm.s32 $0x1;
	s30 =	rddreg [dreg:$0x13]  }
0x143: {  	s22 =	sadd.s32 s1, s22;
	s0 =	simm.s32 @!p2 $0x0;
	s12 =	rddreg [dreg:$0xf]  }
0x144: {  	s3 =	sadd.s32 s0, s3;
	s31 =	rddreg [dreg:$0x11];
	s12 =	sadd.s32 s1, s12  }
0x145: {  	s14 =	sadd.s32 s2, s30;
	s13 =	sadd.s32 s2, s31;
	s2 =	rddreg [dreg:$0xd]  }
0x146: {  	s0 =	sand.u32 $0x1, s3  }
0x147: {  	_ =	strace $0x80000052;
	s0 =	sadd.s32 $0x7, s0  }
0x148: {  	_ =	swait.ge [sflag:s0], $0x4000  }
0x149: {  	s1 =	rddreg [dreg:$0xb]  }
0x14a: {  	s31 =	rddreg [dreg:$0xa];
	s1 =	sadd.s32 $0x1, s1  }
0x14b: {  	p0 =	sne.s32 s1, s31  }
.Ltmp2:
0x14c: {  	_ = 	snop;
	(pc) =	sbr.rel @p0 .LBB2_1-.Ltmp2, $4  }
0x14d: {  	_ = 	snop  }
0x14e: {  	[sflag:s0] =	ssyncset.done $0x0  }
0x14f: {  	[sflag:s0] =	ssyncadd.s32 $0xFFFFC000  }
0x150: {  	_ =	strace $0x90000052  }
0x151: {  	_ =	sfence.sel $0x180000  }
0x152: {  	[bflag:$0x0] =	sbarrier.arrive $0xFFFF  }
0x153: {  	_ =	strace $0x90000047  }
0x154: {  	s0 =	stileid.u32;
	[bflag:$0x2] =	sbarrier.arrive $0xFFFF  }
0x155: {  	p0 =	sne.s32 s0, $0x0;
	s0 =	rddreg [dreg:$0x3]  }
0x156: {  	s0 =	sadd.s32 @!p0 $0x100000, s0  }
0x157: {  	[sflag:s0] =	ssyncadd.tile.s32 @!p0 $0x1;
	_ =	shalt  }
.Lfunc_end2:
_tile_overlayer_lowered:
.L_overlay_start_2:
0x158: {  	(tag) =	ssettag $0x2  }
0x159: {  	s0 =	rddreg [dreg:$0x0];
	s2 =	stileid.u32  }
0x15a: {  	s1 =	rddreg [dreg:$0x1];
	p0 =	sne.s32 s2, $0x0  }
0x15b: {  	s3 =	rddreg [dreg:$0x2];
	[bflag:$0x3] =	sbarrier.arrive $0xFFFF;
	s2 =	simm.s32 @!p0 $0x1C01  }
0x15c: {  	[timem:s3], [sflag:s2] =	dma.local @!p0 [hbm:s0], s1  }
0x15d: {  	s0 =	simm.s32 @!p0 $0x1  }
0x15e: {  	_ =	swait.ge @!p0 [sflag:s0], s1  }
0x15f: {  	s1 =	ssub.s32 @!p0 $0x0, s1;
	[sflag:s0] =	ssyncset.done @!p0 $0x0  }
0x160: {  	[sflag:s0] =	ssyncadd.s32 @!p0 s1  }
0x161: {  	[bflag:$0x3] =	sbarrier.arrive $0xFFFF  }
0x162: {  	_ =	shalt  }

</sc_bundles>
